<compile_context>
chip_gen: v7x
topology: tpu7x:2x2x1
jax: 0.10.2.dev20260603
libtpu: 0.0.44.dev20260713+nightly
codegen_flags: <defaults>
</compile_context>

<pallas_src>
import functools

import jax
import jax.numpy as jnp
from jax import lax
from jax.experimental import pallas as pl
from jax.experimental.pallas import tpu as pltpu
from jax.experimental.pallas import tpu_sc as plsc

N_NODES = 10000
N_EDGES = 160000
D = 256
H = 128

NC = 2
NS = 16
EB = 128
TILE_BLOCKS = 80
GRP = 5
N_GRPS = TILE_BLOCKS // GRP
NSL = 3
TOTAL_BLOCKS = TILE_BLOCKS * NS
E_PAD = TOTAL_BLOCKS * EB
ACC_ROWS = 10016
STRIPE = 632
LAST_INIT = ACC_ROWS - (NS - 1) * STRIPE
LAST_OUT = N_NODES - (NS - 1) * STRIPE
DUMMY_ROW = N_NODES


def _mm_body(x_ref, w_ref, o_ref):
    o_ref[...] = jnp.dot(x_ref[...].astype(jnp.bfloat16),
                         w_ref[...].astype(jnp.bfloat16),
                         preferred_element_type=jnp.float32)


def _matmul_halves(inputs, weight):
    return pl.pallas_call(
        _mm_body,
        grid=(2, 10),
        in_specs=[
            pl.BlockSpec((1000, D), lambda h, i: (i, 0)),
            pl.BlockSpec((D, H), lambda h, i: (0, h)),
        ],
        out_specs=pl.BlockSpec((1000, H), lambda h, i: (h * 10 + i, 0)),
        out_shape=jax.ShapeDtypeStruct((2 * N_NODES, H), jnp.float32),
    )(inputs, weight)


def _sc_body(t2_hbm, idx_hbm, bias_hbm, out_hbm,
             acc, idxv, rpriv, rbuf, gsem, ssem):
    c = lax.axis_index("c")
    s = lax.axis_index("s")
    base = s * STRIPE
    tb = s * TILE_BLOCKS
    coff = c * N_NODES

    def g_start(b, sl):
        pltpu.async_copy(t2_hbm.at[idxv.at[b, 0]],
                         rbuf.at[pl.ds(sl * EB, EB)], gsem)

    def g_wait():
        pltpu.make_async_copy(t2_hbm.at[pl.ds(0, EB)],
                              rbuf.at[pl.ds(0, EB)], gsem).wait()

    def s_start(b, sl):
        for k in range(EB // 16):
            rpriv[sl, pl.ds(k * 16, 16)] = idxv[b, 1, pl.ds(k * 16, 16)]
        pltpu.async_copy(rbuf.at[pl.ds(sl * EB, EB)],
                         acc.at[rpriv.at[sl]], ssem, add=True)

    def s_wait():
        pltpu.make_async_copy(rbuf.at[pl.ds(0, EB)],
                              acc.at[pl.ds(0, EB)], ssem).wait()

    def grp_prologue(gi):
        pltpu.sync_copy(idx_hbm.at[pl.ds(tb + gi * GRP, GRP)], idxv)
        for b in range(GRP):
            for k in range(EB // 16):
                idxv[b, 0, pl.ds(k * 16, 16)] = (
                    idxv[b, 0, pl.ds(k * 16, 16)] + coff)
        g_start(0, 0)
        g_start(1, 1)

    def grp_main():
        for b in range(GRP):
            sl = b % NSL
            g_wait()
            s_start(b, sl)
            if b + 2 < GRP:
                if b >= 1:
                    s_wait()
                g_start(b + 2, (b + 2) % NSL)

    def grp(gi, carry):
        grp_main()
        pltpu.sync_copy(idx_hbm.at[pl.ds(tb + gi * GRP, GRP)], idxv)
        for b in range(GRP):
            for k in range(EB // 16):
                idxv[b, 0, pl.ds(k * 16, 16)] = (
                    idxv[b, 0, pl.ds(k * 16, 16)] + coff)
        s_wait()
        s_wait()
        s_wait()
        g_start(0, 0)
        g_start(1, 1)
        return carry

    grp_prologue(0)

    @pl.when(s < NS - 1)
    def _():
        pltpu.sync_copy(bias_hbm.at[c], acc.at[pl.ds(base, STRIPE)])

    @pl.when(s == NS - 1)
    def _():
        pltpu.sync_copy(bias_hbm.at[c, pl.ds(0, LAST_INIT)],
                        acc.at[pl.ds(base, LAST_INIT)])

    plsc.subcore_barrier()

    lax.fori_loop(1, N_GRPS, grp, None)
    grp_main()
    s_wait()
    s_wait()
    s_wait()

    plsc.subcore_barrier()

    @pl.when(s < NS - 1)
    def _():
        pltpu.sync_copy(acc.at[pl.ds(base, STRIPE)],
                        out_hbm.at[pl.ds(base, STRIPE), pl.ds(c * H, H)])

    @pl.when(s == NS - 1)
    def _():
        pltpu.sync_copy(acc.at[pl.ds(base, LAST_OUT)],
                        out_hbm.at[pl.ds(base, LAST_OUT), pl.ds(c * H, H)])


_sc_scatter = functools.partial(
    pl.kernel,
    out_type=jax.ShapeDtypeStruct((N_NODES, D), jnp.float32),
    mesh=plsc.VectorSubcoreMesh(core_axis_name="c", subcore_axis_name="s",
                                num_cores=NC, num_subcores=NS),
    scratch_types=[
        pltpu.VMEM_SHARED((ACC_ROWS, H), jnp.float32),
        pltpu.VMEM((GRP, 2, EB), jnp.int32),
        pltpu.VMEM((NSL, EB), jnp.int32),
        pltpu.VMEM((NSL * EB, H), jnp.float32),
        pltpu.SemaphoreType.DMA,
        pltpu.SemaphoreType.DMA,
    ],
)(_sc_body)


def kernel(inputs, edge_index, weight, bias):
    row = edge_index[0].astype(jnp.int32)
    col = edge_index[1].astype(jnp.int32)

    rowp = jnp.full((E_PAD,), DUMMY_ROW, jnp.int32).at[:N_EDGES].set(row)
    colp = jnp.zeros((E_PAD,), jnp.int32).at[:N_EDGES].set(col)
    idx = jnp.stack([colp.reshape(TOTAL_BLOCKS, EB),
                     rowp.reshape(TOTAL_BLOCKS, EB)], axis=1)

    t2 = _matmul_halves(inputs, weight)
    biasfill = jnp.broadcast_to(bias.reshape(NC, 1, H), (NC, STRIPE, H))
    return _sc_scatter(t2, idx, biasfill)

# --- scband reference (transcript-rebuilt; emitter-appended) ---
"""Pipeline reference for scband-gcnlayer-25993142075517 (READ-ONLY COPY).

The authoritative reference and input builder live on the scoring server;
editing this copy changes nothing except your own understanding.
"""

import jax, jax.numpy as jnp
import numpy as np

N_NODES = 10000
N_EDGES = 160000
IN_CH = 256
OUT_CH = 256


def setup_inputs(seed: int = 0) -> dict:
    key = jax.random.key(seed)
    k1, k2, k3 = jax.random.split(key, 3)
    inputs = jax.random.normal(k1, (N_NODES, IN_CH), dtype=jnp.float32)
    edge_index = jax.random.randint(k2, (2, N_EDGES), 0, N_NODES, dtype=jnp.int64)
    # xavier-normal-ish weight init
    std = float(np.sqrt(2.0 / (IN_CH + OUT_CH)))
    weight = jax.random.normal(k3, (IN_CH, OUT_CH), dtype=jnp.float32) * std
    bias = jnp.zeros((OUT_CH,), dtype=jnp.float32)
    return {"inputs": inputs, "edge_index": edge_index, "weight": weight, "bias": bias}


def reference(inputs, edge_index, weight, bias):
    # torch_sparse.matmul(adj, inputs, reduce='add'):
    # out[row] += inputs[col] for each edge (row, col)
    row = edge_index[0]
    col = edge_index[1]
    gathered = jnp.take(inputs, col, axis=0)            # gather [E, d]
    agg = jax.ops.segment_sum(gathered, row, num_segments=inputs.shape[0])  # scatter-add
    return jnp.dot(agg, weight) + bias

if __name__ == "__main__":
    import jax
    _d = setup_inputs()
    print(jax.jit(kernel)(*tuple(_d.values())))

</pallas_src>

<mosaic_0001>
#map = affine_map<(d0, d1) -> (0, 0)>
#map1 = affine_map<(d0, d1) -> (0, 0, 0)>
module attributes {stable_mosaic.version = 14 : i64} {
  func.func @_sc_body(%arg0: i32, %arg1: i32, %arg2: memref<20000x128xf32, #tpu.memory_space<hbm>>, %arg3: memref<1280x2x128xi32, #tpu.memory_space<hbm>>, %arg4: memref<2x632x128xf32, #tpu.memory_space<hbm>>, %arg5: memref<10000x256xf32, #tpu.memory_space<hbm>>, %arg6: memref<10016x128xf32, #tpu.memory_space<vmem_shared>>, %arg7: memref<5x2x128xi32, #tpu.memory_space<vmem>>, %arg8: memref<3x128xi32, #tpu.memory_space<vmem>>, %arg9: memref<384x128xf32, #tpu.memory_space<vmem>>, %arg10: memref<!tpu.dma_semaphore, #tpu.memory_space<semaphore_mem>>, %arg11: memref<!tpu.dma_semaphore, #tpu.memory_space<semaphore_mem>>) attributes {dimension_semantics = [#tpu.dimension_semantics<core_parallel>, #tpu.dimension_semantics<subcore_parallel>], iteration_bounds = array<i64: 2, 16>, scalar_prefetch = 0 : i64, scratch_operands = 6 : i64, tpu.core_type = #tpu.core_type<sc_vector_subcore>, window_params = [{transform_indices = #map}, {transform_indices = #map1}, {transform_indices = #map1}, {transform_indices = #map}]} {
    %mul3A = arith.constant 632 : i32
    %mul3A_0 = arith.muli %arg1, %mul3A : i32
    %mul3A_1 = arith.constant 80 : i32
    %mul3A_2 = arith.muli %arg1, %mul3A_1 : i32
    %mul3A_3 = arith.constant 10000 : i32
    %mul3A_4 = arith.muli %arg0, %mul3A_3 : i32
    %add3A = arith.constant 0 : i32
    %add3A_5 = arith.addi %mul3A_2, %add3A : i32
    "tpu.region"() ({
      %run_scoped3A = tpu.sem_alloc : memref<!tpu.dma_semaphore, #tpu.memory_space<semaphore_mem>>
      %dma_start3A_1448 = arith.constant 0 : i32
      %dma_start3A_1449 = arith.constant 0 : i32
      %dma_start3A_1450 = tpu.memref_slice %arg3[%add3A_5, %dma_start3A_1448, %dma_start3A_1449] : memref<1280x2x128xi32, #tpu.memory_space<hbm>> -> memref<5x2x128xi32, #tpu.memory_space<hbm>>
      %dma_start3A_1451 = arith.constant 0 : i32
      %dma_start3A_1452 = arith.constant 0 : i32
      %dma_start3A_1453 = tpu.memref_slice %arg3[%add3A_5, %dma_start3A_1451, %dma_start3A_1452] : memref<1280x2x128xi32, #tpu.memory_space<hbm>> -> memref<5x2x128xi32, #tpu.memory_space<hbm>>
      tpu.enqueue_dma source(%dma_start3A_1453 : memref<5x2x128xi32, #tpu.memory_space<hbm>>) target(%arg7 : memref<5x2x128xi32, #tpu.memory_space<vmem>>) target_semaphore(%run_scoped3A : memref<!tpu.dma_semaphore, #tpu.memory_space<semaphore_mem>>)
      %dma_wait3A_1454 = arith.constant 0 : i32
      %dma_wait3A_1455 = arith.constant 0 : i32
      %dma_wait3A_1456 = tpu.memref_slice %arg3[%add3A_5, %dma_wait3A_1454, %dma_wait3A_1455] : memref<1280x2x128xi32, #tpu.memory_space<hbm>> -> memref<5x2x128xi32, #tpu.memory_space<hbm>>
      %dma_wait3A_1457 = arith.constant 0 : i32
      %dma_wait3A_1458 = arith.constant 0 : i32
      %dma_wait3A_1459 = tpu.memref_slice %arg3[%add3A_5, %dma_wait3A_1457, %dma_wait3A_1458] : memref<1280x2x128xi32, #tpu.memory_space<hbm>> -> memref<5x2x128xi32, #tpu.memory_space<hbm>>
      tpu.wait_dma2 semaphore(%run_scoped3A : memref<!tpu.dma_semaphore, #tpu.memory_space<semaphore_mem>>) src(%dma_wait3A_1459 : memref<5x2x128xi32, #tpu.memory_space<hbm>>) dst(%arg7 : memref<5x2x128xi32, #tpu.memory_space<vmem>>)
      tpu.yield
    }) : () -> ()
    %get3A = arith.constant 0 : i32
    %get3A_6 = arith.constant 0 : i32
    %get3A_7 = arith.index_cast %get3A : i32 to index
    %get3A_8 = arith.index_cast %get3A_6 : i32 to index
    %get3A_9 = arith.constant 0 : index
    %get3A_10 = tpu.vector_load %arg7[%get3A_7, %get3A_8, %get3A_9] {strides = array<i32>} : memref<5x2x128xi32, #tpu.memory_space<vmem>>, vector<1x1x16xi32>,
    %get3A_11 = vector.shape_cast %get3A_10 : vector<1x1x16xi32> to vector<16xi32>
    %add3A_12 = vector.broadcast %mul3A_4 : i32 to vector<16xi32>
    %add3A_13 = arith.addi %get3A_11, %add3A_12 : vector<16xi32>
    %swap3A = arith.constant 0 : i32
    %swap3A_14 = arith.constant 0 : i32
    %swap3A_15 = arith.index_cast %swap3A : i32 to index
    %swap3A_16 = arith.index_cast %swap3A_14 : i32 to index
    %swap3A_17 = arith.constant 0 : index
    %swap3A_18 = tpu.vector_load %arg7[%swap3A_15, %swap3A_16, %swap3A_17] {strides = array<i32>} : memref<5x2x128xi32, #tpu.memory_space<vmem>>, vector<1x1x16xi32>,
    %swap3A_19 = vector.shape_cast %swap3A_18 : vector<1x1x16xi32> to vector<16xi32>
    %swap3A_20 = vector.shape_cast %add3A_13 : vector<16xi32> to vector<1x1x16xi32>
    tpu.vector_store %arg7[%swap3A_15, %swap3A_16, %swap3A_17], %swap3A_20 {strides = array<i32>} : memref<5x2x128xi32, #tpu.memory_space<vmem>>, vector<1x1x16xi32>,
    %get3A_21 = arith.constant 0 : i32
    %get3A_22 = arith.constant 0 : i32
    %get3A_23 = arith.index_cast %get3A_21 : i32 to index
    %get3A_24 = arith.index_cast %get3A_22 : i32 to index
    %get3A_25 = arith.constant 16 : index
    %get3A_26 = tpu.vector_load %arg7[%get3A_23, %get3A_24, %get3A_25] {strides = array<i32>} : memref<5x2x128xi32, #tpu.memory_space<vmem>>, vector<1x1x16xi32>,
    %get3A_27 = vector.shape_cast %get3A_26 : vector<1x1x16xi32> to vector<16xi32>
    %add3A_28 = vector.broadcast %mul3A_4 : i32 to vector<16xi32>
    %add3A_29 = arith.addi %get3A_27, %add3A_28 : vector<16xi32>
    %swap3A_30 = arith.constant 0 : i32
    %swap3A_31 = arith.constant 0 : i32
    %swap3A_32 = arith.index_cast %swap3A_30 : i32 to index
    %swap3A_33 = arith.index_cast %swap3A_31 : i32 to index
    %swap3A_34 = arith.constant 16 : index
    %swap3A_35 = tpu.vector_load %arg7[%swap3A_32, %swap3A_33, %swap3A_34] {strides = array<i32>} : memref<5x2x128xi32, #tpu.memory_space<vmem>>, vector<1x1x16xi32>,
    %swap3A_36 = vector.shape_cast %swap3A_35 : vector<1x1x16xi32> to vector<16xi32>
    %swap3A_37 = vector.shape_cast %add3A_29 : vector<16xi32> to vector<1x1x16xi32>
    tpu.vector_store %arg7[%swap3A_32, %swap3A_33, %swap3A_34], %swap3A_37 {strides = array<i32>} : memref<5x2x128xi32, #tpu.memory_space<vmem>>, vector<1x1x16xi32>,
    %get3A_38 = arith.constant 0 : i32
    %get3A_39 = arith.constant 0 : i32
    %get3A_40 = arith.index_cast %get3A_38 : i32 to index
    %get3A_41 = arith.index_cast %get3A_39 : i32 to index
    %get3A_42 = arith.constant 32 : index
    %get3A_43 = tpu.vector_load %arg7[%get3A_40, %get3A_41, %get3A_42] {strides = array<i32>} : memref<5x2x128xi32, #tpu.memory_space<vmem>>, vector<1x1x16xi32>,
    %get3A_44 = vector.shape_cast %get3A_43 : vector<1x1x16xi32> to vector<16xi32>
    %add3A_45 = vector.broadcast %mul3A_4 : i32 to vector<16xi32>
    %add3A_46 = arith.addi %get3A_44, %add3A_45 : vector<16xi32>
    %swap3A_47 = arith.constant 0 : i32
    %swap3A_48 = arith.constant 0 : i32
    %swap3A_49 = arith.index_cast %swap3A_47 : i32 to index
    %swap3A_50 = arith.index_cast %swap3A_48 : i32 to index
    %swap3A_51 = arith.constant 32 : index
    %swap3A_52 = tpu.vector_load %arg7[%swap3A_49, %swap3A_50, %swap3A_51] {strides = array<i32>} : memref<5x2x128xi32, #tpu.memory_space<vmem>>, vector<1x1x16xi32>,
    %swap3A_53 = vector.shape_cast %swap3A_52 : vector<1x1x16xi32> to vector<16xi32>
    %swap3A_54 = vector.shape_cast %add3A_46 : vector<16xi32> to vector<1x1x16xi32>
    tpu.vector_store %arg7[%swap3A_49, %swap3A_50, %swap3A_51], %swap3A_54 {strides = array<i32>} : memref<5x2x128xi32, #tpu.memory_space<vmem>>, vector<1x1x16xi32>,
    %get3A_55 = arith.constant 0 : i32
    %get3A_56 = arith.constant 0 : i32
    %get3A_57 = arith.index_cast %get3A_55 : i32 to index
    %get3A_58 = arith.index_cast %get3A_56 : i32 to index
    %get3A_59 = arith.constant 48 : index
    %get3A_60 = tpu.vector_load %arg7[%get3A_57, %get3A_58, %get3A_59] {strides = array<i32>} : memref<5x2x128xi32, #tpu.memory_space<vmem>>, vector<1x1x16xi32>,
    %get3A_61 = vector.shape_cast %get3A_60 : vector<1x1x16xi32> to vector<16xi32>
    %add3A_62 = vector.broadcast %mul3A_4 : i32 to vector<16xi32>
    %add3A_63 = arith.addi %get3A_61, %add3A_62 : vector<16xi32>
    %swap3A_64 = arith.constant 0 : i32
    %swap3A_65 = arith.constant 0 : i32
    %swap3A_66 = arith.index_cast %swap3A_64 : i32 to index
    %swap3A_67 = arith.index_cast %swap3A_65 : i32 to index
    %swap3A_68 = arith.constant 48 : index
    %swap3A_69 = tpu.vector_load %arg7[%swap3A_66, %swap3A_67, %swap3A_68] {strides = array<i32>} : memref<5x2x128xi32, #tpu.memory_space<vmem>>, vector<1x1x16xi32>,
    %swap3A_70 = vector.shape_cast %swap3A_69 : vector<1x1x16xi32> to vector<16xi32>
    %swap3A_71 = vector.shape_cast %add3A_63 : vector<16xi32> to vector<1x1x16xi32>
    tpu.vector_store %arg7[%swap3A_66, %swap3A_67, %swap3A_68], %swap3A_71 {strides = array<i32>} : memref<5x2x128xi32, #tpu.memory_space<vmem>>, vector<1x1x16xi32>,
    %get3A_72 = arith.constant 0 : i32
    %get3A_73 = arith.constant 0 : i32
    %get3A_74 = arith.index_cast %get3A_72 : i32 to index
    %get3A_75 = arith.index_cast %get3A_73 : i32 to index
    %get3A_76 = arith.constant 64 : index
    %get3A_77 = tpu.vector_load %arg7[%get3A_74, %get3A_75, %get3A_76] {strides = array<i32>} : memref<5x2x128xi32, #tpu.memory_space<vmem>>, vector<1x1x16xi32>,
    %get3A_78 = vector.shape_cast %get3A_77 : vector<1x1x16xi32> to vector<16xi32>
    %add3A_79 = vector.broadcast %mul3A_4 : i32 to vector<16xi32>
    %add3A_80 = arith.addi %get3A_78, %add3A_79 : vector<16xi32>
    %swap3A_81 = arith.constant 0 : i32
    %swap3A_82 = arith.constant 0 : i32
    %swap3A_83 = arith.index_cast %swap3A_81 : i32 to index
    %swap3A_84 = arith.index_cast %swap3A_82 : i32 to index
    %swap3A_85 = arith.constant 64 : index
    %swap3A_86 = tpu.vector_load %arg7[%swap3A_83, %swap3A_84, %swap3A_85] {strides = array<i32>} : memref<5x2x128xi32, #tpu.memory_space<vmem>>, vector<1x1x16xi32>,
    %swap3A_87 = vector.shape_cast %swap3A_86 : vector<1x1x16xi32> to vector<16xi32>
    %swap3A_88 = vector.shape_cast %add3A_80 : vector<16xi32> to vector<1x1x16xi32>
    tpu.vector_store %arg7[%swap3A_83, %swap3A_84, %swap3A_85], %swap3A_88 {strides = array<i32>} : memref<5x2x128xi32, #tpu.memory_space<vmem>>, vector<1x1x16xi32>,
    %get3A_89 = arith.constant 0 : i32
    %get3A_90 = arith.constant 0 : i32
    %get3A_91 = arith.index_cast %get3A_89 : i32 to index
    %get3A_92 = arith.index_cast %get3A_90 : i32 to index
    %get3A_93 = arith.constant 80 : index
    %get3A_94 = tpu.vector_load %arg7[%get3A_91, %get3A_92, %get3A_93] {strides = array<i32>} : memref<5x2x128xi32, #tpu.memory_space<vmem>>, vector<1x1x16xi32>,
    %get3A_95 = vector.shape_cast %get3A_94 : vector<1x1x16xi32> to vector<16xi32>
    %add3A_96 = vector.broadcast %mul3A_4 : i32 to vector<16xi32>
    %add3A_97 = arith.addi %get3A_95, %add3A_96 : vector<16xi32>
    %swap3A_98 = arith.constant 0 : i32
    %swap3A_99 = arith.constant 0 : i32
    %swap3A_100 = arith.index_cast %swap3A_98 : i32 to index
    %swap3A_101 = arith.index_cast %swap3A_99 : i32 to index
    %swap3A_102 = arith.constant 80 : index
    %swap3A_103 = tpu.vector_load %arg7[%swap3A_100, %swap3A_101, %swap3A_102] {strides = array<i32>} : memref<5x2x128xi32, #tpu.memory_space<vmem>>, vector<1x1x16xi32>,
    %swap3A_104 = vector.shape_cast %swap3A_103 : vector<1x1x16xi32> to vector<16xi32>
    %swap3A_105 = vector.shape_cast %add3A_97 : vector<16xi32> to vector<1x1x16xi32>
    tpu.vector_store %arg7[%swap3A_100, %swap3A_101, %swap3A_102], %swap3A_105 {strides = array<i32>} : memref<5x2x128xi32, #tpu.memory_space<vmem>>, vector<1x1x16xi32>,
    %get3A_106 = arith.constant 0 : i32
    %get3A_107 = arith.constant 0 : i32
    %get3A_108 = arith.index_cast %get3A_106 : i32 to index
    %get3A_109 = arith.index_cast %get3A_107 : i32 to index
    %get3A_110 = arith.constant 96 : index
    %get3A_111 = tpu.vector_load %arg7[%get3A_108, %get3A_109, %get3A_110] {strides = array<i32>} : memref<5x2x128xi32, #tpu.memory_space<vmem>>, vector<1x1x16xi32>,
    %get3A_112 = vector.shape_cast %get3A_111 : vector<1x1x16xi32> to vector<16xi32>
    %add3A_113 = vector.broadcast %mul3A_4 : i32 to vector<16xi32>
    %add3A_114 = arith.addi %get3A_112, %add3A_113 : vector<16xi32>
    %swap3A_115 = arith.constant 0 : i32
    %swap3A_116 = arith.constant 0 : i32
    %swap3A_117 = arith.index_cast %swap3A_115 : i32 to index
    %swap3A_118 = arith.index_cast %swap3A_116 : i32 to index
    %swap3A_119 = arith.constant 96 : index
    %swap3A_120 = tpu.vector_load %arg7[%swap3A_117, %swap3A_118, %swap3A_119] {strides = array<i32>} : memref<5x2x128xi32, #tpu.memory_space<vmem>>, vector<1x1x16xi32>,
    %swap3A_121 = vector.shape_cast %swap3A_120 : vector<1x1x16xi32> to vector<16xi32>
    %swap3A_122 = vector.shape_cast %add3A_114 : vector<16xi32> to vector<1x1x16xi32>
    tpu.vector_store %arg7[%swap3A_117, %swap3A_118, %swap3A_119], %swap3A_122 {strides = array<i32>} : memref<5x2x128xi32, #tpu.memory_space<vmem>>, vector<1x1x16xi32>,
    %get3A_123 = arith.constant 0 : i32
    %get3A_124 = arith.constant 0 : i32
    %get3A_125 = arith.index_cast %get3A_123 : i32 to index
    %get3A_126 = arith.index_cast %get3A_124 : i32 to index
    %get3A_127 = arith.constant 112 : index
    %get3A_128 = tpu.vector_load %arg7[%get3A_125, %get3A_126, %get3A_127] {strides = array<i32>} : memref<5x2x128xi32, #tpu.memory_space<vmem>>, vector<1x1x16xi32>,
    %get3A_129 = vector.shape_cast %get3A_128 : vector<1x1x16xi32> to vector<16xi32>
    %add3A_130 = vector.broadcast %mul3A_4 : i32 to vector<16xi32>
    %add3A_131 = arith.addi %get3A_129, %add3A_130 : vector<16xi32>
    %swap3A_132 = arith.constant 0 : i32
    %swap3A_133 = arith.constant 0 : i32
    %swap3A_134 = arith.index_cast %swap3A_132 : i32 to index
    %swap3A_135 = arith.index_cast %swap3A_133 : i32 to index
    %swap3A_136 = arith.constant 112 : index
    %swap3A_137 = tpu.vector_load %arg7[%swap3A_134, %swap3A_135, %swap3A_136] {strides = array<i32>} : memref<5x2x128xi32, #tpu.memory_space<vmem>>, vector<1x1x16xi32>,
    %swap3A_138 = vector.shape_cast %swap3A_137 : vector<1x1x16xi32> to vector<16xi32>
    %swap3A_139 = vector.shape_cast %add3A_131 : vector<16xi32> to vector<1x1x16xi32>
    tpu.vector_store %arg7[%swap3A_134, %swap3A_135, %swap3A_136], %swap3A_139 {strides = array<i32>} : memref<5x2x128xi32, #tpu.memory_space<vmem>>, vector<1x1x16xi32>,
    %get3A_140 = arith.constant 1 : i32
    %get3A_141 = arith.constant 0 : i32
    %get3A_142 = arith.index_cast %get3A_140 : i32 to index
    %get3A_143 = arith.index_cast %get3A_141 : i32 to index
    %get3A_144 = arith.constant 0 : index
    %get3A_145 = tpu.vector_load %arg7[%get3A_142, %get3A_143, %get3A_144] {strides = array<i32>} : memref<5x2x128xi32, #tpu.memory_space<vmem>>, vector<1x1x16xi32>,
    %get3A_146 = vector.shape_cast %get3A_145 : vector<1x1x16xi32> to vector<16xi32>
    %add3A_147 = vector.broadcast %mul3A_4 : i32 to vector<16xi32>
    %add3A_148 = arith.addi %get3A_146, %add3A_147 : vector<16xi32>
    %swap3A_149 = arith.constant 1 : i32
    %swap3A_150 = arith.constant 0 : i32
    %swap3A_151 = arith.index_cast %swap3A_149 : i32 to index
    %swap3A_152 = arith.index_cast %swap3A_150 : i32 to index
    %swap3A_153 = arith.constant 0 : index
    %swap3A_154 = tpu.vector_load %arg7[%swap3A_151, %swap3A_152, %swap3A_153] {strides = array<i32>} : memref<5x2x128xi32, #tpu.memory_space<vmem>>, vector<1x1x16xi32>,
    %swap3A_155 = vector.shape_cast %swap3A_154 : vector<1x1x16xi32> to vector<16xi32>
    %swap3A_156 = vector.shape_cast %add3A_148 : vector<16xi32> to vector<1x1x16xi32>
    tpu.vector_store %arg7[%swap3A_151, %swap3A_152, %swap3A_153], %swap3A_156 {strides = array<i32>} : memref<5x2x128xi32, #tpu.memory_space<vmem>>, vector<1x1x16xi32>,
    %get3A_157 = arith.constant 1 : i32
    %get3A_158 = arith.constant 0 : i32
    %get3A_159 = arith.index_cast %get3A_157 : i32 to index
    %get3A_160 = arith.index_cast %get3A_158 : i32 to index
    %get3A_161 = arith.constant 16 : index
    %get3A_162 = tpu.vector_load %arg7[%get3A_159, %get3A_160, %get3A_161] {strides = array<i32>} : memref<5x2x128xi32, #tpu.memory_space<vmem>>, vector<1x1x16xi32>,
    %get3A_163 = vector.shape_cast %get3A_162 : vector<1x1x16xi32> to vector<16xi32>
    %add3A_164 = vector.broadcast %mul3A_4 : i32 to vector<16xi32>
    %add3A_165 = arith.addi %get3A_163, %add3A_164 : vector<16xi32>
    %swap3A_166 = arith.constant 1 : i32
    %swap3A_167 = arith.constant 0 : i32
    %swap3A_168 = arith.index_cast %swap3A_166 : i32 to index
    %swap3A_169 = arith.index_cast %swap3A_167 : i32 to index
    %swap3A_170 = arith.constant 16 : index
    %swap3A_171 = tpu.vector_load %arg7[%swap3A_168, %swap3A_169, %swap3A_170] {strides = array<i32>} : memref<5x2x128xi32, #tpu.memory_space<vmem>>, vector<1x1x16xi32>,
    %swap3A_172 = vector.shape_cast %swap3A_171 : vector<1x1x16xi32> to vector<16xi32>
    %swap3A_173 = vector.shape_cast %add3A_165 : vector<16xi32> to vector<1x1x16xi32>
    tpu.vector_store %arg7[%swap3A_168, %swap3A_169, %swap3A_170], %swap3A_173 {strides = array<i32>} : memref<5x2x128xi32, #tpu.memory_space<vmem>>, vector<1x1x16xi32>,
    %get3A_174 = arith.constant 1 : i32
    %get3A_175 = arith.constant 0 : i32
    %get3A_176 = arith.index_cast %get3A_174 : i32 to index
    %get3A_177 = arith.index_cast %get3A_175 : i32 to index
    %get3A_178 = arith.constant 32 : index
    %get3A_179 = tpu.vector_load %arg7[%get3A_176, %get3A_177, %get3A_178] {strides = array<i32>} : memref<5x2x128xi32, #tpu.memory_space<vmem>>, vector<1x1x16xi32>,
    %get3A_180 = vector.shape_cast %get3A_179 : vector<1x1x16xi32> to vector<16xi32>
    %add3A_181 = vector.broadcast %mul3A_4 : i32 to vector<16xi32>
    %add3A_182 = arith.addi %get3A_180, %add3A_181 : vector<16xi32>
    %swap3A_183 = arith.constant 1 : i32
    %swap3A_184 = arith.constant 0 : i32
    %swap3A_185 = arith.index_cast %swap3A_183 : i32 to index
    %swap3A_186 = arith.index_cast %swap3A_184 : i32 to index
    %swap3A_187 = arith.constant 32 : index
    %swap3A_188 = tpu.vector_load %arg7[%swap3A_185, %swap3A_186, %swap3A_187] {strides = array<i32>} : memref<5x2x128xi32, #tpu.memory_space<vmem>>, vector<1x1x16xi32>,
    %swap3A_189 = vector.shape_cast %swap3A_188 : vector<1x1x16xi32> to vector<16xi32>
    %swap3A_190 = vector.shape_cast %add3A_182 : vector<16xi32> to vector<1x1x16xi32>
    tpu.vector_store %arg7[%swap3A_185, %swap3A_186, %swap3A_187], %swap3A_190 {strides = array<i32>} : memref<5x2x128xi32, #tpu.memory_space<vmem>>, vector<1x1x16xi32>,
    %get3A_191 = arith.constant 1 : i32
    %get3A_192 = arith.constant 0 : i32
    %get3A_193 = arith.index_cast %get3A_191 : i32 to index
    %get3A_194 = arith.index_cast %get3A_192 : i32 to index
    %get3A_195 = arith.constant 48 : index
    %get3A_196 = tpu.vector_load %arg7[%get3A_193, %get3A_194, %get3A_195] {strides = array<i32>} : memref<5x2x128xi32, #tpu.memory_space<vmem>>, vector<1x1x16xi32>,
    %get3A_197 = vector.shape_cast %get3A_196 : vector<1x1x16xi32> to vector<16xi32>
    %add3A_198 = vector.broadcast %mul3A_4 : i32 to vector<16xi32>
    %add3A_199 = arith.addi %get3A_197, %add3A_198 : vector<16xi32>
    %swap3A_200 = arith.constant 1 : i32
    %swap3A_201 = arith.constant 0 : i32
    %swap3A_202 = arith.index_cast %swap3A_200 : i32 to index
    %swap3A_203 = arith.index_cast %swap3A_201 : i32 to index
    %swap3A_204 = arith.constant 48 : index
    %swap3A_205 = tpu.vector_load %arg7[%swap3A_202, %swap3A_203, %swap3A_204] {strides = array<i32>} : memref<5x2x128xi32, #tpu.memory_space<vmem>>, vector<1x1x16xi32>,
    %swap3A_206 = vector.shape_cast %swap3A_205 : vector<1x1x16xi32> to vector<16xi32>
    %swap3A_207 = vector.shape_cast %add3A_199 : vector<16xi32> to vector<1x1x16xi32>
    tpu.vector_store %arg7[%swap3A_202, %swap3A_203, %swap3A_204], %swap3A_207 {strides = array<i32>} : memref<5x2x128xi32, #tpu.memory_space<vmem>>, vector<1x1x16xi32>,
    %get3A_208 = arith.constant 1 : i32
    %get3A_209 = arith.constant 0 : i32
    %get3A_210 = arith.index_cast %get3A_208 : i32 to index
    %get3A_211 = arith.index_cast %get3A_209 : i32 to index
    %get3A_212 = arith.constant 64 : index
    %get3A_213 = tpu.vector_load %arg7[%get3A_210, %get3A_211, %get3A_212] {strides = array<i32>} : memref<5x2x128xi32, #tpu.memory_space<vmem>>, vector<1x1x16xi32>,
    %get3A_214 = vector.shape_cast %get3A_213 : vector<1x1x16xi32> to vector<16xi32>
    %add3A_215 = vector.broadcast %mul3A_4 : i32 to vector<16xi32>
    %add3A_216 = arith.addi %get3A_214, %add3A_215 : vector<16xi32>
    %swap3A_217 = arith.constant 1 : i32
    %swap3A_218 = arith.constant 0 : i32
    %swap3A_219 = arith.index_cast %swap3A_217 : i32 to index
    %swap3A_220 = arith.index_cast %swap3A_218 : i32 to index
    %swap3A_221 = arith.constant 64 : index
    %swap3A_222 = tpu.vector_load %arg7[%swap3A_219, %swap3A_220, %swap3A_221] {strides = array<i32>} : memref<5x2x128xi32, #tpu.memory_space<vmem>>, vector<1x1x16xi32>,
    %swap3A_223 = vector.shape_cast %swap3A_222 : vector<1x1x16xi32> to vector<16xi32>
    %swap3A_224 = vector.shape_cast %add3A_216 : vector<16xi32> to vector<1x1x16xi32>
    tpu.vector_store %arg7[%swap3A_219, %swap3A_220, %swap3A_221], %swap3A_224 {strides = array<i32>} : memref<5x2x128xi32, #tpu.memory_space<vmem>>, vector<1x1x16xi32>,
    %get3A_225 = arith.constant 1 : i32
    %get3A_226 = arith.constant 0 : i32
    %get3A_227 = arith.index_cast %get3A_225 : i32 to index
    %get3A_228 = arith.index_cast %get3A_226 : i32 to index
    %get3A_229 = arith.constant 80 : index
    %get3A_230 = tpu.vector_load %arg7[%get3A_227, %get3A_228, %get3A_229] {strides = array<i32>} : memref<5x2x128xi32, #tpu.memory_space<vmem>>, vector<1x1x16xi32>,
    %get3A_231 = vector.shape_cast %get3A_230 : vector<1x1x16xi32> to vector<16xi32>
    %add3A_232 = vector.broadcast %mul3A_4 : i32 to vector<16xi32>
    %add3A_233 = arith.addi %get3A_231, %add3A_232 : vector<16xi32>
    %swap3A_234 = arith.constant 1 : i32
    %swap3A_235 = arith.constant 0 : i32
    %swap3A_236 = arith.index_cast %swap3A_234 : i32 to index
    %swap3A_237 = arith.index_cast %swap3A_235 : i32 to index
    %swap3A_238 = arith.constant 80 : index
    %swap3A_239 = tpu.vector_load %arg7[%swap3A_236, %swap3A_237, %swap3A_238] {strides = array<i32>} : memref<5x2x128xi32, #tpu.memory_space<vmem>>, vector<1x1x16xi32>,
    %swap3A_240 = vector.shape_cast %swap3A_239 : vector<1x1x16xi32> to vector<16xi32>
    %swap3A_241 = vector.shape_cast %add3A_233 : vector<16xi32> to vector<1x1x16xi32>
    tpu.vector_store %arg7[%swap3A_236, %swap3A_237, %swap3A_238], %swap3A_241 {strides = array<i32>} : memref<5x2x128xi32, #tpu.memory_space<vmem>>, vector<1x1x16xi32>,
    %get3A_242 = arith.constant 1 : i32
    %get3A_243 = arith.constant 0 : i32
    %get3A_244 = arith.index_cast %get3A_242 : i32 to index
    %get3A_245 = arith.index_cast %get3A_243 : i32 to index
    %get3A_246 = arith.constant 96 : index
    %get3A_247 = tpu.vector_load %arg7[%get3A_244, %get3A_245, %get3A_246] {strides = array<i32>} : memref<5x2x128xi32, #tpu.memory_space<vmem>>, vector<1x1x16xi32>,
    %get3A_248 = vector.shape_cast %get3A_247 : vector<1x1x16xi32> to vector<16xi32>
    %add3A_249 = vector.broadcast %mul3A_4 : i32 to vector<16xi32>
    %add3A_250 = arith.addi %get3A_248, %add3A_249 : vector<16xi32>
    %swap3A_251 = arith.constant 1 : i32
    %swap3A_252 = arith.constant 0 : i32
    %swap3A_253 = arith.index_cast %swap3A_251 : i32 to index
    %swap3A_254 = arith.index_cast %swap3A_252 : i32 to index
    %swap3A_255 = arith.constant 96 : index
    %swap3A_256 = tpu.vector_load %arg7[%swap3A_253, %swap3A_254, %swap3A_255] {strides = array<i32>} : memref<5x2x128xi32, #tpu.memory_space<vmem>>, vector<1x1x16xi32>,
    %swap3A_257 = vector.shape_cast %swap3A_256 : vector<1x1x16xi32> to vector<16xi32>
    %swap3A_258 = vector.shape_cast %add3A_250 : vector<16xi32> to vector<1x1x16xi32>
    tpu.vector_store %arg7[%swap3A_253, %swap3A_254, %swap3A_255], %swap3A_258 {strides = array<i32>} : memref<5x2x128xi32, #tpu.memory_space<vmem>>, vector<1x1x16xi32>,
    %get3A_259 = arith.constant 1 : i32
    %get3A_260 = arith.constant 0 : i32
    %get3A_261 = arith.index_cast %get3A_259 : i32 to index
    %get3A_262 = arith.index_cast %get3A_260 : i32 to index
    %get3A_263 = arith.constant 112 : index
    %get3A_264 = tpu.vector_load %arg7[%get3A_261, %get3A_262, %get3A_263] {strides = array<i32>} : memref<5x2x128xi32, #tpu.memory_space<vmem>>, vector<1x1x16xi32>,
    %get3A_265 = vector.shape_cast %get3A_264 : vector<1x1x16xi32> to vector<16xi32>
    %add3A_266 = vector.broadcast %mul3A_4 : i32 to vector<16xi32>
    %add3A_267 = arith.addi %get3A_265, %add3A_266 : vector<16xi32>
    %swap3A_268 = arith.constant 1 : i32
    %swap3A_269 = arith.constant 0 : i32
    %swap3A_270 = arith.index_cast %swap3A_268 : i32 to index
    %swap3A_271 = arith.index_cast %swap3A_269 : i32 to index
    %swap3A_272 = arith.constant 112 : index
    %swap3A_273 = tpu.vector_load %arg7[%swap3A_270, %swap3A_271, %swap3A_272] {strides = array<i32>} : memref<5x2x128xi32, #tpu.memory_space<vmem>>, vector<1x1x16xi32>,
    %swap3A_274 = vector.shape_cast %swap3A_273 : vector<1x1x16xi32> to vector<16xi32>
    %swap3A_275 = vector.shape_cast %add3A_267 : vector<16xi32> to vector<1x1x16xi32>
    tpu.vector_store %arg7[%swap3A_270, %swap3A_271, %swap3A_272], %swap3A_275 {strides = array<i32>} : memref<5x2x128xi32, #tpu.memory_space<vmem>>, vector<1x1x16xi32>,
    %get3A_276 = arith.constant 2 : i32
    %get3A_277 = arith.constant 0 : i32
    %get3A_278 = arith.index_cast %get3A_276 : i32 to index
    %get3A_279 = arith.index_cast %get3A_277 : i32 to index
    %get3A_280 = arith.constant 0 : index
    %get3A_281 = tpu.vector_load %arg7[%get3A_278, %get3A_279, %get3A_280] {strides = array<i32>} : memref<5x2x128xi32, #tpu.memory_space<vmem>>, vector<1x1x16xi32>,
    %get3A_282 = vector.shape_cast %get3A_281 : vector<1x1x16xi32> to vector<16xi32>
    %add3A_283 = vector.broadcast %mul3A_4 : i32 to vector<16xi32>
    %add3A_284 = arith.addi %get3A_282, %add3A_283 : vector<16xi32>
    %swap3A_285 = arith.constant 2 : i32
    %swap3A_286 = arith.constant 0 : i32
    %swap3A_287 = arith.index_cast %swap3A_285 : i32 to index
    %swap3A_288 = arith.index_cast %swap3A_286 : i32 to index
    %swap3A_289 = arith.constant 0 : index
    %swap3A_290 = tpu.vector_load %arg7[%swap3A_287, %swap3A_288, %swap3A_289] {strides = array<i32>} : memref<5x2x128xi32, #tpu.memory_space<vmem>>, vector<1x1x16xi32>,
    %swap3A_291 = vector.shape_cast %swap3A_290 : vector<1x1x16xi32> to vector<16xi32>
    %swap3A_292 = vector.shape_cast %add3A_284 : vector<16xi32> to vector<1x1x16xi32>
    tpu.vector_store %arg7[%swap3A_287, %swap3A_288, %swap3A_289], %swap3A_292 {strides = array<i32>} : memref<5x2x128xi32, #tpu.memory_space<vmem>>, vector<1x1x16xi32>,
    %get3A_293 = arith.constant 2 : i32
    %get3A_294 = arith.constant 0 : i32
    %get3A_295 = arith.index_cast %get3A_293 : i32 to index
    %get3A_296 = arith.index_cast %get3A_294 : i32 to index
    %get3A_297 = arith.constant 16 : index
    %get3A_298 = tpu.vector_load %arg7[%get3A_295, %get3A_296, %get3A_297] {strides = array<i32>} : memref<5x2x128xi32, #tpu.memory_space<vmem>>, vector<1x1x16xi32>,
    %get3A_299 = vector.shape_cast %get3A_298 : vector<1x1x16xi32> to vector<16xi32>
    %add3A_300 = vector.broadcast %mul3A_4 : i32 to vector<16xi32>
    %add3A_301 = arith.addi %get3A_299, %add3A_300 : vector<16xi32>
    %swap3A_302 = arith.constant 2 : i32
    %swap3A_303 = arith.constant 0 : i32
    %swap3A_304 = arith.index_cast %swap3A_302 : i32 to index
    %swap3A_305 = arith.index_cast %swap3A_303 : i32 to index
    %swap3A_306 = arith.constant 16 : index
    %swap3A_307 = tpu.vector_load %arg7[%swap3A_304, %swap3A_305, %swap3A_306] {strides = array<i32>} : memref<5x2x128xi32, #tpu.memory_space<vmem>>, vector<1x1x16xi32>,
    %swap3A_308 = vector.shape_cast %swap3A_307 : vector<1x1x16xi32> to vector<16xi32>
    %swap3A_309 = vector.shape_cast %add3A_301 : vector<16xi32> to vector<1x1x16xi32>
    tpu.vector_store %arg7[%swap3A_304, %swap3A_305, %swap3A_306], %swap3A_309 {strides = array<i32>} : memref<5x2x128xi32, #tpu.memory_space<vmem>>, vector<1x1x16xi32>,
    %get3A_310 = arith.constant 2 : i32
    %get3A_311 = arith.constant 0 : i32
    %get3A_312 = arith.index_cast %get3A_310 : i32 to index
    %get3A_313 = arith.index_cast %get3A_311 : i32 to index
    %get3A_314 = arith.constant 32 : index
    %get3A_315 = tpu.vector_load %arg7[%get3A_312, %get3A_313, %get3A_314] {strides = array<i32>} : memref<5x2x128xi32, #tpu.memory_space<vmem>>, vector<1x1x16xi32>,
    %get3A_316 = vector.shape_cast %get3A_315 : vector<1x1x16xi32> to vector<16xi32>
    %add3A_317 = vector.broadcast %mul3A_4 : i32 to vector<16xi32>
    %add3A_318 = arith.addi %get3A_316, %add3A_317 : vector<16xi32>
    %swap3A_319 = arith.constant 2 : i32
    %swap3A_320 = arith.constant 0 : i32
    %swap3A_321 = arith.index_cast %swap3A_319 : i32 to index
    %swap3A_322 = arith.index_cast %swap3A_320 : i32 to index
    %swap3A_323 = arith.constant 32 : index
    %swap3A_324 = tpu.vector_load %arg7[%swap3A_321, %swap3A_322, %swap3A_323] {strides = array<i32>} : memref<5x2x128xi32, #tpu.memory_space<vmem>>, vector<1x1x16xi32>,
    %swap3A_325 = vector.shape_cast %swap3A_324 : vector<1x1x16xi32> to vector<16xi32>
    %swap3A_326 = vector.shape_cast %add3A_318 : vector<16xi32> to vector<1x1x16xi32>
    tpu.vector_store %arg7[%swap3A_321, %swap3A_322, %swap3A_323], %swap3A_326 {strides = array<i32>} : memref<5x2x128xi32, #tpu.memory_space<vmem>>, vector<1x1x16xi32>,
    %get3A_327 = arith.constant 2 : i32
    %get3A_328 = arith.constant 0 : i32
    %get3A_329 = arith.index_cast %get3A_327 : i32 to index
    %get3A_330 = arith.index_cast %get3A_328 : i32 to index
    %get3A_331 = arith.constant 48 : index
    %get3A_332 = tpu.vector_load %arg7[%get3A_329, %get3A_330, %get3A_331] {strides = array<i32>} : memref<5x2x128xi32, #tpu.memory_space<vmem>>, vector<1x1x16xi32>,
    %get3A_333 = vector.shape_cast %get3A_332 : vector<1x1x16xi32> to vector<16xi32>
    %add3A_334 = vector.broadcast %mul3A_4 : i32 to vector<16xi32>
    %add3A_335 = arith.addi %get3A_333, %add3A_334 : vector<16xi32>
    %swap3A_336 = arith.constant 2 : i32
    %swap3A_337 = arith.constant 0 : i32
    %swap3A_338 = arith.index_cast %swap3A_336 : i32 to index
    %swap3A_339 = arith.index_cast %swap3A_337 : i32 to index
    %swap3A_340 = arith.constant 48 : index
    %swap3A_341 = tpu.vector_load %arg7[%swap3A_338, %swap3A_339, %swap3A_340] {strides = array<i32>} : memref<5x2x128xi32, #tpu.memory_space<vmem>>, vector<1x1x16xi32>,
    %swap3A_342 = vector.shape_cast %swap3A_341 : vector<1x1x16xi32> to vector<16xi32>
    %swap3A_343 = vector.shape_cast %add3A_335 : vector<16xi32> to vector<1x1x16xi32>
    tpu.vector_store %arg7[%swap3A_338, %swap3A_339, %swap3A_340], %swap3A_343 {strides = array<i32>} : memref<5x2x128xi32, #tpu.memory_space<vmem>>, vector<1x1x16xi32>,
    %get3A_344 = arith.constant 2 : i32
    %get3A_345 = arith.constant 0 : i32
    %get3A_346 = arith.index_cast %get3A_344 : i32 to index
    %get3A_347 = arith.index_cast %get3A_345 : i32 to index
    %get3A_348 = arith.constant 64 : index
    %get3A_349 = tpu.vector_load %arg7[%get3A_346, %get3A_347, %get3A_348] {strides = array<i32>} : memref<5x2x128xi32, #tpu.memory_space<vmem>>, vector<1x1x16xi32>,
    %get3A_350 = vector.shape_cast %get3A_349 : vector<1x1x16xi32> to vector<16xi32>
    %add3A_351 = vector.broadcast %mul3A_4 : i32 to vector<16xi32>
    %add3A_352 = arith.addi %get3A_350, %add3A_351 : vector<16xi32>
    %swap3A_353 = arith.constant 2 : i32
    %swap3A_354 = arith.constant 0 : i32
    %swap3A_355 = arith.index_cast %swap3A_353 : i32 to index
    %swap3A_356 = arith.index_cast %swap3A_354 : i32 to index
    %swap3A_357 = arith.constant 64 : index
    %swap3A_358 = tpu.vector_load %arg7[%swap3A_355, %swap3A_356, %swap3A_357] {strides = array<i32>} : memref<5x2x128xi32, #tpu.memory_space<vmem>>, vector<1x1x16xi32>,
    %swap3A_359 = vector.shape_cast %swap3A_358 : vector<1x1x16xi32> to vector<16xi32>
    %swap3A_360 = vector.shape_cast %add3A_352 : vector<16xi32> to vector<1x1x16xi32>
    tpu.vector_store %arg7[%swap3A_355, %swap3A_356, %swap3A_357], %swap3A_360 {strides = array<i32>} : memref<5x2x128xi32, #tpu.memory_space<vmem>>, vector<1x1x16xi32>,
    %get3A_361 = arith.constant 2 : i32
    %get3A_362 = arith.constant 0 : i32
    %get3A_363 = arith.index_cast %get3A_361 : i32 to index
    %get3A_364 = arith.index_cast %get3A_362 : i32 to index
    %get3A_365 = arith.constant 80 : index
    %get3A_366 = tpu.vector_load %arg7[%get3A_363, %get3A_364, %get3A_365] {strides = array<i32>} : memref<5x2x128xi32, #tpu.memory_space<vmem>>, vector<1x1x16xi32>,
    %get3A_367 = vector.shape_cast %get3A_366 : vector<1x1x16xi32> to vector<16xi32>
    %add3A_368 = vector.broadcast %mul3A_4 : i32 to vector<16xi32>
    %add3A_369 = arith.addi %get3A_367, %add3A_368 : vector<16xi32>
    %swap3A_370 = arith.constant 2 : i32
    %swap3A_371 = arith.constant 0 : i32
    %swap3A_372 = arith.index_cast %swap3A_370 : i32 to index
    %swap3A_373 = arith.index_cast %swap3A_371 : i32 to index
    %swap3A_374 = arith.constant 80 : index
    %swap3A_375 = tpu.vector_load %arg7[%swap3A_372, %swap3A_373, %swap3A_374] {strides = array<i32>} : memref<5x2x128xi32, #tpu.memory_space<vmem>>, vector<1x1x16xi32>,
    %swap3A_376 = vector.shape_cast %swap3A_375 : vector<1x1x16xi32> to vector<16xi32>
    %swap3A_377 = vector.shape_cast %add3A_369 : vector<16xi32> to vector<1x1x16xi32>
    tpu.vector_store %arg7[%swap3A_372, %swap3A_373, %swap3A_374], %swap3A_377 {strides = array<i32>} : memref<5x2x128xi32, #tpu.memory_space<vmem>>, vector<1x1x16xi32>,
    %get3A_378 = arith.constant 2 : i32
    %get3A_379 = arith.constant 0 : i32
    %get3A_380 = arith.index_cast %get3A_378 : i32 to index
    %get3A_381 = arith.index_cast %get3A_379 : i32 to index
    %get3A_382 = arith.constant 96 : index
    %get3A_383 = tpu.vector_load %arg7[%get3A_380, %get3A_381, %get3A_382] {strides = array<i32>} : memref<5x2x128xi32, #tpu.memory_space<vmem>>, vector<1x1x16xi32>,
    %get3A_384 = vector.shape_cast %get3A_383 : vector<1x1x16xi32> to vector<16xi32>
    %add3A_385 = vector.broadcast %mul3A_4 : i32 to vector<16xi32>
    %add3A_386 = arith.addi %get3A_384, %add3A_385 : vector<16xi32>
    %swap3A_387 = arith.constant 2 : i32
    %swap3A_388 = arith.constant 0 : i32
    %swap3A_389 = arith.index_cast %swap3A_387 : i32 to index
    %swap3A_390 = arith.index_cast %swap3A_388 : i32 to index
    %swap3A_391 = arith.constant 96 : index
    %swap3A_392 = tpu.vector_load %arg7[%swap3A_389, %swap3A_390, %swap3A_391] {strides = array<i32>} : memref<5x2x128xi32, #tpu.memory_space<vmem>>, vector<1x1x16xi32>,
    %swap3A_393 = vector.shape_cast %swap3A_392 : vector<1x1x16xi32> to vector<16xi32>
    %swap3A_394 = vector.shape_cast %add3A_386 : vector<16xi32> to vector<1x1x16xi32>
    tpu.vector_store %arg7[%swap3A_389, %swap3A_390, %swap3A_391], %swap3A_394 {strides = array<i32>} : memref<5x2x128xi32, #tpu.memory_space<vmem>>, vector<1x1x16xi32>,
    %get3A_395 = arith.constant 2 : i32
    %get3A_396 = arith.constant 0 : i32
    %get3A_397 = arith.index_cast %get3A_395 : i32 to index
    %get3A_398 = arith.index_cast %get3A_396 : i32 to index
    %get3A_399 = arith.constant 112 : index
    %get3A_400 = tpu.vector_load %arg7[%get3A_397, %get3A_398, %get3A_399] {strides = array<i32>} : memref<5x2x128xi32, #tpu.memory_space<vmem>>, vector<1x1x16xi32>,
    %get3A_401 = vector.shape_cast %get3A_400 : vector<1x1x16xi32> to vector<16xi32>
    %add3A_402 = vector.broadcast %mul3A_4 : i32 to vector<16xi32>
    %add3A_403 = arith.addi %get3A_401, %add3A_402 : vector<16xi32>
    %swap3A_404 = arith.constant 2 : i32
    %swap3A_405 = arith.constant 0 : i32
    %swap3A_406 = arith.index_cast %swap3A_404 : i32 to index
    %swap3A_407 = arith.index_cast %swap3A_405 : i32 to index
    %swap3A_408 = arith.constant 112 : index
    %swap3A_409 = tpu.vector_load %arg7[%swap3A_406, %swap3A_407, %swap3A_408] {strides = array<i32>} : memref<5x2x128xi32, #tpu.memory_space<vmem>>, vector<1x1x16xi32>,
    %swap3A_410 = vector.shape_cast %swap3A_409 : vector<1x1x16xi32> to vector<16xi32>
    %swap3A_411 = vector.shape_cast %add3A_403 : vector<16xi32> to vector<1x1x16xi32>
    tpu.vector_store %arg7[%swap3A_406, %swap3A_407, %swap3A_408], %swap3A_411 {strides = array<i32>} : memref<5x2x128xi32, #tpu.memory_space<vmem>>, vector<1x1x16xi32>,
    %get3A_412 = arith.constant 3 : i32
    %get3A_413 = arith.constant 0 : i32
    %get3A_414 = arith.index_cast %get3A_412 : i32 to index
    %get3A_415 = arith.index_cast %get3A_413 : i32 to index
    %get3A_416 = arith.constant 0 : index
    %get3A_417 = tpu.vector_load %arg7[%get3A_414, %get3A_415, %get3A_416] {strides = array<i32>} : memref<5x2x128xi32, #tpu.memory_space<vmem>>, vector<1x1x16xi32>,
    %get3A_418 = vector.shape_cast %get3A_417 : vector<1x1x16xi32> to vector<16xi32>
    %add3A_419 = vector.broadcast %mul3A_4 : i32 to vector<16xi32>
    %add3A_420 = arith.addi %get3A_418, %add3A_419 : vector<16xi32>
    %swap3A_421 = arith.constant 3 : i32
    %swap3A_422 = arith.constant 0 : i32
    %swap3A_423 = arith.index_cast %swap3A_421 : i32 to index
    %swap3A_424 = arith.index_cast %swap3A_422 : i32 to index
    %swap3A_425 = arith.constant 0 : index
    %swap3A_426 = tpu.vector_load %arg7[%swap3A_423, %swap3A_424, %swap3A_425] {strides = array<i32>} : memref<5x2x128xi32, #tpu.memory_space<vmem>>, vector<1x1x16xi32>,
    %swap3A_427 = vector.shape_cast %swap3A_426 : vector<1x1x16xi32> to vector<16xi32>
    %swap3A_428 = vector.shape_cast %add3A_420 : vector<16xi32> to vector<1x1x16xi32>
    tpu.vector_store %arg7[%swap3A_423, %swap3A_424, %swap3A_425], %swap3A_428 {strides = array<i32>} : memref<5x2x128xi32, #tpu.memory_space<vmem>>, vector<1x1x16xi32>,
    %get3A_429 = arith.constant 3 : i32
    %get3A_430 = arith.constant 0 : i32
    %get3A_431 = arith.index_cast %get3A_429 : i32 to index
    %get3A_432 = arith.index_cast %get3A_430 : i32 to index
    %get3A_433 = arith.constant 16 : index
    %get3A_434 = tpu.vector_load %arg7[%get3A_431, %get3A_432, %get3A_433] {strides = array<i32>} : memref<5x2x128xi32, #tpu.memory_space<vmem>>, vector<1x1x16xi32>,
    %get3A_435 = vector.shape_cast %get3A_434 : vector<1x1x16xi32> to vector<16xi32>
    %add3A_436 = vector.broadcast %mul3A_4 : i32 to vector<16xi32>
    %add3A_437 = arith.addi %get3A_435, %add3A_436 : vector<16xi32>
    %swap3A_438 = arith.constant 3 : i32
    %swap3A_439 = arith.constant 0 : i32
    %swap3A_440 = arith.index_cast %swap3A_438 : i32 to index
    %swap3A_441 = arith.index_cast %swap3A_439 : i32 to index
    %swap3A_442 = arith.constant 16 : index
    %swap3A_443 = tpu.vector_load %arg7[%swap3A_440, %swap3A_441, %swap3A_442] {strides = array<i32>} : memref<5x2x128xi32, #tpu.memory_space<vmem>>, vector<1x1x16xi32>,
    %swap3A_444 = vector.shape_cast %swap3A_443 : vector<1x1x16xi32> to vector<16xi32>
    %swap3A_445 = vector.shape_cast %add3A_437 : vector<16xi32> to vector<1x1x16xi32>
    tpu.vector_store %arg7[%swap3A_440, %swap3A_441, %swap3A_442], %swap3A_445 {strides = array<i32>} : memref<5x2x128xi32, #tpu.memory_space<vmem>>, vector<1x1x16xi32>,
    %get3A_446 = arith.constant 3 : i32
    %get3A_447 = arith.constant 0 : i32
    %get3A_448 = arith.index_cast %get3A_446 : i32 to index
    %get3A_449 = arith.index_cast %get3A_447 : i32 to index
    %get3A_450 = arith.constant 32 : index
    %get3A_451 = tpu.vector_load %arg7[%get3A_448, %get3A_449, %get3A_450] {strides = array<i32>} : memref<5x2x128xi32, #tpu.memory_space<vmem>>, vector<1x1x16xi32>,
    %get3A_452 = vector.shape_cast %get3A_451 : vector<1x1x16xi32> to vector<16xi32>
    %add3A_453 = vector.broadcast %mul3A_4 : i32 to vector<16xi32>
    %add3A_454 = arith.addi %get3A_452, %add3A_453 : vector<16xi32>
    %swap3A_455 = arith.constant 3 : i32
    %swap3A_456 = arith.constant 0 : i32
    %swap3A_457 = arith.index_cast %swap3A_455 : i32 to index
    %swap3A_458 = arith.index_cast %swap3A_456 : i32 to index
    %swap3A_459 = arith.constant 32 : index
    %swap3A_460 = tpu.vector_load %arg7[%swap3A_457, %swap3A_458, %swap3A_459] {strides = array<i32>} : memref<5x2x128xi32, #tpu.memory_space<vmem>>, vector<1x1x16xi32>,
    %swap3A_461 = vector.shape_cast %swap3A_460 : vector<1x1x16xi32> to vector<16xi32>
    %swap3A_462 = vector.shape_cast %add3A_454 : vector<16xi32> to vector<1x1x16xi32>
    tpu.vector_store %arg7[%swap3A_457, %swap3A_458, %swap3A_459], %swap3A_462 {strides = array<i32>} : memref<5x2x128xi32, #tpu.memory_space<vmem>>, vector<1x1x16xi32>,
    %get3A_463 = arith.constant 3 : i32
    %get3A_464 = arith.constant 0 : i32
    %get3A_465 = arith.index_cast %get3A_463 : i32 to index
    %get3A_466 = arith.index_cast %get3A_464 : i32 to index
    %get3A_467 = arith.constant 48 : index
    %get3A_468 = tpu.vector_load %arg7[%get3A_465, %get3A_466, %get3A_467] {strides = array<i32>} : memref<5x2x128xi32, #tpu.memory_space<vmem>>, vector<1x1x16xi32>,
    %get3A_469 = vector.shape_cast %get3A_468 : vector<1x1x16xi32> to vector<16xi32>
    %add3A_470 = vector.broadcast %mul3A_4 : i32 to vector<16xi32>
    %add3A_471 = arith.addi %get3A_469, %add3A_470 : vector<16xi32>
    %swap3A_472 = arith.constant 3 : i32
    %swap3A_473 = arith.constant 0 : i32
    %swap3A_474 = arith.index_cast %swap3A_472 : i32 to index
    %swap3A_475 = arith.index_cast %swap3A_473 : i32 to index
    %swap3A_476 = arith.constant 48 : index
    %swap3A_477 = tpu.vector_load %arg7[%swap3A_474, %swap3A_475, %swap3A_476] {strides = array<i32>} : memref<5x2x128xi32, #tpu.memory_space<vmem>>, vector<1x1x16xi32>,
    %swap3A_478 = vector.shape_cast %swap3A_477 : vector<1x1x16xi32> to vector<16xi32>
    %swap3A_479 = vector.shape_cast %add3A_471 : vector<16xi32> to vector<1x1x16xi32>
    tpu.vector_store %arg7[%swap3A_474, %swap3A_475, %swap3A_476], %swap3A_479 {strides = array<i32>} : memref<5x2x128xi32, #tpu.memory_space<vmem>>, vector<1x1x16xi32>,
    %get3A_480 = arith.constant 3 : i32
    %get3A_481 = arith.constant 0 : i32
    %get3A_482 = arith.index_cast %get3A_480 : i32 to index
    %get3A_483 = arith.index_cast %get3A_481 : i32 to index
    %get3A_484 = arith.constant 64 : index
    %get3A_485 = tpu.vector_load %arg7[%get3A_482, %get3A_483, %get3A_484] {strides = array<i32>} : memref<5x2x128xi32, #tpu.memory_space<vmem>>, vector<1x1x16xi32>,
    %get3A_486 = vector.shape_cast %get3A_485 : vector<1x1x16xi32> to vector<16xi32>
    %add3A_487 = vector.broadcast %mul3A_4 : i32 to vector<16xi32>
    %add3A_488 = arith.addi %get3A_486, %add3A_487 : vector<16xi32>
    %swap3A_489 = arith.constant 3 : i32
    %swap3A_490 = arith.constant 0 : i32
    %swap3A_491 = arith.index_cast %swap3A_489 : i32 to index
    %swap3A_492 = arith.index_cast %swap3A_490 : i32 to index
    %swap3A_493 = arith.constant 64 : index
    %swap3A_494 = tpu.vector_load %arg7[%swap3A_491, %swap3A_492, %swap3A_493] {strides = array<i32>} : memref<5x2x128xi32, #tpu.memory_space<vmem>>, vector<1x1x16xi32>,
    %swap3A_495 = vector.shape_cast %swap3A_494 : vector<1x1x16xi32> to vector<16xi32>
    %swap3A_496 = vector.shape_cast %add3A_488 : vector<16xi32> to vector<1x1x16xi32>
    tpu.vector_store %arg7[%swap3A_491, %swap3A_492, %swap3A_493], %swap3A_496 {strides = array<i32>} : memref<5x2x128xi32, #tpu.memory_space<vmem>>, vector<1x1x16xi32>,
    %get3A_497 = arith.constant 3 : i32
    %get3A_498 = arith.constant 0 : i32
    %get3A_499 = arith.index_cast %get3A_497 : i32 to index
    %get3A_500 = arith.index_cast %get3A_498 : i32 to index
    %get3A_501 = arith.constant 80 : index
    %get3A_502 = tpu.vector_load %arg7[%get3A_499, %get3A_500, %get3A_501] {strides = array<i32>} : memref<5x2x128xi32, #tpu.memory_space<vmem>>, vector<1x1x16xi32>,
    %get3A_503 = vector.shape_cast %get3A_502 : vector<1x1x16xi32> to vector<16xi32>
    %add3A_504 = vector.broadcast %mul3A_4 : i32 to vector<16xi32>
    %add3A_505 = arith.addi %get3A_503, %add3A_504 : vector<16xi32>
    %swap3A_506 = arith.constant 3 : i32
    %swap3A_507 = arith.constant 0 : i32
    %swap3A_508 = arith.index_cast %swap3A_506 : i32 to index
    %swap3A_509 = arith.index_cast %swap3A_507 : i32 to index
    %swap3A_510 = arith.constant 80 : index
    %swap3A_511 = tpu.vector_load %arg7[%swap3A_508, %swap3A_509, %swap3A_510] {strides = array<i32>} : memref<5x2x128xi32, #tpu.memory_space<vmem>>, vector<1x1x16xi32>,
    %swap3A_512 = vector.shape_cast %swap3A_511 : vector<1x1x16xi32> to vector<16xi32>
    %swap3A_513 = vector.shape_cast %add3A_505 : vector<16xi32> to vector<1x1x16xi32>
    tpu.vector_store %arg7[%swap3A_508, %swap3A_509, %swap3A_510], %swap3A_513 {strides = array<i32>} : memref<5x2x128xi32, #tpu.memory_space<vmem>>, vector<1x1x16xi32>,
    %get3A_514 = arith.constant 3 : i32
    %get3A_515 = arith.constant 0 : i32
    %get3A_516 = arith.index_cast %get3A_514 : i32 to index
    %get3A_517 = arith.index_cast %get3A_515 : i32 to index
    %get3A_518 = arith.constant 96 : index
    %get3A_519 = tpu.vector_load %arg7[%get3A_516, %get3A_517, %get3A_518] {strides = array<i32>} : memref<5x2x128xi32, #tpu.memory_space<vmem>>, vector<1x1x16xi32>,
    %get3A_520 = vector.shape_cast %get3A_519 : vector<1x1x16xi32> to vector<16xi32>
    %add3A_521 = vector.broadcast %mul3A_4 : i32 to vector<16xi32>
    %add3A_522 = arith.addi %get3A_520, %add3A_521 : vector<16xi32>
    %swap3A_523 = arith.constant 3 : i32
    %swap3A_524 = arith.constant 0 : i32
    %swap3A_525 = arith.index_cast %swap3A_523 : i32 to index
    %swap3A_526 = arith.index_cast %swap3A_524 : i32 to index
    %swap3A_527 = arith.constant 96 : index
    %swap3A_528 = tpu.vector_load %arg7[%swap3A_525, %swap3A_526, %swap3A_527] {strides = array<i32>} : memref<5x2x128xi32, #tpu.memory_space<vmem>>, vector<1x1x16xi32>,
    %swap3A_529 = vector.shape_cast %swap3A_528 : vector<1x1x16xi32> to vector<16xi32>
    %swap3A_530 = vector.shape_cast %add3A_522 : vector<16xi32> to vector<1x1x16xi32>
    tpu.vector_store %arg7[%swap3A_525, %swap3A_526, %swap3A_527], %swap3A_530 {strides = array<i32>} : memref<5x2x128xi32, #tpu.memory_space<vmem>>, vector<1x1x16xi32>,
    %get3A_531 = arith.constant 3 : i32
    %get3A_532 = arith.constant 0 : i32
    %get3A_533 = arith.index_cast %get3A_531 : i32 to index
    %get3A_534 = arith.index_cast %get3A_532 : i32 to index
    %get3A_535 = arith.constant 112 : index
    %get3A_536 = tpu.vector_load %arg7[%get3A_533, %get3A_534, %get3A_535] {strides = array<i32>} : memref<5x2x128xi32, #tpu.memory_space<vmem>>, vector<1x1x16xi32>,
    %get3A_537 = vector.shape_cast %get3A_536 : vector<1x1x16xi32> to vector<16xi32>
    %add3A_538 = vector.broadcast %mul3A_4 : i32 to vector<16xi32>
    %add3A_539 = arith.addi %get3A_537, %add3A_538 : vector<16xi32>
    %swap3A_540 = arith.constant 3 : i32
    %swap3A_541 = arith.constant 0 : i32
    %swap3A_542 = arith.index_cast %swap3A_540 : i32 to index
    %swap3A_543 = arith.index_cast %swap3A_541 : i32 to index
    %swap3A_544 = arith.constant 112 : index
    %swap3A_545 = tpu.vector_load %arg7[%swap3A_542, %swap3A_543, %swap3A_544] {strides = array<i32>} : memref<5x2x128xi32, #tpu.memory_space<vmem>>, vector<1x1x16xi32>,
    %swap3A_546 = vector.shape_cast %swap3A_545 : vector<1x1x16xi32> to vector<16xi32>
    %swap3A_547 = vector.shape_cast %add3A_539 : vector<16xi32> to vector<1x1x16xi32>
    tpu.vector_store %arg7[%swap3A_542, %swap3A_543, %swap3A_544], %swap3A_547 {strides = array<i32>} : memref<5x2x128xi32, #tpu.memory_space<vmem>>, vector<1x1x16xi32>,
    %get3A_548 = arith.constant 4 : i32
    %get3A_549 = arith.constant 0 : i32
    %get3A_550 = arith.index_cast %get3A_548 : i32 to index
    %get3A_551 = arith.index_cast %get3A_549 : i32 to index
    %get3A_552 = arith.constant 0 : index
    %get3A_553 = tpu.vector_load %arg7[%get3A_550, %get3A_551, %get3A_552] {strides = array<i32>} : memref<5x2x128xi32, #tpu.memory_space<vmem>>, vector<1x1x16xi32>,
    %get3A_554 = vector.shape_cast %get3A_553 : vector<1x1x16xi32> to vector<16xi32>
    %add3A_555 = vector.broadcast %mul3A_4 : i32 to vector<16xi32>
    %add3A_556 = arith.addi %get3A_554, %add3A_555 : vector<16xi32>
    %swap3A_557 = arith.constant 4 : i32
    %swap3A_558 = arith.constant 0 : i32
    %swap3A_559 = arith.index_cast %swap3A_557 : i32 to index
    %swap3A_560 = arith.index_cast %swap3A_558 : i32 to index
    %swap3A_561 = arith.constant 0 : index
    %swap3A_562 = tpu.vector_load %arg7[%swap3A_559, %swap3A_560, %swap3A_561] {strides = array<i32>} : memref<5x2x128xi32, #tpu.memory_space<vmem>>, vector<1x1x16xi32>,
    %swap3A_563 = vector.shape_cast %swap3A_562 : vector<1x1x16xi32> to vector<16xi32>
    %swap3A_564 = vector.shape_cast %add3A_556 : vector<16xi32> to vector<1x1x16xi32>
    tpu.vector_store %arg7[%swap3A_559, %swap3A_560, %swap3A_561], %swap3A_564 {strides = array<i32>} : memref<5x2x128xi32, #tpu.memory_space<vmem>>, vector<1x1x16xi32>,
    %get3A_565 = arith.constant 4 : i32
    %get3A_566 = arith.constant 0 : i32
    %get3A_567 = arith.index_cast %get3A_565 : i32 to index
    %get3A_568 = arith.index_cast %get3A_566 : i32 to index
    %get3A_569 = arith.constant 16 : index
    %get3A_570 = tpu.vector_load %arg7[%get3A_567, %get3A_568, %get3A_569] {strides = array<i32>} : memref<5x2x128xi32, #tpu.memory_space<vmem>>, vector<1x1x16xi32>,
    %get3A_571 = vector.shape_cast %get3A_570 : vector<1x1x16xi32> to vector<16xi32>
    %add3A_572 = vector.broadcast %mul3A_4 : i32 to vector<16xi32>
    %add3A_573 = arith.addi %get3A_571, %add3A_572 : vector<16xi32>
    %swap3A_574 = arith.constant 4 : i32
    %swap3A_575 = arith.constant 0 : i32
    %swap3A_576 = arith.index_cast %swap3A_574 : i32 to index
    %swap3A_577 = arith.index_cast %swap3A_575 : i32 to index
    %swap3A_578 = arith.constant 16 : index
    %swap3A_579 = tpu.vector_load %arg7[%swap3A_576, %swap3A_577, %swap3A_578] {strides = array<i32>} : memref<5x2x128xi32, #tpu.memory_space<vmem>>, vector<1x1x16xi32>,
    %swap3A_580 = vector.shape_cast %swap3A_579 : vector<1x1x16xi32> to vector<16xi32>
    %swap3A_581 = vector.shape_cast %add3A_573 : vector<16xi32> to vector<1x1x16xi32>
    tpu.vector_store %arg7[%swap3A_576, %swap3A_577, %swap3A_578], %swap3A_581 {strides = array<i32>} : memref<5x2x128xi32, #tpu.memory_space<vmem>>, vector<1x1x16xi32>,
    %get3A_582 = arith.constant 4 : i32
    %get3A_583 = arith.constant 0 : i32
    %get3A_584 = arith.index_cast %get3A_582 : i32 to index
    %get3A_585 = arith.index_cast %get3A_583 : i32 to index
    %get3A_586 = arith.constant 32 : index
    %get3A_587 = tpu.vector_load %arg7[%get3A_584, %get3A_585, %get3A_586] {strides = array<i32>} : memref<5x2x128xi32, #tpu.memory_space<vmem>>, vector<1x1x16xi32>,
    %get3A_588 = vector.shape_cast %get3A_587 : vector<1x1x16xi32> to vector<16xi32>
    %add3A_589 = vector.broadcast %mul3A_4 : i32 to vector<16xi32>
    %add3A_590 = arith.addi %get3A_588, %add3A_589 : vector<16xi32>
    %swap3A_591 = arith.constant 4 : i32
    %swap3A_592 = arith.constant 0 : i32
    %swap3A_593 = arith.index_cast %swap3A_591 : i32 to index
    %swap3A_594 = arith.index_cast %swap3A_592 : i32 to index
    %swap3A_595 = arith.constant 32 : index
    %swap3A_596 = tpu.vector_load %arg7[%swap3A_593, %swap3A_594, %swap3A_595] {strides = array<i32>} : memref<5x2x128xi32, #tpu.memory_space<vmem>>, vector<1x1x16xi32>,
    %swap3A_597 = vector.shape_cast %swap3A_596 : vector<1x1x16xi32> to vector<16xi32>
    %swap3A_598 = vector.shape_cast %add3A_590 : vector<16xi32> to vector<1x1x16xi32>
    tpu.vector_store %arg7[%swap3A_593, %swap3A_594, %swap3A_595], %swap3A_598 {strides = array<i32>} : memref<5x2x128xi32, #tpu.memory_space<vmem>>, vector<1x1x16xi32>,
    %get3A_599 = arith.constant 4 : i32
    %get3A_600 = arith.constant 0 : i32
    %get3A_601 = arith.index_cast %get3A_599 : i32 to index
    %get3A_602 = arith.index_cast %get3A_600 : i32 to index
    %get3A_603 = arith.constant 48 : index
    %get3A_604 = tpu.vector_load %arg7[%get3A_601, %get3A_602, %get3A_603] {strides = array<i32>} : memref<5x2x128xi32, #tpu.memory_space<vmem>>, vector<1x1x16xi32>,
    %get3A_605 = vector.shape_cast %get3A_604 : vector<1x1x16xi32> to vector<16xi32>
    %add3A_606 = vector.broadcast %mul3A_4 : i32 to vector<16xi32>
    %add3A_607 = arith.addi %get3A_605, %add3A_606 : vector<16xi32>
    %swap3A_608 = arith.constant 4 : i32
    %swap3A_609 = arith.constant 0 : i32
    %swap3A_610 = arith.index_cast %swap3A_608 : i32 to index
    %swap3A_611 = arith.index_cast %swap3A_609 : i32 to index
    %swap3A_612 = arith.constant 48 : index
    %swap3A_613 = tpu.vector_load %arg7[%swap3A_610, %swap3A_611, %swap3A_612] {strides = array<i32>} : memref<5x2x128xi32, #tpu.memory_space<vmem>>, vector<1x1x16xi32>,
    %swap3A_614 = vector.shape_cast %swap3A_613 : vector<1x1x16xi32> to vector<16xi32>
    %swap3A_615 = vector.shape_cast %add3A_607 : vector<16xi32> to vector<1x1x16xi32>
    tpu.vector_store %arg7[%swap3A_610, %swap3A_611, %swap3A_612], %swap3A_615 {strides = array<i32>} : memref<5x2x128xi32, #tpu.memory_space<vmem>>, vector<1x1x16xi32>,
    %get3A_616 = arith.constant 4 : i32
    %get3A_617 = arith.constant 0 : i32
    %get3A_618 = arith.index_cast %get3A_616 : i32 to index
    %get3A_619 = arith.index_cast %get3A_617 : i32 to index
    %get3A_620 = arith.constant 64 : index
    %get3A_621 = tpu.vector_load %arg7[%get3A_618, %get3A_619, %get3A_620] {strides = array<i32>} : memref<5x2x128xi32, #tpu.memory_space<vmem>>, vector<1x1x16xi32>,
    %get3A_622 = vector.shape_cast %get3A_621 : vector<1x1x16xi32> to vector<16xi32>
    %add3A_623 = vector.broadcast %mul3A_4 : i32 to vector<16xi32>
    %add3A_624 = arith.addi %get3A_622, %add3A_623 : vector<16xi32>
    %swap3A_625 = arith.constant 4 : i32
    %swap3A_626 = arith.constant 0 : i32
    %swap3A_627 = arith.index_cast %swap3A_625 : i32 to index
    %swap3A_628 = arith.index_cast %swap3A_626 : i32 to index
    %swap3A_629 = arith.constant 64 : index
    %swap3A_630 = tpu.vector_load %arg7[%swap3A_627, %swap3A_628, %swap3A_629] {strides = array<i32>} : memref<5x2x128xi32, #tpu.memory_space<vmem>>, vector<1x1x16xi32>,
    %swap3A_631 = vector.shape_cast %swap3A_630 : vector<1x1x16xi32> to vector<16xi32>
    %swap3A_632 = vector.shape_cast %add3A_624 : vector<16xi32> to vector<1x1x16xi32>
    tpu.vector_store %arg7[%swap3A_627, %swap3A_628, %swap3A_629], %swap3A_632 {strides = array<i32>} : memref<5x2x128xi32, #tpu.memory_space<vmem>>, vector<1x1x16xi32>,
    %get3A_633 = arith.constant 4 : i32
    %get3A_634 = arith.constant 0 : i32
    %get3A_635 = arith.index_cast %get3A_633 : i32 to index
    %get3A_636 = arith.index_cast %get3A_634 : i32 to index
    %get3A_637 = arith.constant 80 : index
    %get3A_638 = tpu.vector_load %arg7[%get3A_635, %get3A_636, %get3A_637] {strides = array<i32>} : memref<5x2x128xi32, #tpu.memory_space<vmem>>, vector<1x1x16xi32>,
    %get3A_639 = vector.shape_cast %get3A_638 : vector<1x1x16xi32> to vector<16xi32>
    %add3A_640 = vector.broadcast %mul3A_4 : i32 to vector<16xi32>
    %add3A_641 = arith.addi %get3A_639, %add3A_640 : vector<16xi32>
    %swap3A_642 = arith.constant 4 : i32
    %swap3A_643 = arith.constant 0 : i32
    %swap3A_644 = arith.index_cast %swap3A_642 : i32 to index
    %swap3A_645 = arith.index_cast %swap3A_643 : i32 to index
    %swap3A_646 = arith.constant 80 : index
    %swap3A_647 = tpu.vector_load %arg7[%swap3A_644, %swap3A_645, %swap3A_646] {strides = array<i32>} : memref<5x2x128xi32, #tpu.memory_space<vmem>>, vector<1x1x16xi32>,
    %swap3A_648 = vector.shape_cast %swap3A_647 : vector<1x1x16xi32> to vector<16xi32>
    %swap3A_649 = vector.shape_cast %add3A_641 : vector<16xi32> to vector<1x1x16xi32>
    tpu.vector_store %arg7[%swap3A_644, %swap3A_645, %swap3A_646], %swap3A_649 {strides = array<i32>} : memref<5x2x128xi32, #tpu.memory_space<vmem>>, vector<1x1x16xi32>,
    %get3A_650 = arith.constant 4 : i32
    %get3A_651 = arith.constant 0 : i32
    %get3A_652 = arith.index_cast %get3A_650 : i32 to index
    %get3A_653 = arith.index_cast %get3A_651 : i32 to index
    %get3A_654 = arith.constant 96 : index
    %get3A_655 = tpu.vector_load %arg7[%get3A_652, %get3A_653, %get3A_654] {strides = array<i32>} : memref<5x2x128xi32, #tpu.memory_space<vmem>>, vector<1x1x16xi32>,
    %get3A_656 = vector.shape_cast %get3A_655 : vector<1x1x16xi32> to vector<16xi32>
    %add3A_657 = vector.broadcast %mul3A_4 : i32 to vector<16xi32>
    %add3A_658 = arith.addi %get3A_656, %add3A_657 : vector<16xi32>
    %swap3A_659 = arith.constant 4 : i32
    %swap3A_660 = arith.constant 0 : i32
    %swap3A_661 = arith.index_cast %swap3A_659 : i32 to index
    %swap3A_662 = arith.index_cast %swap3A_660 : i32 to index
    %swap3A_663 = arith.constant 96 : index
    %swap3A_664 = tpu.vector_load %arg7[%swap3A_661, %swap3A_662, %swap3A_663] {strides = array<i32>} : memref<5x2x128xi32, #tpu.memory_space<vmem>>, vector<1x1x16xi32>,
    %swap3A_665 = vector.shape_cast %swap3A_664 : vector<1x1x16xi32> to vector<16xi32>
    %swap3A_666 = vector.shape_cast %add3A_658 : vector<16xi32> to vector<1x1x16xi32>
    tpu.vector_store %arg7[%swap3A_661, %swap3A_662, %swap3A_663], %swap3A_666 {strides = array<i32>} : memref<5x2x128xi32, #tpu.memory_space<vmem>>, vector<1x1x16xi32>,
    %get3A_667 = arith.constant 4 : i32
    %get3A_668 = arith.constant 0 : i32
    %get3A_669 = arith.index_cast %get3A_667 : i32 to index
    %get3A_670 = arith.index_cast %get3A_668 : i32 to index
    %get3A_671 = arith.constant 112 : index
    %get3A_672 = tpu.vector_load %arg7[%get3A_669, %get3A_670, %get3A_671] {strides = array<i32>} : memref<5x2x128xi32, #tpu.memory_space<vmem>>, vector<1x1x16xi32>,
    %get3A_673 = vector.shape_cast %get3A_672 : vector<1x1x16xi32> to vector<16xi32>
    %add3A_674 = vector.broadcast %mul3A_4 : i32 to vector<16xi32>
    %add3A_675 = arith.addi %get3A_673, %add3A_674 : vector<16xi32>
    %swap3A_676 = arith.constant 4 : i32
    %swap3A_677 = arith.constant 0 : i32
    %swap3A_678 = arith.index_cast %swap3A_676 : i32 to index
    %swap3A_679 = arith.index_cast %swap3A_677 : i32 to index
    %swap3A_680 = arith.constant 112 : index
    %swap3A_681 = tpu.vector_load %arg7[%swap3A_678, %swap3A_679, %swap3A_680] {strides = array<i32>} : memref<5x2x128xi32, #tpu.memory_space<vmem>>, vector<1x1x16xi32>,
    %swap3A_682 = vector.shape_cast %swap3A_681 : vector<1x1x16xi32> to vector<16xi32>
    %swap3A_683 = vector.shape_cast %add3A_675 : vector<16xi32> to vector<1x1x16xi32>
    tpu.vector_store %arg7[%swap3A_678, %swap3A_679, %swap3A_680], %swap3A_683 {strides = array<i32>} : memref<5x2x128xi32, #tpu.memory_space<vmem>>, vector<1x1x16xi32>,
    %dma_start3A = arith.constant 0 : i32
    %dma_start3A_684 = arith.constant 0 : i32
    %dma_start3A_685 = arith.constant 0 : i32
    %dma_start3A_686 = arith.constant 0 : i32
    %dma_start3A_687 = tpu.memref_slice %arg9[%dma_start3A_685, %dma_start3A_686] : memref<384x128xf32, #tpu.memory_space<vmem>> -> memref<128x128xf32, #tpu.memory_space<vmem>>
    %dma_start3A_688 = arith.constant 0 : i32
    %dma_start3A_689 = tpu.memref_slice %arg7[%dma_start3A, %dma_start3A_684, %dma_start3A_688] : memref<5x2x128xi32, #tpu.memory_space<vmem>> -> memref<1x1x128xi32, #tpu.memory_space<vmem>>
    %dma_start3A_690 = tpu.memref_squeeze %dma_start3A_689 : memref<1x1x128xi32, #tpu.memory_space<vmem>> -> memref<128xi32, #tpu.memory_space<vmem>>
    %dma_start3A_691 = arith.constant 0 : i32
    %dma_start3A_692 = arith.constant 0 : i32
    %dma_start3A_693 = tpu.memref_slice %arg2[%dma_start3A_691, %dma_start3A_692] : memref<20000x128xf32, #tpu.memory_space<hbm>> -> memref<20000x128xf32, #tpu.memory_space<hbm>>
    tpu.enqueue_indirect_dma source(%dma_start3A_693 : memref<20000x128xf32, #tpu.memory_space<hbm>>) target(%dma_start3A_687 : memref<128x128xf32, #tpu.memory_space<vmem>>) offsets(%dma_start3A_690 : memref<128xi32, #tpu.memory_space<vmem>>) semaphore(%arg10 : memref<!tpu.dma_semaphore, #tpu.memory_space<semaphore_mem>>)
    %dma_start3A_694 = arith.constant 1 : i32
    %dma_start3A_695 = arith.constant 0 : i32
    %dma_start3A_696 = arith.constant 128 : i32
    %dma_start3A_697 = arith.constant 0 : i32
    %dma_start3A_698 = tpu.memref_slice %arg9[%dma_start3A_696, %dma_start3A_697] : memref<384x128xf32, #tpu.memory_space<vmem>> -> memref<128x128xf32, #tpu.memory_space<vmem>>
    %dma_start3A_699 = arith.constant 0 : i32
    %dma_start3A_700 = tpu.memref_slice %arg7[%dma_start3A_694, %dma_start3A_695, %dma_start3A_699] : memref<5x2x128xi32, #tpu.memory_space<vmem>> -> memref<1x1x128xi32, #tpu.memory_space<vmem>>
    %dma_start3A_701 = tpu.memref_squeeze %dma_start3A_700 : memref<1x1x128xi32, #tpu.memory_space<vmem>> -> memref<128xi32, #tpu.memory_space<vmem>>
    %dma_start3A_702 = arith.constant 0 : i32
    %dma_start3A_703 = arith.constant 0 : i32
    %dma_start3A_704 = tpu.memref_slice %arg2[%dma_start3A_702, %dma_start3A_703] : memref<20000x128xf32, #tpu.memory_space<hbm>> -> memref<20000x128xf32, #tpu.memory_space<hbm>>
    tpu.enqueue_indirect_dma source(%dma_start3A_704 : memref<20000x128xf32, #tpu.memory_space<hbm>>) target(%dma_start3A_698 : memref<128x128xf32, #tpu.memory_space<vmem>>) offsets(%dma_start3A_701 : memref<128xi32, #tpu.memory_space<vmem>>) semaphore(%arg10 : memref<!tpu.dma_semaphore, #tpu.memory_space<semaphore_mem>>)
    %lt3A = arith.constant 15 : i32
    %lt3A_705 = arith.cmpi slt, %arg1, %lt3A : i32
    %convert_element_type3A = arith.extui %lt3A_705 : i1 to i32
    %cond3A = arith.constant 0 : i32
    %cond3A_706 = arith.cmpi ne, %convert_element_type3A, %cond3A : i32
    scf.if %cond3A_706 {
      "tpu.region"() ({
        %run_scoped3A = tpu.sem_alloc : memref<!tpu.dma_semaphore, #tpu.memory_space<semaphore_mem>>
        %dma_start3A_1448 = arith.constant 0 : i32
        %dma_start3A_1449 = tpu.memref_slice %arg6[%mul3A_0, %dma_start3A_1448] : memref<10016x128xf32, #tpu.memory_space<vmem_shared>> -> memref<632x128xf32, #tpu.memory_space<vmem_shared>>
        %dma_start3A_1450 = arith.constant 0 : i32
        %dma_start3A_1451 = arith.constant 0 : i32
        %dma_start3A_1452 = tpu.memref_slice %arg4[%arg0, %dma_start3A_1450, %dma_start3A_1451] : memref<2x632x128xf32, #tpu.memory_space<hbm>> -> memref<1x632x128xf32, #tpu.memory_space<hbm>>
        %dma_start3A_1453 = tpu.memref_squeeze %dma_start3A_1452 : memref<1x632x128xf32, #tpu.memory_space<hbm>> -> memref<632x128xf32, #tpu.memory_space<hbm>>
        tpu.enqueue_dma source(%dma_start3A_1453 : memref<632x128xf32, #tpu.memory_space<hbm>>) target(%dma_start3A_1449 : memref<632x128xf32, #tpu.memory_space<vmem_shared>>) target_semaphore(%run_scoped3A : memref<!tpu.dma_semaphore, #tpu.memory_space<semaphore_mem>>)
        %dma_wait3A_1454 = arith.constant 0 : i32
        %dma_wait3A_1455 = tpu.memref_slice %arg6[%mul3A_0, %dma_wait3A_1454] : memref<10016x128xf32, #tpu.memory_space<vmem_shared>> -> memref<632x128xf32, #tpu.memory_space<vmem_shared>>
        %dma_wait3A_1456 = arith.constant 0 : i32
        %dma_wait3A_1457 = arith.constant 0 : i32
        %dma_wait3A_1458 = tpu.memref_slice %arg4[%arg0, %dma_wait3A_1456, %dma_wait3A_1457] : memref<2x632x128xf32, #tpu.memory_space<hbm>> -> memref<1x632x128xf32, #tpu.memory_space<hbm>>
        %dma_wait3A_1459 = tpu.memref_squeeze %dma_wait3A_1458 : memref<1x632x128xf32, #tpu.memory_space<hbm>> -> memref<632x128xf32, #tpu.memory_space<hbm>>
        tpu.wait_dma2 semaphore(%run_scoped3A : memref<!tpu.dma_semaphore, #tpu.memory_space<semaphore_mem>>) src(%dma_wait3A_1459 : memref<632x128xf32, #tpu.memory_space<hbm>>) dst(%dma_wait3A_1455 : memref<632x128xf32, #tpu.memory_space<vmem_shared>>)
        tpu.yield
      }) : () -> ()
    } else {
    }
    %eq3A = arith.constant 15 : i32
    %eq3A_707 = arith.cmpi eq, %arg1, %eq3A : i32
    %convert_element_type3A_708 = arith.extui %eq3A_707 : i1 to i32
    %cond3A_709 = arith.constant 0 : i32
    %cond3A_710 = arith.cmpi ne, %convert_element_type3A_708, %cond3A_709 : i32
    scf.if %cond3A_710 {
      "tpu.region"() ({
        %run_scoped3A = tpu.sem_alloc : memref<!tpu.dma_semaphore, #tpu.memory_space<semaphore_mem>>
        %dma_start3A_1448 = arith.constant 0 : i32
        %dma_start3A_1449 = tpu.memref_slice %arg6[%mul3A_0, %dma_start3A_1448] : memref<10016x128xf32, #tpu.memory_space<vmem_shared>> -> memref<536x128xf32, #tpu.memory_space<vmem_shared>>
        %dma_start3A_1450 = arith.constant 0 : i32
        %dma_start3A_1451 = arith.constant 0 : i32
        %dma_start3A_1452 = tpu.memref_slice %arg4[%arg0, %dma_start3A_1450, %dma_start3A_1451] : memref<2x632x128xf32, #tpu.memory_space<hbm>> -> memref<1x536x128xf32, #tpu.memory_space<hbm>>
        %dma_start3A_1453 = tpu.memref_squeeze %dma_start3A_1452 : memref<1x536x128xf32, #tpu.memory_space<hbm>> -> memref<536x128xf32, #tpu.memory_space<hbm>>
        tpu.enqueue_dma source(%dma_start3A_1453 : memref<536x128xf32, #tpu.memory_space<hbm>>) target(%dma_start3A_1449 : memref<536x128xf32, #tpu.memory_space<vmem_shared>>) target_semaphore(%run_scoped3A : memref<!tpu.dma_semaphore, #tpu.memory_space<semaphore_mem>>)
        %dma_wait3A_1454 = arith.constant 0 : i32
        %dma_wait3A_1455 = tpu.memref_slice %arg6[%mul3A_0, %dma_wait3A_1454] : memref<10016x128xf32, #tpu.memory_space<vmem_shared>> -> memref<536x128xf32, #tpu.memory_space<vmem_shared>>
        %dma_wait3A_1456 = arith.constant 0 : i32
        %dma_wait3A_1457 = arith.constant 0 : i32
        %dma_wait3A_1458 = tpu.memref_slice %arg4[%arg0, %dma_wait3A_1456, %dma_wait3A_1457] : memref<2x632x128xf32, #tpu.memory_space<hbm>> -> memref<1x536x128xf32, #tpu.memory_space<hbm>>
        %dma_wait3A_1459 = tpu.memref_squeeze %dma_wait3A_1458 : memref<1x536x128xf32, #tpu.memory_space<hbm>> -> memref<536x128xf32, #tpu.memory_space<hbm>>
        tpu.wait_dma2 semaphore(%run_scoped3A : memref<!tpu.dma_semaphore, #tpu.memory_space<semaphore_mem>>) src(%dma_wait3A_1459 : memref<536x128xf32, #tpu.memory_space<hbm>>) dst(%dma_wait3A_1455 : memref<536x128xf32, #tpu.memory_space<vmem_shared>>)
        tpu.yield
      }) : () -> ()
    } else {
    }
    %barrier3A = arith.constant 0 : index
    tpu.barrier barrier_id(%barrier3A)
    %scan3A = arith.constant 1 : i32
    %scan3A_711 = arith.constant 15 : i32
    %scan3A_712 = arith.addi %scan3A, %scan3A_711 : i32
    %scan3A_713 = arith.constant 1 : i32
    scf.for %scan3A_1448 = %scan3A to %scan3A_712 step %scan3A_713  : i32 {
      %dma_wait3A_1449 = arith.constant 0 : i32
      %dma_wait3A_1450 = arith.constant 0 : i32
      %dma_wait3A_1451 = tpu.memref_slice %arg9[%dma_wait3A_1449, %dma_wait3A_1450] : memref<384x128xf32, #tpu.memory_space<vmem>> -> memref<128x128xf32, #tpu.memory_space<vmem>>
      %dma_wait3A_1452 = arith.constant 0 : i32
      %dma_wait3A_1453 = arith.constant 0 : i32
      %dma_wait3A_1454 = tpu.memref_slice %arg2[%dma_wait3A_1452, %dma_wait3A_1453] : memref<20000x128xf32, #tpu.memory_space<hbm>> -> memref<128x128xf32, #tpu.memory_space<hbm>>
      %dma_wait3A_1455 = arith.constant 0 : i32
      %dma_wait3A_1456 = arith.constant 0 : i32
      %dma_wait3A_1457 = tpu.memref_slice %arg9[%dma_wait3A_1455, %dma_wait3A_1456] : memref<384x128xf32, #tpu.memory_space<vmem>> -> memref<128x128xf32, #tpu.memory_space<vmem>>
      %dma_wait3A_1458 = arith.constant 0 : i32
      %dma_wait3A_1459 = arith.constant 0 : i32
      %dma_wait3A_1460 = tpu.memref_slice %arg2[%dma_wait3A_1458, %dma_wait3A_1459] : memref<20000x128xf32, #tpu.memory_space<hbm>> -> memref<128x128xf32, #tpu.memory_space<hbm>>
      tpu.wait_dma2 semaphore(%arg10 : memref<!tpu.dma_semaphore, #tpu.memory_space<semaphore_mem>>) src(%dma_wait3A_1460 : memref<128x128xf32, #tpu.memory_space<hbm>>) dst(%dma_wait3A_1457 : memref<128x128xf32, #tpu.memory_space<vmem>>)
      %get3A_1461 = arith.constant 0 : i32
      %get3A_1462 = arith.constant 1 : i32
      %get3A_1463 = arith.index_cast %get3A_1461 : i32 to index
      %get3A_1464 = arith.index_cast %get3A_1462 : i32 to index
      %get3A_1465 = arith.constant 0 : index
      %get3A_1466 = tpu.vector_load %arg7[%get3A_1463, %get3A_1464, %get3A_1465] {strides = array<i32>} : memref<5x2x128xi32, #tpu.memory_space<vmem>>, vector<1x1x16xi32>,
      %get3A_1467 = vector.shape_cast %get3A_1466 : vector<1x1x16xi32> to vector<16xi32>
      %swap3A_1468 = arith.constant 0 : i32
      %swap3A_1469 = arith.index_cast %swap3A_1468 : i32 to index
      %swap3A_1470 = arith.constant 0 : index
      %swap3A_1471 = tpu.vector_load %arg8[%swap3A_1469, %swap3A_1470] {strides = array<i32>} : memref<3x128xi32, #tpu.memory_space<vmem>>, vector<1x16xi32>,
      %swap3A_1472 = vector.shape_cast %swap3A_1471 : vector<1x16xi32> to vector<16xi32>
      %swap3A_1473 = vector.shape_cast %get3A_1467 : vector<16xi32> to vector<1x16xi32>
      tpu.vector_store %arg8[%swap3A_1469, %swap3A_1470], %swap3A_1473 {strides = array<i32>} : memref<3x128xi32, #tpu.memory_space<vmem>>, vector<1x16xi32>,
      %get3A_1474 = arith.constant 0 : i32
      %get3A_1475 = arith.constant 1 : i32
      %get3A_1476 = arith.index_cast %get3A_1474 : i32 to index
      %get3A_1477 = arith.index_cast %get3A_1475 : i32 to index
      %get3A_1478 = arith.constant 16 : index
      %get3A_1479 = tpu.vector_load %arg7[%get3A_1476, %get3A_1477, %get3A_1478] {strides = array<i32>} : memref<5x2x128xi32, #tpu.memory_space<vmem>>, vector<1x1x16xi32>,
      %get3A_1480 = vector.shape_cast %get3A_1479 : vector<1x1x16xi32> to vector<16xi32>
      %swap3A_1481 = arith.constant 0 : i32
      %swap3A_1482 = arith.index_cast %swap3A_1481 : i32 to index
      %swap3A_1483 = arith.constant 16 : index
      %swap3A_1484 = tpu.vector_load %arg8[%swap3A_1482, %swap3A_1483] {strides = array<i32>} : memref<3x128xi32, #tpu.memory_space<vmem>>, vector<1x16xi32>,
      %swap3A_1485 = vector.shape_cast %swap3A_1484 : vector<1x16xi32> to vector<16xi32>
      %swap3A_1486 = vector.shape_cast %get3A_1480 : vector<16xi32> to vector<1x16xi32>
      tpu.vector_store %arg8[%swap3A_1482, %swap3A_1483], %swap3A_1486 {strides = array<i32>} : memref<3x128xi32, #tpu.memory_space<vmem>>, vector<1x16xi32>,
      %get3A_1487 = arith.constant 0 : i32
      %get3A_1488 = arith.constant 1 : i32
      %get3A_1489 = arith.index_cast %get3A_1487 : i32 to index
      %get3A_1490 = arith.index_cast %get3A_1488 : i32 to index
      %get3A_1491 = arith.constant 32 : index
      %get3A_1492 = tpu.vector_load %arg7[%get3A_1489, %get3A_1490, %get3A_1491] {strides = array<i32>} : memref<5x2x128xi32, #tpu.memory_space<vmem>>, vector<1x1x16xi32>,
      %get3A_1493 = vector.shape_cast %get3A_1492 : vector<1x1x16xi32> to vector<16xi32>
      %swap3A_1494 = arith.constant 0 : i32
      %swap3A_1495 = arith.index_cast %swap3A_1494 : i32 to index
      %swap3A_1496 = arith.constant 32 : index
      %swap3A_1497 = tpu.vector_load %arg8[%swap3A_1495, %swap3A_1496] {strides = array<i32>} : memref<3x128xi32, #tpu.memory_space<vmem>>, vector<1x16xi32>,
      %swap3A_1498 = vector.shape_cast %swap3A_1497 : vector<1x16xi32> to vector<16xi32>
      %swap3A_1499 = vector.shape_cast %get3A_1493 : vector<16xi32> to vector<1x16xi32>
      tpu.vector_store %arg8[%swap3A_1495, %swap3A_1496], %swap3A_1499 {strides = array<i32>} : memref<3x128xi32, #tpu.memory_space<vmem>>, vector<1x16xi32>,
      %get3A_1500 = arith.constant 0 : i32
      %get3A_1501 = arith.constant 1 : i32
      %get3A_1502 = arith.index_cast %get3A_1500 : i32 to index
      %get3A_1503 = arith.index_cast %get3A_1501 : i32 to index
      %get3A_1504 = arith.constant 48 : index
      %get3A_1505 = tpu.vector_load %arg7[%get3A_1502, %get3A_1503, %get3A_1504] {strides = array<i32>} : memref<5x2x128xi32, #tpu.memory_space<vmem>>, vector<1x1x16xi32>,
      %get3A_1506 = vector.shape_cast %get3A_1505 : vector<1x1x16xi32> to vector<16xi32>
      %swap3A_1507 = arith.constant 0 : i32
      %swap3A_1508 = arith.index_cast %swap3A_1507 : i32 to index
      %swap3A_1509 = arith.constant 48 : index
      %swap3A_1510 = tpu.vector_load %arg8[%swap3A_1508, %swap3A_1509] {strides = array<i32>} : memref<3x128xi32, #tpu.memory_space<vmem>>, vector<1x16xi32>,
      %swap3A_1511 = vector.shape_cast %swap3A_1510 : vector<1x16xi32> to vector<16xi32>
      %swap3A_1512 = vector.shape_cast %get3A_1506 : vector<16xi32> to vector<1x16xi32>
      tpu.vector_store %arg8[%swap3A_1508, %swap3A_1509], %swap3A_1512 {strides = array<i32>} : memref<3x128xi32, #tpu.memory_space<vmem>>, vector<1x16xi32>,
      %get3A_1513 = arith.constant 0 : i32
      %get3A_1514 = arith.constant 1 : i32
      %get3A_1515 = arith.index_cast %get3A_1513 : i32 to index
      %get3A_1516 = arith.index_cast %get3A_1514 : i32 to index
      %get3A_1517 = arith.constant 64 : index
      %get3A_1518 = tpu.vector_load %arg7[%get3A_1515, %get3A_1516, %get3A_1517] {strides = array<i32>} : memref<5x2x128xi32, #tpu.memory_space<vmem>>, vector<1x1x16xi32>,
      %get3A_1519 = vector.shape_cast %get3A_1518 : vector<1x1x16xi32> to vector<16xi32>
      %swap3A_1520 = arith.constant 0 : i32
      %swap3A_1521 = arith.index_cast %swap3A_1520 : i32 to index
      %swap3A_1522 = arith.constant 64 : index
      %swap3A_1523 = tpu.vector_load %arg8[%swap3A_1521, %swap3A_1522] {strides = array<i32>} : memref<3x128xi32, #tpu.memory_space<vmem>>, vector<1x16xi32>,
      %swap3A_1524 = vector.shape_cast %swap3A_1523 : vector<1x16xi32> to vector<16xi32>
      %swap3A_1525 = vector.shape_cast %get3A_1519 : vector<16xi32> to vector<1x16xi32>
      tpu.vector_store %arg8[%swap3A_1521, %swap3A_1522], %swap3A_1525 {strides = array<i32>} : memref<3x128xi32, #tpu.memory_space<vmem>>, vector<1x16xi32>,
      %get3A_1526 = arith.constant 0 : i32
      %get3A_1527 = arith.constant 1 : i32
      %get3A_1528 = arith.index_cast %get3A_1526 : i32 to index
      %get3A_1529 = arith.index_cast %get3A_1527 : i32 to index
      %get3A_1530 = arith.constant 80 : index
      %get3A_1531 = tpu.vector_load %arg7[%get3A_1528, %get3A_1529, %get3A_1530] {strides = array<i32>} : memref<5x2x128xi32, #tpu.memory_space<vmem>>, vector<1x1x16xi32>,
      %get3A_1532 = vector.shape_cast %get3A_1531 : vector<1x1x16xi32> to vector<16xi32>
      %swap3A_1533 = arith.constant 0 : i32
      %swap3A_1534 = arith.index_cast %swap3A_1533 : i32 to index
      %swap3A_1535 = arith.constant 80 : index
      %swap3A_1536 = tpu.vector_load %arg8[%swap3A_1534, %swap3A_1535] {strides = array<i32>} : memref<3x128xi32, #tpu.memory_space<vmem>>, vector<1x16xi32>,
      %swap3A_1537 = vector.shape_cast %swap3A_1536 : vector<1x16xi32> to vector<16xi32>
      %swap3A_1538 = vector.shape_cast %get3A_1532 : vector<16xi32> to vector<1x16xi32>
      tpu.vector_store %arg8[%swap3A_1534, %swap3A_1535], %swap3A_1538 {strides = array<i32>} : memref<3x128xi32, #tpu.memory_space<vmem>>, vector<1x16xi32>,
      %get3A_1539 = arith.constant 0 : i32
      %get3A_1540 = arith.constant 1 : i32
      %get3A_1541 = arith.index_cast %get3A_1539 : i32 to index
      %get3A_1542 = arith.index_cast %get3A_1540 : i32 to index
      %get3A_1543 = arith.constant 96 : index
      %get3A_1544 = tpu.vector_load %arg7[%get3A_1541, %get3A_1542, %get3A_1543] {strides = array<i32>} : memref<5x2x128xi32, #tpu.memory_space<vmem>>, vector<1x1x16xi32>,
      %get3A_1545 = vector.shape_cast %get3A_1544 : vector<1x1x16xi32> to vector<16xi32>
      %swap3A_1546 = arith.constant 0 : i32
      %swap3A_1547 = arith.index_cast %swap3A_1546 : i32 to index
      %swap3A_1548 = arith.constant 96 : index
      %swap3A_1549 = tpu.vector_load %arg8[%swap3A_1547, %swap3A_1548] {strides = array<i32>} : memref<3x128xi32, #tpu.memory_space<vmem>>, vector<1x16xi32>,
      %swap3A_1550 = vector.shape_cast %swap3A_1549 : vector<1x16xi32> to vector<16xi32>
      %swap3A_1551 = vector.shape_cast %get3A_1545 : vector<16xi32> to vector<1x16xi32>
      tpu.vector_store %arg8[%swap3A_1547, %swap3A_1548], %swap3A_1551 {strides = array<i32>} : memref<3x128xi32, #tpu.memory_space<vmem>>, vector<1x16xi32>,
      %get3A_1552 = arith.constant 0 : i32
      %get3A_1553 = arith.constant 1 : i32
      %get3A_1554 = arith.index_cast %get3A_1552 : i32 to index
      %get3A_1555 = arith.index_cast %get3A_1553 : i32 to index
      %get3A_1556 = arith.constant 112 : index
      %get3A_1557 = tpu.vector_load %arg7[%get3A_1554, %get3A_1555, %get3A_1556] {strides = array<i32>} : memref<5x2x128xi32, #tpu.memory_space<vmem>>, vector<1x1x16xi32>,
      %get3A_1558 = vector.shape_cast %get3A_1557 : vector<1x1x16xi32> to vector<16xi32>
      %swap3A_1559 = arith.constant 0 : i32
      %swap3A_1560 = arith.index_cast %swap3A_1559 : i32 to index
      %swap3A_1561 = arith.constant 112 : index
      %swap3A_1562 = tpu.vector_load %arg8[%swap3A_1560, %swap3A_1561] {strides = array<i32>} : memref<3x128xi32, #tpu.memory_space<vmem>>, vector<1x16xi32>,
      %swap3A_1563 = vector.shape_cast %swap3A_1562 : vector<1x16xi32> to vector<16xi32>
      %swap3A_1564 = vector.shape_cast %get3A_1558 : vector<16xi32> to vector<1x16xi32>
      tpu.vector_store %arg8[%swap3A_1560, %swap3A_1561], %swap3A_1564 {strides = array<i32>} : memref<3x128xi32, #tpu.memory_space<vmem>>, vector<1x16xi32>,
      %dma_start3A_1565 = arith.constant 0 : i32
      %dma_start3A_1566 = arith.constant 0 : i32
      %dma_start3A_1567 = arith.constant 0 : i32
      %dma_start3A_1568 = tpu.memref_slice %arg9[%dma_start3A_1566, %dma_start3A_1567] : memref<384x128xf32, #tpu.memory_space<vmem>> -> memref<128x128xf32, #tpu.memory_space<vmem>>
      %dma_start3A_1569 = arith.constant 0 : i32
      %dma_start3A_1570 = tpu.memref_slice %arg8[%dma_start3A_1565, %dma_start3A_1569] : memref<3x128xi32, #tpu.memory_space<vmem>> -> memref<1x128xi32, #tpu.memory_space<vmem>>
      %dma_start3A_1571 = tpu.memref_squeeze %dma_start3A_1570 : memref<1x128xi32, #tpu.memory_space<vmem>> -> memref<128xi32, #tpu.memory_space<vmem>>
      %dma_start3A_1572 = arith.constant 0 : i32
      %dma_start3A_1573 = arith.constant 0 : i32
      %dma_start3A_1574 = tpu.memref_slice %arg6[%dma_start3A_1572, %dma_start3A_1573] : memref<10016x128xf32, #tpu.memory_space<vmem_shared>> -> memref<10016x128xf32, #tpu.memory_space<vmem_shared>>
      tpu.enqueue_indirect_dma source(%dma_start3A_1568 : memref<128x128xf32, #tpu.memory_space<vmem>>) target(%dma_start3A_1574 : memref<10016x128xf32, #tpu.memory_space<vmem_shared>>) offsets(%dma_start3A_1571 : memref<128xi32, #tpu.memory_space<vmem>>) semaphore(%arg11 : memref<!tpu.dma_semaphore, #tpu.memory_space<semaphore_mem>>) {add = true}
      %dma_start3A_1575 = arith.constant 2 : i32
      %dma_start3A_1576 = arith.constant 0 : i32
      %dma_start3A_1577 = arith.constant 256 : i32
      %dma_start3A_1578 = arith.constant 0 : i32
      %dma_start3A_1579 = tpu.memref_slice %arg9[%dma_start3A_1577, %dma_start3A_1578] : memref<384x128xf32, #tpu.memory_space<vmem>> -> memref<128x128xf32, #tpu.memory_space<vmem>>
      %dma_start3A_1580 = arith.constant 0 : i32
      %dma_start3A_1581 = tpu.memref_slice %arg7[%dma_start3A_1575, %dma_start3A_1576, %dma_start3A_1580] : memref<5x2x128xi32, #tpu.memory_space<vmem>> -> memref<1x1x128xi32, #tpu.memory_space<vmem>>
      %dma_start3A_1582 = tpu.memref_squeeze %dma_start3A_1581 : memref<1x1x128xi32, #tpu.memory_space<vmem>> -> memref<128xi32, #tpu.memory_space<vmem>>
      %dma_start3A_1583 = arith.constant 0 : i32
      %dma_start3A_1584 = arith.constant 0 : i32
      %dma_start3A_1585 = tpu.memref_slice %arg2[%dma_start3A_1583, %dma_start3A_1584] : memref<20000x128xf32, #tpu.memory_space<hbm>> -> memref<20000x128xf32, #tpu.memory_space<hbm>>
      tpu.enqueue_indirect_dma source(%dma_start3A_1585 : memref<20000x128xf32, #tpu.memory_space<hbm>>) target(%dma_start3A_1579 : memref<128x128xf32, #tpu.memory_space<vmem>>) offsets(%dma_start3A_1582 : memref<128xi32, #tpu.memory_space<vmem>>) semaphore(%arg10 : memref<!tpu.dma_semaphore, #tpu.memory_space<semaphore_mem>>)
      %dma_wait3A_1586 = arith.constant 0 : i32
      %dma_wait3A_1587 = arith.constant 0 : i32
      %dma_wait3A_1588 = tpu.memref_slice %arg9[%dma_wait3A_1586, %dma_wait3A_1587] : memref<384x128xf32, #tpu.memory_space<vmem>> -> memref<128x128xf32, #tpu.memory_space<vmem>>
      %dma_wait3A_1589 = arith.constant 0 : i32
      %dma_wait3A_1590 = arith.constant 0 : i32
      %dma_wait3A_1591 = tpu.memref_slice %arg2[%dma_wait3A_1589, %dma_wait3A_1590] : memref<20000x128xf32, #tpu.memory_space<hbm>> -> memref<128x128xf32, #tpu.memory_space<hbm>>
      %dma_wait3A_1592 = arith.constant 0 : i32
      %dma_wait3A_1593 = arith.constant 0 : i32
      %dma_wait3A_1594 = tpu.memref_slice %arg9[%dma_wait3A_1592, %dma_wait3A_1593] : memref<384x128xf32, #tpu.memory_space<vmem>> -> memref<128x128xf32, #tpu.memory_space<vmem>>
      %dma_wait3A_1595 = arith.constant 0 : i32
      %dma_wait3A_1596 = arith.constant 0 : i32
      %dma_wait3A_1597 = tpu.memref_slice %arg2[%dma_wait3A_1595, %dma_wait3A_1596] : memref<20000x128xf32, #tpu.memory_space<hbm>> -> memref<128x128xf32, #tpu.memory_space<hbm>>
      tpu.wait_dma2 semaphore(%arg10 : memref<!tpu.dma_semaphore, #tpu.memory_space<semaphore_mem>>) src(%dma_wait3A_1597 : memref<128x128xf32, #tpu.memory_space<hbm>>) dst(%dma_wait3A_1594 : memref<128x128xf32, #tpu.memory_space<vmem>>)
      %get3A_1598 = arith.constant 1 : i32
      %get3A_1599 = arith.constant 1 : i32
      %get3A_1600 = arith.index_cast %get3A_1598 : i32 to index
      %get3A_1601 = arith.index_cast %get3A_1599 : i32 to index
      %get3A_1602 = arith.constant 0 : index
      %get3A_1603 = tpu.vector_load %arg7[%get3A_1600, %get3A_1601, %get3A_1602] {strides = array<i32>} : memref<5x2x128xi32, #tpu.memory_space<vmem>>, vector<1x1x16xi32>,
      %get3A_1604 = vector.shape_cast %get3A_1603 : vector<1x1x16xi32> to vector<16xi32>
      %swap3A_1605 = arith.constant 1 : i32
      %swap3A_1606 = arith.index_cast %swap3A_1605 : i32 to index
      %swap3A_1607 = arith.constant 0 : index
      %swap3A_1608 = tpu.vector_load %arg8[%swap3A_1606, %swap3A_1607] {strides = array<i32>} : memref<3x128xi32, #tpu.memory_space<vmem>>, vector<1x16xi32>,
      %swap3A_1609 = vector.shape_cast %swap3A_1608 : vector<1x16xi32> to vector<16xi32>
      %swap3A_1610 = vector.shape_cast %get3A_1604 : vector<16xi32> to vector<1x16xi32>
      tpu.vector_store %arg8[%swap3A_1606, %swap3A_1607], %swap3A_1610 {strides = array<i32>} : memref<3x128xi32, #tpu.memory_space<vmem>>, vector<1x16xi32>,
      %get3A_1611 = arith.constant 1 : i32
      %get3A_1612 = arith.constant 1 : i32
      %get3A_1613 = arith.index_cast %get3A_1611 : i32 to index
      %get3A_1614 = arith.index_cast %get3A_1612 : i32 to index
      %get3A_1615 = arith.constant 16 : index
      %get3A_1616 = tpu.vector_load %arg7[%get3A_1613, %get3A_1614, %get3A_1615] {strides = array<i32>} : memref<5x2x128xi32, #tpu.memory_space<vmem>>, vector<1x1x16xi32>,
      %get3A_1617 = vector.shape_cast %get3A_1616 : vector<1x1x16xi32> to vector<16xi32>
      %swap3A_1618 = arith.constant 1 : i32
      %swap3A_1619 = arith.index_cast %swap3A_1618 : i32 to index
      %swap3A_1620 = arith.constant 16 : index
      %swap3A_1621 = tpu.vector_load %arg8[%swap3A_1619, %swap3A_1620] {strides = array<i32>} : memref<3x128xi32, #tpu.memory_space<vmem>>, vector<1x16xi32>,
      %swap3A_1622 = vector.shape_cast %swap3A_1621 : vector<1x16xi32> to vector<16xi32>
      %swap3A_1623 = vector.shape_cast %get3A_1617 : vector<16xi32> to vector<1x16xi32>
      tpu.vector_store %arg8[%swap3A_1619, %swap3A_1620], %swap3A_1623 {strides = array<i32>} : memref<3x128xi32, #tpu.memory_space<vmem>>, vector<1x16xi32>,
      %get3A_1624 = arith.constant 1 : i32
      %get3A_1625 = arith.constant 1 : i32
      %get3A_1626 = arith.index_cast %get3A_1624 : i32 to index
      %get3A_1627 = arith.index_cast %get3A_1625 : i32 to index
      %get3A_1628 = arith.constant 32 : index
      %get3A_1629 = tpu.vector_load %arg7[%get3A_1626, %get3A_1627, %get3A_1628] {strides = array<i32>} : memref<5x2x128xi32, #tpu.memory_space<vmem>>, vector<1x1x16xi32>,
      %get3A_1630 = vector.shape_cast %get3A_1629 : vector<1x1x16xi32> to vector<16xi32>
      %swap3A_1631 = arith.constant 1 : i32
      %swap3A_1632 = arith.index_cast %swap3A_1631 : i32 to index
      %swap3A_1633 = arith.constant 32 : index
      %swap3A_1634 = tpu.vector_load %arg8[%swap3A_1632, %swap3A_1633] {strides = array<i32>} : memref<3x128xi32, #tpu.memory_space<vmem>>, vector<1x16xi32>,
      %swap3A_1635 = vector.shape_cast %swap3A_1634 : vector<1x16xi32> to vector<16xi32>
      %swap3A_1636 = vector.shape_cast %get3A_1630 : vector<16xi32> to vector<1x16xi32>
      tpu.vector_store %arg8[%swap3A_1632, %swap3A_1633], %swap3A_1636 {strides = array<i32>} : memref<3x128xi32, #tpu.memory_space<vmem>>, vector<1x16xi32>,
      %get3A_1637 = arith.constant 1 : i32
      %get3A_1638 = arith.constant 1 : i32
      %get3A_1639 = arith.index_cast %get3A_1637 : i32 to index
      %get3A_1640 = arith.index_cast %get3A_1638 : i32 to index
      %get3A_1641 = arith.constant 48 : index
      %get3A_1642 = tpu.vector_load %arg7[%get3A_1639, %get3A_1640, %get3A_1641] {strides = array<i32>} : memref<5x2x128xi32, #tpu.memory_space<vmem>>, vector<1x1x16xi32>,
      %get3A_1643 = vector.shape_cast %get3A_1642 : vector<1x1x16xi32> to vector<16xi32>
      %swap3A_1644 = arith.constant 1 : i32
      %swap3A_1645 = arith.index_cast %swap3A_1644 : i32 to index
      %swap3A_1646 = arith.constant 48 : index
      %swap3A_1647 = tpu.vector_load %arg8[%swap3A_1645, %swap3A_1646] {strides = array<i32>} : memref<3x128xi32, #tpu.memory_space<vmem>>, vector<1x16xi32>,
      %swap3A_1648 = vector.shape_cast %swap3A_1647 : vector<1x16xi32> to vector<16xi32>
      %swap3A_1649 = vector.shape_cast %get3A_1643 : vector<16xi32> to vector<1x16xi32>
      tpu.vector_store %arg8[%swap3A_1645, %swap3A_1646], %swap3A_1649 {strides = array<i32>} : memref<3x128xi32, #tpu.memory_space<vmem>>, vector<1x16xi32>,
      %get3A_1650 = arith.constant 1 : i32
      %get3A_1651 = arith.constant 1 : i32
      %get3A_1652 = arith.index_cast %get3A_1650 : i32 to index
      %get3A_1653 = arith.index_cast %get3A_1651 : i32 to index
      %get3A_1654 = arith.constant 64 : index
      %get3A_1655 = tpu.vector_load %arg7[%get3A_1652, %get3A_1653, %get3A_1654] {strides = array<i32>} : memref<5x2x128xi32, #tpu.memory_space<vmem>>, vector<1x1x16xi32>,
      %get3A_1656 = vector.shape_cast %get3A_1655 : vector<1x1x16xi32> to vector<16xi32>
      %swap3A_1657 = arith.constant 1 : i32
      %swap3A_1658 = arith.index_cast %swap3A_1657 : i32 to index
      %swap3A_1659 = arith.constant 64 : index
      %swap3A_1660 = tpu.vector_load %arg8[%swap3A_1658, %swap3A_1659] {strides = array<i32>} : memref<3x128xi32, #tpu.memory_space<vmem>>, vector<1x16xi32>,
      %swap3A_1661 = vector.shape_cast %swap3A_1660 : vector<1x16xi32> to vector<16xi32>
      %swap3A_1662 = vector.shape_cast %get3A_1656 : vector<16xi32> to vector<1x16xi32>
      tpu.vector_store %arg8[%swap3A_1658, %swap3A_1659], %swap3A_1662 {strides = array<i32>} : memref<3x128xi32, #tpu.memory_space<vmem>>, vector<1x16xi32>,
      %get3A_1663 = arith.constant 1 : i32
      %get3A_1664 = arith.constant 1 : i32
      %get3A_1665 = arith.index_cast %get3A_1663 : i32 to index
      %get3A_1666 = arith.index_cast %get3A_1664 : i32 to index
      %get3A_1667 = arith.constant 80 : index
      %get3A_1668 = tpu.vector_load %arg7[%get3A_1665, %get3A_1666, %get3A_1667] {strides = array<i32>} : memref<5x2x128xi32, #tpu.memory_space<vmem>>, vector<1x1x16xi32>,
      %get3A_1669 = vector.shape_cast %get3A_1668 : vector<1x1x16xi32> to vector<16xi32>
      %swap3A_1670 = arith.constant 1 : i32
      %swap3A_1671 = arith.index_cast %swap3A_1670 : i32 to index
      %swap3A_1672 = arith.constant 80 : index
      %swap3A_1673 = tpu.vector_load %arg8[%swap3A_1671, %swap3A_1672] {strides = array<i32>} : memref<3x128xi32, #tpu.memory_space<vmem>>, vector<1x16xi32>,
      %swap3A_1674 = vector.shape_cast %swap3A_1673 : vector<1x16xi32> to vector<16xi32>
      %swap3A_1675 = vector.shape_cast %get3A_1669 : vector<16xi32> to vector<1x16xi32>
      tpu.vector_store %arg8[%swap3A_1671, %swap3A_1672], %swap3A_1675 {strides = array<i32>} : memref<3x128xi32, #tpu.memory_space<vmem>>, vector<1x16xi32>,
      %get3A_1676 = arith.constant 1 : i32
      %get3A_1677 = arith.constant 1 : i32
      %get3A_1678 = arith.index_cast %get3A_1676 : i32 to index
      %get3A_1679 = arith.index_cast %get3A_1677 : i32 to index
      %get3A_1680 = arith.constant 96 : index
      %get3A_1681 = tpu.vector_load %arg7[%get3A_1678, %get3A_1679, %get3A_1680] {strides = array<i32>} : memref<5x2x128xi32, #tpu.memory_space<vmem>>, vector<1x1x16xi32>,
      %get3A_1682 = vector.shape_cast %get3A_1681 : vector<1x1x16xi32> to vector<16xi32>
      %swap3A_1683 = arith.constant 1 : i32
      %swap3A_1684 = arith.index_cast %swap3A_1683 : i32 to index
      %swap3A_1685 = arith.constant 96 : index
      %swap3A_1686 = tpu.vector_load %arg8[%swap3A_1684, %swap3A_1685] {strides = array<i32>} : memref<3x128xi32, #tpu.memory_space<vmem>>, vector<1x16xi32>,
      %swap3A_1687 = vector.shape_cast %swap3A_1686 : vector<1x16xi32> to vector<16xi32>
      %swap3A_1688 = vector.shape_cast %get3A_1682 : vector<16xi32> to vector<1x16xi32>
      tpu.vector_store %arg8[%swap3A_1684, %swap3A_1685], %swap3A_1688 {strides = array<i32>} : memref<3x128xi32, #tpu.memory_space<vmem>>, vector<1x16xi32>,
      %get3A_1689 = arith.constant 1 : i32
      %get3A_1690 = arith.constant 1 : i32
      %get3A_1691 = arith.index_cast %get3A_1689 : i32 to index
      %get3A_1692 = arith.index_cast %get3A_1690 : i32 to index
      %get3A_1693 = arith.constant 112 : index
      %get3A_1694 = tpu.vector_load %arg7[%get3A_1691, %get3A_1692, %get3A_1693] {strides = array<i32>} : memref<5x2x128xi32, #tpu.memory_space<vmem>>, vector<1x1x16xi32>,
      %get3A_1695 = vector.shape_cast %get3A_1694 : vector<1x1x16xi32> to vector<16xi32>
      %swap3A_1696 = arith.constant 1 : i32
      %swap3A_1697 = arith.index_cast %swap3A_1696 : i32 to index
      %swap3A_1698 = arith.constant 112 : index
      %swap3A_1699 = tpu.vector_load %arg8[%swap3A_1697, %swap3A_1698] {strides = array<i32>} : memref<3x128xi32, #tpu.memory_space<vmem>>, vector<1x16xi32>,
      %swap3A_1700 = vector.shape_cast %swap3A_1699 : vector<1x16xi32> to vector<16xi32>
      %swap3A_1701 = vector.shape_cast %get3A_1695 : vector<16xi32> to vector<1x16xi32>
      tpu.vector_store %arg8[%swap3A_1697, %swap3A_1698], %swap3A_1701 {strides = array<i32>} : memref<3x128xi32, #tpu.memory_space<vmem>>, vector<1x16xi32>,
      %dma_start3A_1702 = arith.constant 1 : i32
      %dma_start3A_1703 = arith.constant 128 : i32
      %dma_start3A_1704 = arith.constant 0 : i32
      %dma_start3A_1705 = tpu.memref_slice %arg9[%dma_start3A_1703, %dma_start3A_1704] : memref<384x128xf32, #tpu.memory_space<vmem>> -> memref<128x128xf32, #tpu.memory_space<vmem>>
      %dma_start3A_1706 = arith.constant 0 : i32
      %dma_start3A_1707 = tpu.memref_slice %arg8[%dma_start3A_1702, %dma_start3A_1706] : memref<3x128xi32, #tpu.memory_space<vmem>> -> memref<1x128xi32, #tpu.memory_space<vmem>>
      %dma_start3A_1708 = tpu.memref_squeeze %dma_start3A_1707 : memref<1x128xi32, #tpu.memory_space<vmem>> -> memref<128xi32, #tpu.memory_space<vmem>>
      %dma_start3A_1709 = arith.constant 0 : i32
      %dma_start3A_1710 = arith.constant 0 : i32
      %dma_start3A_1711 = tpu.memref_slice %arg6[%dma_start3A_1709, %dma_start3A_1710] : memref<10016x128xf32, #tpu.memory_space<vmem_shared>> -> memref<10016x128xf32, #tpu.memory_space<vmem_shared>>
      tpu.enqueue_indirect_dma source(%dma_start3A_1705 : memref<128x128xf32, #tpu.memory_space<vmem>>) target(%dma_start3A_1711 : memref<10016x128xf32, #tpu.memory_space<vmem_shared>>) offsets(%dma_start3A_1708 : memref<128xi32, #tpu.memory_space<vmem>>) semaphore(%arg11 : memref<!tpu.dma_semaphore, #tpu.memory_space<semaphore_mem>>) {add = true}
      %dma_wait3A_1712 = arith.constant 0 : i32
      %dma_wait3A_1713 = arith.constant 0 : i32
      %dma_wait3A_1714 = tpu.memref_slice %arg9[%dma_wait3A_1712, %dma_wait3A_1713] : memref<384x128xf32, #tpu.memory_space<vmem>> -> memref<128x128xf32, #tpu.memory_space<vmem>>
      %dma_wait3A_1715 = arith.constant 0 : i32
      %dma_wait3A_1716 = arith.constant 0 : i32
      %dma_wait3A_1717 = tpu.memref_slice %arg6[%dma_wait3A_1715, %dma_wait3A_1716] : memref<10016x128xf32, #tpu.memory_space<vmem_shared>> -> memref<128x128xf32, #tpu.memory_space<vmem_shared>>
      %dma_wait3A_1718 = arith.constant 0 : i32
      %dma_wait3A_1719 = arith.constant 0 : i32
      %dma_wait3A_1720 = tpu.memref_slice %arg6[%dma_wait3A_1718, %dma_wait3A_1719] : memref<10016x128xf32, #tpu.memory_space<vmem_shared>> -> memref<128x128xf32, #tpu.memory_space<vmem_shared>>
      %dma_wait3A_1721 = arith.constant 0 : i32
      %dma_wait3A_1722 = arith.constant 0 : i32
      %dma_wait3A_1723 = tpu.memref_slice %arg9[%dma_wait3A_1721, %dma_wait3A_1722] : memref<384x128xf32, #tpu.memory_space<vmem>> -> memref<128x128xf32, #tpu.memory_space<vmem>>
      tpu.wait_dma2 semaphore(%arg11 : memref<!tpu.dma_semaphore, #tpu.memory_space<semaphore_mem>>) src(%dma_wait3A_1723 : memref<128x128xf32, #tpu.memory_space<vmem>>) dst(%dma_wait3A_1720 : memref<128x128xf32, #tpu.memory_space<vmem_shared>>)
      %dma_start3A_1724 = arith.constant 3 : i32
      %dma_start3A_1725 = arith.constant 0 : i32
      %dma_start3A_1726 = arith.constant 0 : i32
      %dma_start3A_1727 = arith.constant 0 : i32
      %dma_start3A_1728 = tpu.memref_slice %arg9[%dma_start3A_1726, %dma_start3A_1727] : memref<384x128xf32, #tpu.memory_space<vmem>> -> memref<128x128xf32, #tpu.memory_space<vmem>>
      %dma_start3A_1729 = arith.constant 0 : i32
      %dma_start3A_1730 = tpu.memref_slice %arg7[%dma_start3A_1724, %dma_start3A_1725, %dma_start3A_1729] : memref<5x2x128xi32, #tpu.memory_space<vmem>> -> memref<1x1x128xi32, #tpu.memory_space<vmem>>
      %dma_start3A_1731 = tpu.memref_squeeze %dma_start3A_1730 : memref<1x1x128xi32, #tpu.memory_space<vmem>> -> memref<128xi32, #tpu.memory_space<vmem>>
      %dma_start3A_1732 = arith.constant 0 : i32
      %dma_start3A_1733 = arith.constant 0 : i32
      %dma_start3A_1734 = tpu.memref_slice %arg2[%dma_start3A_1732, %dma_start3A_1733] : memref<20000x128xf32, #tpu.memory_space<hbm>> -> memref<20000x128xf32, #tpu.memory_space<hbm>>
      tpu.enqueue_indirect_dma source(%dma_start3A_1734 : memref<20000x128xf32, #tpu.memory_space<hbm>>) target(%dma_start3A_1728 : memref<128x128xf32, #tpu.memory_space<vmem>>) offsets(%dma_start3A_1731 : memref<128xi32, #tpu.memory_space<vmem>>) semaphore(%arg10 : memref<!tpu.dma_semaphore, #tpu.memory_space<semaphore_mem>>)
      %dma_wait3A_1735 = arith.constant 0 : i32
      %dma_wait3A_1736 = arith.constant 0 : i32
      %dma_wait3A_1737 = tpu.memref_slice %arg9[%dma_wait3A_1735, %dma_wait3A_1736] : memref<384x128xf32, #tpu.memory_space<vmem>> -> memref<128x128xf32, #tpu.memory_space<vmem>>
      %dma_wait3A_1738 = arith.constant 0 : i32
      %dma_wait3A_1739 = arith.constant 0 : i32
      %dma_wait3A_1740 = tpu.memref_slice %arg2[%dma_wait3A_1738, %dma_wait3A_1739] : memref<20000x128xf32, #tpu.memory_space<hbm>> -> memref<128x128xf32, #tpu.memory_space<hbm>>
      %dma_wait3A_1741 = arith.constant 0 : i32
      %dma_wait3A_1742 = arith.constant 0 : i32
      %dma_wait3A_1743 = tpu.memref_slice %arg9[%dma_wait3A_1741, %dma_wait3A_1742] : memref<384x128xf32, #tpu.memory_space<vmem>> -> memref<128x128xf32, #tpu.memory_space<vmem>>
      %dma_wait3A_1744 = arith.constant 0 : i32
      %dma_wait3A_1745 = arith.constant 0 : i32
      %dma_wait3A_1746 = tpu.memref_slice %arg2[%dma_wait3A_1744, %dma_wait3A_1745] : memref<20000x128xf32, #tpu.memory_space<hbm>> -> memref<128x128xf32, #tpu.memory_space<hbm>>
      tpu.wait_dma2 semaphore(%arg10 : memref<!tpu.dma_semaphore, #tpu.memory_space<semaphore_mem>>) src(%dma_wait3A_1746 : memref<128x128xf32, #tpu.memory_space<hbm>>) dst(%dma_wait3A_1743 : memref<128x128xf32, #tpu.memory_space<vmem>>)
      %get3A_1747 = arith.constant 2 : i32
      %get3A_1748 = arith.constant 1 : i32
      %get3A_1749 = arith.index_cast %get3A_1747 : i32 to index
      %get3A_1750 = arith.index_cast %get3A_1748 : i32 to index
      %get3A_1751 = arith.constant 0 : index
      %get3A_1752 = tpu.vector_load %arg7[%get3A_1749, %get3A_1750, %get3A_1751] {strides = array<i32>} : memref<5x2x128xi32, #tpu.memory_space<vmem>>, vector<1x1x16xi32>,
      %get3A_1753 = vector.shape_cast %get3A_1752 : vector<1x1x16xi32> to vector<16xi32>
      %swap3A_1754 = arith.constant 2 : i32
      %swap3A_1755 = arith.index_cast %swap3A_1754 : i32 to index
      %swap3A_1756 = arith.constant 0 : index
      %swap3A_1757 = tpu.vector_load %arg8[%swap3A_1755, %swap3A_1756] {strides = array<i32>} : memref<3x128xi32, #tpu.memory_space<vmem>>, vector<1x16xi32>,
      %swap3A_1758 = vector.shape_cast %swap3A_1757 : vector<1x16xi32> to vector<16xi32>
      %swap3A_1759 = vector.shape_cast %get3A_1753 : vector<16xi32> to vector<1x16xi32>
      tpu.vector_store %arg8[%swap3A_1755, %swap3A_1756], %swap3A_1759 {strides = array<i32>} : memref<3x128xi32, #tpu.memory_space<vmem>>, vector<1x16xi32>,
      %get3A_1760 = arith.constant 2 : i32
      %get3A_1761 = arith.constant 1 : i32
      %get3A_1762 = arith.index_cast %get3A_1760 : i32 to index
      %get3A_1763 = arith.index_cast %get3A_1761 : i32 to index
      %get3A_1764 = arith.constant 16 : index
      %get3A_1765 = tpu.vector_load %arg7[%get3A_1762, %get3A_1763, %get3A_1764] {strides = array<i32>} : memref<5x2x128xi32, #tpu.memory_space<vmem>>, vector<1x1x16xi32>,
      %get3A_1766 = vector.shape_cast %get3A_1765 : vector<1x1x16xi32> to vector<16xi32>
      %swap3A_1767 = arith.constant 2 : i32
      %swap3A_1768 = arith.index_cast %swap3A_1767 : i32 to index
      %swap3A_1769 = arith.constant 16 : index
      %swap3A_1770 = tpu.vector_load %arg8[%swap3A_1768, %swap3A_1769] {strides = array<i32>} : memref<3x128xi32, #tpu.memory_space<vmem>>, vector<1x16xi32>,
      %swap3A_1771 = vector.shape_cast %swap3A_1770 : vector<1x16xi32> to vector<16xi32>
      %swap3A_1772 = vector.shape_cast %get3A_1766 : vector<16xi32> to vector<1x16xi32>
      tpu.vector_store %arg8[%swap3A_1768, %swap3A_1769], %swap3A_1772 {strides = array<i32>} : memref<3x128xi32, #tpu.memory_space<vmem>>, vector<1x16xi32>,
      %get3A_1773 = arith.constant 2 : i32
      %get3A_1774 = arith.constant 1 : i32
      %get3A_1775 = arith.index_cast %get3A_1773 : i32 to index
      %get3A_1776 = arith.index_cast %get3A_1774 : i32 to index
      %get3A_1777 = arith.constant 32 : index
      %get3A_1778 = tpu.vector_load %arg7[%get3A_1775, %get3A_1776, %get3A_1777] {strides = array<i32>} : memref<5x2x128xi32, #tpu.memory_space<vmem>>, vector<1x1x16xi32>,
      %get3A_1779 = vector.shape_cast %get3A_1778 : vector<1x1x16xi32> to vector<16xi32>
      %swap3A_1780 = arith.constant 2 : i32
      %swap3A_1781 = arith.index_cast %swap3A_1780 : i32 to index
      %swap3A_1782 = arith.constant 32 : index
      %swap3A_1783 = tpu.vector_load %arg8[%swap3A_1781, %swap3A_1782] {strides = array<i32>} : memref<3x128xi32, #tpu.memory_space<vmem>>, vector<1x16xi32>,
      %swap3A_1784 = vector.shape_cast %swap3A_1783 : vector<1x16xi32> to vector<16xi32>
      %swap3A_1785 = vector.shape_cast %get3A_1779 : vector<16xi32> to vector<1x16xi32>
      tpu.vector_store %arg8[%swap3A_1781, %swap3A_1782], %swap3A_1785 {strides = array<i32>} : memref<3x128xi32, #tpu.memory_space<vmem>>, vector<1x16xi32>,
      %get3A_1786 = arith.constant 2 : i32
      %get3A_1787 = arith.constant 1 : i32
      %get3A_1788 = arith.index_cast %get3A_1786 : i32 to index
      %get3A_1789 = arith.index_cast %get3A_1787 : i32 to index
      %get3A_1790 = arith.constant 48 : index
      %get3A_1791 = tpu.vector_load %arg7[%get3A_1788, %get3A_1789, %get3A_1790] {strides = array<i32>} : memref<5x2x128xi32, #tpu.memory_space<vmem>>, vector<1x1x16xi32>,
      %get3A_1792 = vector.shape_cast %get3A_1791 : vector<1x1x16xi32> to vector<16xi32>
      %swap3A_1793 = arith.constant 2 : i32
      %swap3A_1794 = arith.index_cast %swap3A_1793 : i32 to index
      %swap3A_1795 = arith.constant 48 : index
      %swap3A_1796 = tpu.vector_load %arg8[%swap3A_1794, %swap3A_1795] {strides = array<i32>} : memref<3x128xi32, #tpu.memory_space<vmem>>, vector<1x16xi32>,
      %swap3A_1797 = vector.shape_cast %swap3A_1796 : vector<1x16xi32> to vector<16xi32>
      %swap3A_1798 = vector.shape_cast %get3A_1792 : vector<16xi32> to vector<1x16xi32>
      tpu.vector_store %arg8[%swap3A_1794, %swap3A_1795], %swap3A_1798 {strides = array<i32>} : memref<3x128xi32, #tpu.memory_space<vmem>>, vector<1x16xi32>,
      %get3A_1799 = arith.constant 2 : i32
      %get3A_1800 = arith.constant 1 : i32
      %get3A_1801 = arith.index_cast %get3A_1799 : i32 to index
      %get3A_1802 = arith.index_cast %get3A_1800 : i32 to index
      %get3A_1803 = arith.constant 64 : index
      %get3A_1804 = tpu.vector_load %arg7[%get3A_1801, %get3A_1802, %get3A_1803] {strides = array<i32>} : memref<5x2x128xi32, #tpu.memory_space<vmem>>, vector<1x1x16xi32>,
      %get3A_1805 = vector.shape_cast %get3A_1804 : vector<1x1x16xi32> to vector<16xi32>
      %swap3A_1806 = arith.constant 2 : i32
      %swap3A_1807 = arith.index_cast %swap3A_1806 : i32 to index
      %swap3A_1808 = arith.constant 64 : index
      %swap3A_1809 = tpu.vector_load %arg8[%swap3A_1807, %swap3A_1808] {strides = array<i32>} : memref<3x128xi32, #tpu.memory_space<vmem>>, vector<1x16xi32>,
      %swap3A_1810 = vector.shape_cast %swap3A_1809 : vector<1x16xi32> to vector<16xi32>
      %swap3A_1811 = vector.shape_cast %get3A_1805 : vector<16xi32> to vector<1x16xi32>
      tpu.vector_store %arg8[%swap3A_1807, %swap3A_1808], %swap3A_1811 {strides = array<i32>} : memref<3x128xi32, #tpu.memory_space<vmem>>, vector<1x16xi32>,
      %get3A_1812 = arith.constant 2 : i32
      %get3A_1813 = arith.constant 1 : i32
      %get3A_1814 = arith.index_cast %get3A_1812 : i32 to index
      %get3A_1815 = arith.index_cast %get3A_1813 : i32 to index
      %get3A_1816 = arith.constant 80 : index
      %get3A_1817 = tpu.vector_load %arg7[%get3A_1814, %get3A_1815, %get3A_1816] {strides = array<i32>} : memref<5x2x128xi32, #tpu.memory_space<vmem>>, vector<1x1x16xi32>,
      %get3A_1818 = vector.shape_cast %get3A_1817 : vector<1x1x16xi32> to vector<16xi32>
      %swap3A_1819 = arith.constant 2 : i32
      %swap3A_1820 = arith.index_cast %swap3A_1819 : i32 to index
      %swap3A_1821 = arith.constant 80 : index
      %swap3A_1822 = tpu.vector_load %arg8[%swap3A_1820, %swap3A_1821] {strides = array<i32>} : memref<3x128xi32, #tpu.memory_space<vmem>>, vector<1x16xi32>,
      %swap3A_1823 = vector.shape_cast %swap3A_1822 : vector<1x16xi32> to vector<16xi32>
      %swap3A_1824 = vector.shape_cast %get3A_1818 : vector<16xi32> to vector<1x16xi32>
      tpu.vector_store %arg8[%swap3A_1820, %swap3A_1821], %swap3A_1824 {strides = array<i32>} : memref<3x128xi32, #tpu.memory_space<vmem>>, vector<1x16xi32>,
      %get3A_1825 = arith.constant 2 : i32
      %get3A_1826 = arith.constant 1 : i32
      %get3A_1827 = arith.index_cast %get3A_1825 : i32 to index
      %get3A_1828 = arith.index_cast %get3A_1826 : i32 to index
      %get3A_1829 = arith.constant 96 : index
      %get3A_1830 = tpu.vector_load %arg7[%get3A_1827, %get3A_1828, %get3A_1829] {strides = array<i32>} : memref<5x2x128xi32, #tpu.memory_space<vmem>>, vector<1x1x16xi32>,
      %get3A_1831 = vector.shape_cast %get3A_1830 : vector<1x1x16xi32> to vector<16xi32>
      %swap3A_1832 = arith.constant 2 : i32
      %swap3A_1833 = arith.index_cast %swap3A_1832 : i32 to index
      %swap3A_1834 = arith.constant 96 : index
      %swap3A_1835 = tpu.vector_load %arg8[%swap3A_1833, %swap3A_1834] {strides = array<i32>} : memref<3x128xi32, #tpu.memory_space<vmem>>, vector<1x16xi32>,
      %swap3A_1836 = vector.shape_cast %swap3A_1835 : vector<1x16xi32> to vector<16xi32>
      %swap3A_1837 = vector.shape_cast %get3A_1831 : vector<16xi32> to vector<1x16xi32>
      tpu.vector_store %arg8[%swap3A_1833, %swap3A_1834], %swap3A_1837 {strides = array<i32>} : memref<3x128xi32, #tpu.memory_space<vmem>>, vector<1x16xi32>,
      %get3A_1838 = arith.constant 2 : i32
      %get3A_1839 = arith.constant 1 : i32
      %get3A_1840 = arith.index_cast %get3A_1838 : i32 to index
      %get3A_1841 = arith.index_cast %get3A_1839 : i32 to index
      %get3A_1842 = arith.constant 112 : index
      %get3A_1843 = tpu.vector_load %arg7[%get3A_1840, %get3A_1841, %get3A_1842] {strides = array<i32>} : memref<5x2x128xi32, #tpu.memory_space<vmem>>, vector<1x1x16xi32>,
      %get3A_1844 = vector.shape_cast %get3A_1843 : vector<1x1x16xi32> to vector<16xi32>
      %swap3A_1845 = arith.constant 2 : i32
      %swap3A_1846 = arith.index_cast %swap3A_1845 : i32 to index
      %swap3A_1847 = arith.constant 112 : index
      %swap3A_1848 = tpu.vector_load %arg8[%swap3A_1846, %swap3A_1847] {strides = array<i32>} : memref<3x128xi32, #tpu.memory_space<vmem>>, vector<1x16xi32>,
      %swap3A_1849 = vector.shape_cast %swap3A_1848 : vector<1x16xi32> to vector<16xi32>
      %swap3A_1850 = vector.shape_cast %get3A_1844 : vector<16xi32> to vector<1x16xi32>
      tpu.vector_store %arg8[%swap3A_1846, %swap3A_1847], %swap3A_1850 {strides = array<i32>} : memref<3x128xi32, #tpu.memory_space<vmem>>, vector<1x16xi32>,
      %dma_start3A_1851 = arith.constant 2 : i32
      %dma_start3A_1852 = arith.constant 256 : i32
      %dma_start3A_1853 = arith.constant 0 : i32
      %dma_start3A_1854 = tpu.memref_slice %arg9[%dma_start3A_1852, %dma_start3A_1853] : memref<384x128xf32, #tpu.memory_space<vmem>> -> memref<128x128xf32, #tpu.memory_space<vmem>>
      %dma_start3A_1855 = arith.constant 0 : i32
      %dma_start3A_1856 = tpu.memref_slice %arg8[%dma_start3A_1851, %dma_start3A_1855] : memref<3x128xi32, #tpu.memory_space<vmem>> -> memref<1x128xi32, #tpu.memory_space<vmem>>
      %dma_start3A_1857 = tpu.memref_squeeze %dma_start3A_1856 : memref<1x128xi32, #tpu.memory_space<vmem>> -> memref<128xi32, #tpu.memory_space<vmem>>
      %dma_start3A_1858 = arith.constant 0 : i32
      %dma_start3A_1859 = arith.constant 0 : i32
      %dma_start3A_1860 = tpu.memref_slice %arg6[%dma_start3A_1858, %dma_start3A_1859] : memref<10016x128xf32, #tpu.memory_space<vmem_shared>> -> memref<10016x128xf32, #tpu.memory_space<vmem_shared>>
      tpu.enqueue_indirect_dma source(%dma_start3A_1854 : memref<128x128xf32, #tpu.memory_space<vmem>>) target(%dma_start3A_1860 : memref<10016x128xf32, #tpu.memory_space<vmem_shared>>) offsets(%dma_start3A_1857 : memref<128xi32, #tpu.memory_space<vmem>>) semaphore(%arg11 : memref<!tpu.dma_semaphore, #tpu.memory_space<semaphore_mem>>) {add = true}
      %dma_wait3A_1861 = arith.constant 0 : i32
      %dma_wait3A_1862 = arith.constant 0 : i32
      %dma_wait3A_1863 = tpu.memref_slice %arg9[%dma_wait3A_1861, %dma_wait3A_1862] : memref<384x128xf32, #tpu.memory_space<vmem>> -> memref<128x128xf32, #tpu.memory_space<vmem>>
      %dma_wait3A_1864 = arith.constant 0 : i32
      %dma_wait3A_1865 = arith.constant 0 : i32
      %dma_wait3A_1866 = tpu.memref_slice %arg6[%dma_wait3A_1864, %dma_wait3A_1865] : memref<10016x128xf32, #tpu.memory_space<vmem_shared>> -> memref<128x128xf32, #tpu.memory_space<vmem_shared>>
      %dma_wait3A_1867 = arith.constant 0 : i32
      %dma_wait3A_1868 = arith.constant 0 : i32
      %dma_wait3A_1869 = tpu.memref_slice %arg6[%dma_wait3A_1867, %dma_wait3A_1868] : memref<10016x128xf32, #tpu.memory_space<vmem_shared>> -> memref<128x128xf32, #tpu.memory_space<vmem_shared>>
      %dma_wait3A_1870 = arith.constant 0 : i32
      %dma_wait3A_1871 = arith.constant 0 : i32
      %dma_wait3A_1872 = tpu.memref_slice %arg9[%dma_wait3A_1870, %dma_wait3A_1871] : memref<384x128xf32, #tpu.memory_space<vmem>> -> memref<128x128xf32, #tpu.memory_space<vmem>>
      tpu.wait_dma2 semaphore(%arg11 : memref<!tpu.dma_semaphore, #tpu.memory_space<semaphore_mem>>) src(%dma_wait3A_1872 : memref<128x128xf32, #tpu.memory_space<vmem>>) dst(%dma_wait3A_1869 : memref<128x128xf32, #tpu.memory_space<vmem_shared>>)
      %dma_start3A_1873 = arith.constant 4 : i32
      %dma_start3A_1874 = arith.constant 0 : i32
      %dma_start3A_1875 = arith.constant 128 : i32
      %dma_start3A_1876 = arith.constant 0 : i32
      %dma_start3A_1877 = tpu.memref_slice %arg9[%dma_start3A_1875, %dma_start3A_1876] : memref<384x128xf32, #tpu.memory_space<vmem>> -> memref<128x128xf32, #tpu.memory_space<vmem>>
      %dma_start3A_1878 = arith.constant 0 : i32
      %dma_start3A_1879 = tpu.memref_slice %arg7[%dma_start3A_1873, %dma_start3A_1874, %dma_start3A_1878] : memref<5x2x128xi32, #tpu.memory_space<vmem>> -> memref<1x1x128xi32, #tpu.memory_space<vmem>>
      %dma_start3A_1880 = tpu.memref_squeeze %dma_start3A_1879 : memref<1x1x128xi32, #tpu.memory_space<vmem>> -> memref<128xi32, #tpu.memory_space<vmem>>
      %dma_start3A_1881 = arith.constant 0 : i32
      %dma_start3A_1882 = arith.constant 0 : i32
      %dma_start3A_1883 = tpu.memref_slice %arg2[%dma_start3A_1881, %dma_start3A_1882] : memref<20000x128xf32, #tpu.memory_space<hbm>> -> memref<20000x128xf32, #tpu.memory_space<hbm>>
      tpu.enqueue_indirect_dma source(%dma_start3A_1883 : memref<20000x128xf32, #tpu.memory_space<hbm>>) target(%dma_start3A_1877 : memref<128x128xf32, #tpu.memory_space<vmem>>) offsets(%dma_start3A_1880 : memref<128xi32, #tpu.memory_space<vmem>>) semaphore(%arg10 : memref<!tpu.dma_semaphore, #tpu.memory_space<semaphore_mem>>)
      %dma_wait3A_1884 = arith.constant 0 : i32
      %dma_wait3A_1885 = arith.constant 0 : i32
      %dma_wait3A_1886 = tpu.memref_slice %arg9[%dma_wait3A_1884, %dma_wait3A_1885] : memref<384x128xf32, #tpu.memory_space<vmem>> -> memref<128x128xf32, #tpu.memory_space<vmem>>
      %dma_wait3A_1887 = arith.constant 0 : i32
      %dma_wait3A_1888 = arith.constant 0 : i32
      %dma_wait3A_1889 = tpu.memref_slice %arg2[%dma_wait3A_1887, %dma_wait3A_1888] : memref<20000x128xf32, #tpu.memory_space<hbm>> -> memref<128x128xf32, #tpu.memory_space<hbm>>
      %dma_wait3A_1890 = arith.constant 0 : i32
      %dma_wait3A_1891 = arith.constant 0 : i32
      %dma_wait3A_1892 = tpu.memref_slice %arg9[%dma_wait3A_1890, %dma_wait3A_1891] : memref<384x128xf32, #tpu.memory_space<vmem>> -> memref<128x128xf32, #tpu.memory_space<vmem>>
      %dma_wait3A_1893 = arith.constant 0 : i32
      %dma_wait3A_1894 = arith.constant 0 : i32
      %dma_wait3A_1895 = tpu.memref_slice %arg2[%dma_wait3A_1893, %dma_wait3A_1894] : memref<20000x128xf32, #tpu.memory_space<hbm>> -> memref<128x128xf32, #tpu.memory_space<hbm>>
      tpu.wait_dma2 semaphore(%arg10 : memref<!tpu.dma_semaphore, #tpu.memory_space<semaphore_mem>>) src(%dma_wait3A_1895 : memref<128x128xf32, #tpu.memory_space<hbm>>) dst(%dma_wait3A_1892 : memref<128x128xf32, #tpu.memory_space<vmem>>)
      %get3A_1896 = arith.constant 3 : i32
      %get3A_1897 = arith.constant 1 : i32
      %get3A_1898 = arith.index_cast %get3A_1896 : i32 to index
      %get3A_1899 = arith.index_cast %get3A_1897 : i32 to index
      %get3A_1900 = arith.constant 0 : index
      %get3A_1901 = tpu.vector_load %arg7[%get3A_1898, %get3A_1899, %get3A_1900] {strides = array<i32>} : memref<5x2x128xi32, #tpu.memory_space<vmem>>, vector<1x1x16xi32>,
      %get3A_1902 = vector.shape_cast %get3A_1901 : vector<1x1x16xi32> to vector<16xi32>
      %swap3A_1903 = arith.constant 0 : i32
      %swap3A_1904 = arith.index_cast %swap3A_1903 : i32 to index
      %swap3A_1905 = arith.constant 0 : index
      %swap3A_1906 = tpu.vector_load %arg8[%swap3A_1904, %swap3A_1905] {strides = array<i32>} : memref<3x128xi32, #tpu.memory_space<vmem>>, vector<1x16xi32>,
      %swap3A_1907 = vector.shape_cast %swap3A_1906 : vector<1x16xi32> to vector<16xi32>
      %swap3A_1908 = vector.shape_cast %get3A_1902 : vector<16xi32> to vector<1x16xi32>
      tpu.vector_store %arg8[%swap3A_1904, %swap3A_1905], %swap3A_1908 {strides = array<i32>} : memref<3x128xi32, #tpu.memory_space<vmem>>, vector<1x16xi32>,
      %get3A_1909 = arith.constant 3 : i32
      %get3A_1910 = arith.constant 1 : i32
      %get3A_1911 = arith.index_cast %get3A_1909 : i32 to index
      %get3A_1912 = arith.index_cast %get3A_1910 : i32 to index
      %get3A_1913 = arith.constant 16 : index
      %get3A_1914 = tpu.vector_load %arg7[%get3A_1911, %get3A_1912, %get3A_1913] {strides = array<i32>} : memref<5x2x128xi32, #tpu.memory_space<vmem>>, vector<1x1x16xi32>,
      %get3A_1915 = vector.shape_cast %get3A_1914 : vector<1x1x16xi32> to vector<16xi32>
      %swap3A_1916 = arith.constant 0 : i32
      %swap3A_1917 = arith.index_cast %swap3A_1916 : i32 to index
      %swap3A_1918 = arith.constant 16 : index
      %swap3A_1919 = tpu.vector_load %arg8[%swap3A_1917, %swap3A_1918] {strides = array<i32>} : memref<3x128xi32, #tpu.memory_space<vmem>>, vector<1x16xi32>,
      %swap3A_1920 = vector.shape_cast %swap3A_1919 : vector<1x16xi32> to vector<16xi32>
      %swap3A_1921 = vector.shape_cast %get3A_1915 : vector<16xi32> to vector<1x16xi32>
      tpu.vector_store %arg8[%swap3A_1917, %swap3A_1918], %swap3A_1921 {strides = array<i32>} : memref<3x128xi32, #tpu.memory_space<vmem>>, vector<1x16xi32>,
      %get3A_1922 = arith.constant 3 : i32
      %get3A_1923 = arith.constant 1 : i32
      %get3A_1924 = arith.index_cast %get3A_1922 : i32 to index
      %get3A_1925 = arith.index_cast %get3A_1923 : i32 to index
      %get3A_1926 = arith.constant 32 : index
      %get3A_1927 = tpu.vector_load %arg7[%get3A_1924, %get3A_1925, %get3A_1926] {strides = array<i32>} : memref<5x2x128xi32, #tpu.memory_space<vmem>>, vector<1x1x16xi32>,
      %get3A_1928 = vector.shape_cast %get3A_1927 : vector<1x1x16xi32> to vector<16xi32>
      %swap3A_1929 = arith.constant 0 : i32
      %swap3A_1930 = arith.index_cast %swap3A_1929 : i32 to index
      %swap3A_1931 = arith.constant 32 : index
      %swap3A_1932 = tpu.vector_load %arg8[%swap3A_1930, %swap3A_1931] {strides = array<i32>} : memref<3x128xi32, #tpu.memory_space<vmem>>, vector<1x16xi32>,
      %swap3A_1933 = vector.shape_cast %swap3A_1932 : vector<1x16xi32> to vector<16xi32>
      %swap3A_1934 = vector.shape_cast %get3A_1928 : vector<16xi32> to vector<1x16xi32>
      tpu.vector_store %arg8[%swap3A_1930, %swap3A_1931], %swap3A_1934 {strides = array<i32>} : memref<3x128xi32, #tpu.memory_space<vmem>>, vector<1x16xi32>,
      %get3A_1935 = arith.constant 3 : i32
      %get3A_1936 = arith.constant 1 : i32
      %get3A_1937 = arith.index_cast %get3A_1935 : i32 to index
      %get3A_1938 = arith.index_cast %get3A_1936 : i32 to index
      %get3A_1939 = arith.constant 48 : index
      %get3A_1940 = tpu.vector_load %arg7[%get3A_1937, %get3A_1938, %get3A_1939] {strides = array<i32>} : memref<5x2x128xi32, #tpu.memory_space<vmem>>, vector<1x1x16xi32>,
      %get3A_1941 = vector.shape_cast %get3A_1940 : vector<1x1x16xi32> to vector<16xi32>
      %swap3A_1942 = arith.constant 0 : i32
      %swap3A_1943 = arith.index_cast %swap3A_1942 : i32 to index
      %swap3A_1944 = arith.constant 48 : index
      %swap3A_1945 = tpu.vector_load %arg8[%swap3A_1943, %swap3A_1944] {strides = array<i32>} : memref<3x128xi32, #tpu.memory_space<vmem>>, vector<1x16xi32>,
      %swap3A_1946 = vector.shape_cast %swap3A_1945 : vector<1x16xi32> to vector<16xi32>
      %swap3A_1947 = vector.shape_cast %get3A_1941 : vector<16xi32> to vector<1x16xi32>
      tpu.vector_store %arg8[%swap3A_1943, %swap3A_1944], %swap3A_1947 {strides = array<i32>} : memref<3x128xi32, #tpu.memory_space<vmem>>, vector<1x16xi32>,
      %get3A_1948 = arith.constant 3 : i32
      %get3A_1949 = arith.constant 1 : i32
      %get3A_1950 = arith.index_cast %get3A_1948 : i32 to index
      %get3A_1951 = arith.index_cast %get3A_1949 : i32 to index
      %get3A_1952 = arith.constant 64 : index
      %get3A_1953 = tpu.vector_load %arg7[%get3A_1950, %get3A_1951, %get3A_1952] {strides = array<i32>} : memref<5x2x128xi32, #tpu.memory_space<vmem>>, vector<1x1x16xi32>,
      %get3A_1954 = vector.shape_cast %get3A_1953 : vector<1x1x16xi32> to vector<16xi32>
      %swap3A_1955 = arith.constant 0 : i32
      %swap3A_1956 = arith.index_cast %swap3A_1955 : i32 to index
      %swap3A_1957 = arith.constant 64 : index
      %swap3A_1958 = tpu.vector_load %arg8[%swap3A_1956, %swap3A_1957] {strides = array<i32>} : memref<3x128xi32, #tpu.memory_space<vmem>>, vector<1x16xi32>,
      %swap3A_1959 = vector.shape_cast %swap3A_1958 : vector<1x16xi32> to vector<16xi32>
      %swap3A_1960 = vector.shape_cast %get3A_1954 : vector<16xi32> to vector<1x16xi32>
      tpu.vector_store %arg8[%swap3A_1956, %swap3A_1957], %swap3A_1960 {strides = array<i32>} : memref<3x128xi32, #tpu.memory_space<vmem>>, vector<1x16xi32>,
      %get3A_1961 = arith.constant 3 : i32
      %get3A_1962 = arith.constant 1 : i32
      %get3A_1963 = arith.index_cast %get3A_1961 : i32 to index
      %get3A_1964 = arith.index_cast %get3A_1962 : i32 to index
      %get3A_1965 = arith.constant 80 : index
      %get3A_1966 = tpu.vector_load %arg7[%get3A_1963, %get3A_1964, %get3A_1965] {strides = array<i32>} : memref<5x2x128xi32, #tpu.memory_space<vmem>>, vector<1x1x16xi32>,
      %get3A_1967 = vector.shape_cast %get3A_1966 : vector<1x1x16xi32> to vector<16xi32>
      %swap3A_1968 = arith.constant 0 : i32
      %swap3A_1969 = arith.index_cast %swap3A_1968 : i32 to index
      %swap3A_1970 = arith.constant 80 : index
      %swap3A_1971 = tpu.vector_load %arg8[%swap3A_1969, %swap3A_1970] {strides = array<i32>} : memref<3x128xi32, #tpu.memory_space<vmem>>, vector<1x16xi32>,
      %swap3A_1972 = vector.shape_cast %swap3A_1971 : vector<1x16xi32> to vector<16xi32>
      %swap3A_1973 = vector.shape_cast %get3A_1967 : vector<16xi32> to vector<1x16xi32>
      tpu.vector_store %arg8[%swap3A_1969, %swap3A_1970], %swap3A_1973 {strides = array<i32>} : memref<3x128xi32, #tpu.memory_space<vmem>>, vector<1x16xi32>,
      %get3A_1974 = arith.constant 3 : i32
      %get3A_1975 = arith.constant 1 : i32
      %get3A_1976 = arith.index_cast %get3A_1974 : i32 to index
      %get3A_1977 = arith.index_cast %get3A_1975 : i32 to index
      %get3A_1978 = arith.constant 96 : index
      %get3A_1979 = tpu.vector_load %arg7[%get3A_1976, %get3A_1977, %get3A_1978] {strides = array<i32>} : memref<5x2x128xi32, #tpu.memory_space<vmem>>, vector<1x1x16xi32>,
      %get3A_1980 = vector.shape_cast %get3A_1979 : vector<1x1x16xi32> to vector<16xi32>
      %swap3A_1981 = arith.constant 0 : i32
      %swap3A_1982 = arith.index_cast %swap3A_1981 : i32 to index
      %swap3A_1983 = arith.constant 96 : index
      %swap3A_1984 = tpu.vector_load %arg8[%swap3A_1982, %swap3A_1983] {strides = array<i32>} : memref<3x128xi32, #tpu.memory_space<vmem>>, vector<1x16xi32>,
      %swap3A_1985 = vector.shape_cast %swap3A_1984 : vector<1x16xi32> to vector<16xi32>
      %swap3A_1986 = vector.shape_cast %get3A_1980 : vector<16xi32> to vector<1x16xi32>
      tpu.vector_store %arg8[%swap3A_1982, %swap3A_1983], %swap3A_1986 {strides = array<i32>} : memref<3x128xi32, #tpu.memory_space<vmem>>, vector<1x16xi32>,
      %get3A_1987 = arith.constant 3 : i32
      %get3A_1988 = arith.constant 1 : i32
      %get3A_1989 = arith.index_cast %get3A_1987 : i32 to index
      %get3A_1990 = arith.index_cast %get3A_1988 : i32 to index
      %get3A_1991 = arith.constant 112 : index
      %get3A_1992 = tpu.vector_load %arg7[%get3A_1989, %get3A_1990, %get3A_1991] {strides = array<i32>} : memref<5x2x128xi32, #tpu.memory_space<vmem>>, vector<1x1x16xi32>,
      %get3A_1993 = vector.shape_cast %get3A_1992 : vector<1x1x16xi32> to vector<16xi32>
      %swap3A_1994 = arith.constant 0 : i32
      %swap3A_1995 = arith.index_cast %swap3A_1994 : i32 to index
      %swap3A_1996 = arith.constant 112 : index
      %swap3A_1997 = tpu.vector_load %arg8[%swap3A_1995, %swap3A_1996] {strides = array<i32>} : memref<3x128xi32, #tpu.memory_space<vmem>>, vector<1x16xi32>,
      %swap3A_1998 = vector.shape_cast %swap3A_1997 : vector<1x16xi32> to vector<16xi32>
      %swap3A_1999 = vector.shape_cast %get3A_1993 : vector<16xi32> to vector<1x16xi32>
      tpu.vector_store %arg8[%swap3A_1995, %swap3A_1996], %swap3A_1999 {strides = array<i32>} : memref<3x128xi32, #tpu.memory_space<vmem>>, vector<1x16xi32>,
      %dma_start3A_2000 = arith.constant 0 : i32
      %dma_start3A_2001 = arith.constant 0 : i32
      %dma_start3A_2002 = arith.constant 0 : i32
      %dma_start3A_2003 = tpu.memref_slice %arg9[%dma_start3A_2001, %dma_start3A_2002] : memref<384x128xf32, #tpu.memory_space<vmem>> -> memref<128x128xf32, #tpu.memory_space<vmem>>
      %dma_start3A_2004 = arith.constant 0 : i32
      %dma_start3A_2005 = tpu.memref_slice %arg8[%dma_start3A_2000, %dma_start3A_2004] : memref<3x128xi32, #tpu.memory_space<vmem>> -> memref<1x128xi32, #tpu.memory_space<vmem>>
      %dma_start3A_2006 = tpu.memref_squeeze %dma_start3A_2005 : memref<1x128xi32, #tpu.memory_space<vmem>> -> memref<128xi32, #tpu.memory_space<vmem>>
      %dma_start3A_2007 = arith.constant 0 : i32
      %dma_start3A_2008 = arith.constant 0 : i32
      %dma_start3A_2009 = tpu.memref_slice %arg6[%dma_start3A_2007, %dma_start3A_2008] : memref<10016x128xf32, #tpu.memory_space<vmem_shared>> -> memref<10016x128xf32, #tpu.memory_space<vmem_shared>>
      tpu.enqueue_indirect_dma source(%dma_start3A_2003 : memref<128x128xf32, #tpu.memory_space<vmem>>) target(%dma_start3A_2009 : memref<10016x128xf32, #tpu.memory_space<vmem_shared>>) offsets(%dma_start3A_2006 : memref<128xi32, #tpu.memory_space<vmem>>) semaphore(%arg11 : memref<!tpu.dma_semaphore, #tpu.memory_space<semaphore_mem>>) {add = true}
      %dma_wait3A_2010 = arith.constant 0 : i32
      %dma_wait3A_2011 = arith.constant 0 : i32
      %dma_wait3A_2012 = tpu.memref_slice %arg9[%dma_wait3A_2010, %dma_wait3A_2011] : memref<384x128xf32, #tpu.memory_space<vmem>> -> memref<128x128xf32, #tpu.memory_space<vmem>>
      %dma_wait3A_2013 = arith.constant 0 : i32
      %dma_wait3A_2014 = arith.constant 0 : i32
      %dma_wait3A_2015 = tpu.memref_slice %arg2[%dma_wait3A_2013, %dma_wait3A_2014] : memref<20000x128xf32, #tpu.memory_space<hbm>> -> memref<128x128xf32, #tpu.memory_space<hbm>>
      %dma_wait3A_2016 = arith.constant 0 : i32
      %dma_wait3A_2017 = arith.constant 0 : i32
      %dma_wait3A_2018 = tpu.memref_slice %arg9[%dma_wait3A_2016, %dma_wait3A_2017] : memref<384x128xf32, #tpu.memory_space<vmem>> -> memref<128x128xf32, #tpu.memory_space<vmem>>
      %dma_wait3A_2019 = arith.constant 0 : i32
      %dma_wait3A_2020 = arith.constant 0 : i32
      %dma_wait3A_2021 = tpu.memref_slice %arg2[%dma_wait3A_2019, %dma_wait3A_2020] : memref<20000x128xf32, #tpu.memory_space<hbm>> -> memref<128x128xf32, #tpu.memory_space<hbm>>
      tpu.wait_dma2 semaphore(%arg10 : memref<!tpu.dma_semaphore, #tpu.memory_space<semaphore_mem>>) src(%dma_wait3A_2021 : memref<128x128xf32, #tpu.memory_space<hbm>>) dst(%dma_wait3A_2018 : memref<128x128xf32, #tpu.memory_space<vmem>>)
      %get3A_2022 = arith.constant 4 : i32
      %get3A_2023 = arith.constant 1 : i32
      %get3A_2024 = arith.index_cast %get3A_2022 : i32 to index
      %get3A_2025 = arith.index_cast %get3A_2023 : i32 to index
      %get3A_2026 = arith.constant 0 : index
      %get3A_2027 = tpu.vector_load %arg7[%get3A_2024, %get3A_2025, %get3A_2026] {strides = array<i32>} : memref<5x2x128xi32, #tpu.memory_space<vmem>>, vector<1x1x16xi32>,
      %get3A_2028 = vector.shape_cast %get3A_2027 : vector<1x1x16xi32> to vector<16xi32>
      %swap3A_2029 = arith.constant 1 : i32
      %swap3A_2030 = arith.index_cast %swap3A_2029 : i32 to index
      %swap3A_2031 = arith.constant 0 : index
      %swap3A_2032 = tpu.vector_load %arg8[%swap3A_2030, %swap3A_2031] {strides = array<i32>} : memref<3x128xi32, #tpu.memory_space<vmem>>, vector<1x16xi32>,
      %swap3A_2033 = vector.shape_cast %swap3A_2032 : vector<1x16xi32> to vector<16xi32>
      %swap3A_2034 = vector.shape_cast %get3A_2028 : vector<16xi32> to vector<1x16xi32>
      tpu.vector_store %arg8[%swap3A_2030, %swap3A_2031], %swap3A_2034 {strides = array<i32>} : memref<3x128xi32, #tpu.memory_space<vmem>>, vector<1x16xi32>,
      %get3A_2035 = arith.constant 4 : i32
      %get3A_2036 = arith.constant 1 : i32
      %get3A_2037 = arith.index_cast %get3A_2035 : i32 to index
      %get3A_2038 = arith.index_cast %get3A_2036 : i32 to index
      %get3A_2039 = arith.constant 16 : index
      %get3A_2040 = tpu.vector_load %arg7[%get3A_2037, %get3A_2038, %get3A_2039] {strides = array<i32>} : memref<5x2x128xi32, #tpu.memory_space<vmem>>, vector<1x1x16xi32>,
      %get3A_2041 = vector.shape_cast %get3A_2040 : vector<1x1x16xi32> to vector<16xi32>
      %swap3A_2042 = arith.constant 1 : i32
      %swap3A_2043 = arith.index_cast %swap3A_2042 : i32 to index
      %swap3A_2044 = arith.constant 16 : index
      %swap3A_2045 = tpu.vector_load %arg8[%swap3A_2043, %swap3A_2044] {strides = array<i32>} : memref<3x128xi32, #tpu.memory_space<vmem>>, vector<1x16xi32>,
      %swap3A_2046 = vector.shape_cast %swap3A_2045 : vector<1x16xi32> to vector<16xi32>
      %swap3A_2047 = vector.shape_cast %get3A_2041 : vector<16xi32> to vector<1x16xi32>
      tpu.vector_store %arg8[%swap3A_2043, %swap3A_2044], %swap3A_2047 {strides = array<i32>} : memref<3x128xi32, #tpu.memory_space<vmem>>, vector<1x16xi32>,
      %get3A_2048 = arith.constant 4 : i32
      %get3A_2049 = arith.constant 1 : i32
      %get3A_2050 = arith.index_cast %get3A_2048 : i32 to index
      %get3A_2051 = arith.index_cast %get3A_2049 : i32 to index
      %get3A_2052 = arith.constant 32 : index
      %get3A_2053 = tpu.vector_load %arg7[%get3A_2050, %get3A_2051, %get3A_2052] {strides = array<i32>} : memref<5x2x128xi32, #tpu.memory_space<vmem>>, vector<1x1x16xi32>,
      %get3A_2054 = vector.shape_cast %get3A_2053 : vector<1x1x16xi32> to vector<16xi32>
      %swap3A_2055 = arith.constant 1 : i32
      %swap3A_2056 = arith.index_cast %swap3A_2055 : i32 to index
      %swap3A_2057 = arith.constant 32 : index
      %swap3A_2058 = tpu.vector_load %arg8[%swap3A_2056, %swap3A_2057] {strides = array<i32>} : memref<3x128xi32, #tpu.memory_space<vmem>>, vector<1x16xi32>,
      %swap3A_2059 = vector.shape_cast %swap3A_2058 : vector<1x16xi32> to vector<16xi32>
      %swap3A_2060 = vector.shape_cast %get3A_2054 : vector<16xi32> to vector<1x16xi32>
      tpu.vector_store %arg8[%swap3A_2056, %swap3A_2057], %swap3A_2060 {strides = array<i32>} : memref<3x128xi32, #tpu.memory_space<vmem>>, vector<1x16xi32>,
      %get3A_2061 = arith.constant 4 : i32
      %get3A_2062 = arith.constant 1 : i32
      %get3A_2063 = arith.index_cast %get3A_2061 : i32 to index
      %get3A_2064 = arith.index_cast %get3A_2062 : i32 to index
      %get3A_2065 = arith.constant 48 : index
      %get3A_2066 = tpu.vector_load %arg7[%get3A_2063, %get3A_2064, %get3A_2065] {strides = array<i32>} : memref<5x2x128xi32, #tpu.memory_space<vmem>>, vector<1x1x16xi32>,
      %get3A_2067 = vector.shape_cast %get3A_2066 : vector<1x1x16xi32> to vector<16xi32>
      %swap3A_2068 = arith.constant 1 : i32
      %swap3A_2069 = arith.index_cast %swap3A_2068 : i32 to index
      %swap3A_2070 = arith.constant 48 : index
      %swap3A_2071 = tpu.vector_load %arg8[%swap3A_2069, %swap3A_2070] {strides = array<i32>} : memref<3x128xi32, #tpu.memory_space<vmem>>, vector<1x16xi32>,
      %swap3A_2072 = vector.shape_cast %swap3A_2071 : vector<1x16xi32> to vector<16xi32>
      %swap3A_2073 = vector.shape_cast %get3A_2067 : vector<16xi32> to vector<1x16xi32>
      tpu.vector_store %arg8[%swap3A_2069, %swap3A_2070], %swap3A_2073 {strides = array<i32>} : memref<3x128xi32, #tpu.memory_space<vmem>>, vector<1x16xi32>,
      %get3A_2074 = arith.constant 4 : i32
      %get3A_2075 = arith.constant 1 : i32
      %get3A_2076 = arith.index_cast %get3A_2074 : i32 to index
      %get3A_2077 = arith.index_cast %get3A_2075 : i32 to index
      %get3A_2078 = arith.constant 64 : index
      %get3A_2079 = tpu.vector_load %arg7[%get3A_2076, %get3A_2077, %get3A_2078] {strides = array<i32>} : memref<5x2x128xi32, #tpu.memory_space<vmem>>, vector<1x1x16xi32>,
      %get3A_2080 = vector.shape_cast %get3A_2079 : vector<1x1x16xi32> to vector<16xi32>
      %swap3A_2081 = arith.constant 1 : i32
      %swap3A_2082 = arith.index_cast %swap3A_2081 : i32 to index
      %swap3A_2083 = arith.constant 64 : index
      %swap3A_2084 = tpu.vector_load %arg8[%swap3A_2082, %swap3A_2083] {strides = array<i32>} : memref<3x128xi32, #tpu.memory_space<vmem>>, vector<1x16xi32>,
      %swap3A_2085 = vector.shape_cast %swap3A_2084 : vector<1x16xi32> to vector<16xi32>
      %swap3A_2086 = vector.shape_cast %get3A_2080 : vector<16xi32> to vector<1x16xi32>
      tpu.vector_store %arg8[%swap3A_2082, %swap3A_2083], %swap3A_2086 {strides = array<i32>} : memref<3x128xi32, #tpu.memory_space<vmem>>, vector<1x16xi32>,
      %get3A_2087 = arith.constant 4 : i32
      %get3A_2088 = arith.constant 1 : i32
      %get3A_2089 = arith.index_cast %get3A_2087 : i32 to index
      %get3A_2090 = arith.index_cast %get3A_2088 : i32 to index
      %get3A_2091 = arith.constant 80 : index
      %get3A_2092 = tpu.vector_load %arg7[%get3A_2089, %get3A_2090, %get3A_2091] {strides = array<i32>} : memref<5x2x128xi32, #tpu.memory_space<vmem>>, vector<1x1x16xi32>,
      %get3A_2093 = vector.shape_cast %get3A_2092 : vector<1x1x16xi32> to vector<16xi32>
      %swap3A_2094 = arith.constant 1 : i32
      %swap3A_2095 = arith.index_cast %swap3A_2094 : i32 to index
      %swap3A_2096 = arith.constant 80 : index
      %swap3A_2097 = tpu.vector_load %arg8[%swap3A_2095, %swap3A_2096] {strides = array<i32>} : memref<3x128xi32, #tpu.memory_space<vmem>>, vector<1x16xi32>,
      %swap3A_2098 = vector.shape_cast %swap3A_2097 : vector<1x16xi32> to vector<16xi32>
      %swap3A_2099 = vector.shape_cast %get3A_2093 : vector<16xi32> to vector<1x16xi32>
      tpu.vector_store %arg8[%swap3A_2095, %swap3A_2096], %swap3A_2099 {strides = array<i32>} : memref<3x128xi32, #tpu.memory_space<vmem>>, vector<1x16xi32>,
      %get3A_2100 = arith.constant 4 : i32
      %get3A_2101 = arith.constant 1 : i32
      %get3A_2102 = arith.index_cast %get3A_2100 : i32 to index
      %get3A_2103 = arith.index_cast %get3A_2101 : i32 to index
      %get3A_2104 = arith.constant 96 : index
      %get3A_2105 = tpu.vector_load %arg7[%get3A_2102, %get3A_2103, %get3A_2104] {strides = array<i32>} : memref<5x2x128xi32, #tpu.memory_space<vmem>>, vector<1x1x16xi32>,
      %get3A_2106 = vector.shape_cast %get3A_2105 : vector<1x1x16xi32> to vector<16xi32>
      %swap3A_2107 = arith.constant 1 : i32
      %swap3A_2108 = arith.index_cast %swap3A_2107 : i32 to index
      %swap3A_2109 = arith.constant 96 : index
      %swap3A_2110 = tpu.vector_load %arg8[%swap3A_2108, %swap3A_2109] {strides = array<i32>} : memref<3x128xi32, #tpu.memory_space<vmem>>, vector<1x16xi32>,
      %swap3A_2111 = vector.shape_cast %swap3A_2110 : vector<1x16xi32> to vector<16xi32>
      %swap3A_2112 = vector.shape_cast %get3A_2106 : vector<16xi32> to vector<1x16xi32>
      tpu.vector_store %arg8[%swap3A_2108, %swap3A_2109], %swap3A_2112 {strides = array<i32>} : memref<3x128xi32, #tpu.memory_space<vmem>>, vector<1x16xi32>,
      %get3A_2113 = arith.constant 4 : i32
      %get3A_2114 = arith.constant 1 : i32
      %get3A_2115 = arith.index_cast %get3A_2113 : i32 to index
      %get3A_2116 = arith.index_cast %get3A_2114 : i32 to index
      %get3A_2117 = arith.constant 112 : index
      %get3A_2118 = tpu.vector_load %arg7[%get3A_2115, %get3A_2116, %get3A_2117] {strides = array<i32>} : memref<5x2x128xi32, #tpu.memory_space<vmem>>, vector<1x1x16xi32>,
      %get3A_2119 = vector.shape_cast %get3A_2118 : vector<1x1x16xi32> to vector<16xi32>
      %swap3A_2120 = arith.constant 1 : i32
      %swap3A_2121 = arith.index_cast %swap3A_2120 : i32 to index
      %swap3A_2122 = arith.constant 112 : index
      %swap3A_2123 = tpu.vector_load %arg8[%swap3A_2121, %swap3A_2122] {strides = array<i32>} : memref<3x128xi32, #tpu.memory_space<vmem>>, vector<1x16xi32>,
      %swap3A_2124 = vector.shape_cast %swap3A_2123 : vector<1x16xi32> to vector<16xi32>
      %swap3A_2125 = vector.shape_cast %get3A_2119 : vector<16xi32> to vector<1x16xi32>
      tpu.vector_store %arg8[%swap3A_2121, %swap3A_2122], %swap3A_2125 {strides = array<i32>} : memref<3x128xi32, #tpu.memory_space<vmem>>, vector<1x16xi32>,
      %dma_start3A_2126 = arith.constant 1 : i32
      %dma_start3A_2127 = arith.constant 128 : i32
      %dma_start3A_2128 = arith.constant 0 : i32
      %dma_start3A_2129 = tpu.memref_slice %arg9[%dma_start3A_2127, %dma_start3A_2128] : memref<384x128xf32, #tpu.memory_space<vmem>> -> memref<128x128xf32, #tpu.memory_space<vmem>>
      %dma_start3A_2130 = arith.constant 0 : i32
      %dma_start3A_2131 = tpu.memref_slice %arg8[%dma_start3A_2126, %dma_start3A_2130] : memref<3x128xi32, #tpu.memory_space<vmem>> -> memref<1x128xi32, #tpu.memory_space<vmem>>
      %dma_start3A_2132 = tpu.memref_squeeze %dma_start3A_2131 : memref<1x128xi32, #tpu.memory_space<vmem>> -> memref<128xi32, #tpu.memory_space<vmem>>
      %dma_start3A_2133 = arith.constant 0 : i32
      %dma_start3A_2134 = arith.constant 0 : i32
      %dma_start3A_2135 = tpu.memref_slice %arg6[%dma_start3A_2133, %dma_start3A_2134] : memref<10016x128xf32, #tpu.memory_space<vmem_shared>> -> memref<10016x128xf32, #tpu.memory_space<vmem_shared>>
      tpu.enqueue_indirect_dma source(%dma_start3A_2129 : memref<128x128xf32, #tpu.memory_space<vmem>>) target(%dma_start3A_2135 : memref<10016x128xf32, #tpu.memory_space<vmem_shared>>) offsets(%dma_start3A_2132 : memref<128xi32, #tpu.memory_space<vmem>>) semaphore(%arg11 : memref<!tpu.dma_semaphore, #tpu.memory_space<semaphore_mem>>) {add = true}
      %mul3A_2136 = arith.constant 5 : i32
      %mul3A_2137 = arith.muli %scan3A_1448, %mul3A_2136 : i32
      %add3A_2138 = arith.addi %mul3A_2, %mul3A_2137 : i32
      "tpu.region"() ({
        %run_scoped3A = tpu.sem_alloc : memref<!tpu.dma_semaphore, #tpu.memory_space<semaphore_mem>>
        %dma_start3A_2877 = arith.constant 0 : i32
        %dma_start3A_2878 = arith.constant 0 : i32
        %dma_start3A_2879 = tpu.memref_slice %arg3[%add3A_2138, %dma_start3A_2877, %dma_start3A_2878] : memref<1280x2x128xi32, #tpu.memory_space<hbm>> -> memref<5x2x128xi32, #tpu.memory_space<hbm>>
        %dma_start3A_2880 = arith.constant 0 : i32
        %dma_start3A_2881 = arith.constant 0 : i32
        %dma_start3A_2882 = tpu.memref_slice %arg3[%add3A_2138, %dma_start3A_2880, %dma_start3A_2881] : memref<1280x2x128xi32, #tpu.memory_space<hbm>> -> memref<5x2x128xi32, #tpu.memory_space<hbm>>
        tpu.enqueue_dma source(%dma_start3A_2882 : memref<5x2x128xi32, #tpu.memory_space<hbm>>) target(%arg7 : memref<5x2x128xi32, #tpu.memory_space<vmem>>) target_semaphore(%run_scoped3A : memref<!tpu.dma_semaphore, #tpu.memory_space<semaphore_mem>>)
        %dma_wait3A_2883 = arith.constant 0 : i32
        %dma_wait3A_2884 = arith.constant 0 : i32
        %dma_wait3A_2885 = tpu.memref_slice %arg3[%add3A_2138, %dma_wait3A_2883, %dma_wait3A_2884] : memref<1280x2x128xi32, #tpu.memory_space<hbm>> -> memref<5x2x128xi32, #tpu.memory_space<hbm>>
        %dma_wait3A_2886 = arith.constant 0 : i32
        %dma_wait3A_2887 = arith.constant 0 : i32
        %dma_wait3A_2888 = tpu.memref_slice %arg3[%add3A_2138, %dma_wait3A_2886, %dma_wait3A_2887] : memref<1280x2x128xi32, #tpu.memory_space<hbm>> -> memref<5x2x128xi32, #tpu.memory_space<hbm>>
        tpu.wait_dma2 semaphore(%run_scoped3A : memref<!tpu.dma_semaphore, #tpu.memory_space<semaphore_mem>>) src(%dma_wait3A_2888 : memref<5x2x128xi32, #tpu.memory_space<hbm>>) dst(%arg7 : memref<5x2x128xi32, #tpu.memory_space<vmem>>)
        tpu.yield
      }) : () -> ()
      %get3A_2139 = arith.constant 0 : i32
      %get3A_2140 = arith.constant 0 : i32
      %get3A_2141 = arith.index_cast %get3A_2139 : i32 to index
      %get3A_2142 = arith.index_cast %get3A_2140 : i32 to index
      %get3A_2143 = arith.constant 0 : index
      %get3A_2144 = tpu.vector_load %arg7[%get3A_2141, %get3A_2142, %get3A_2143] {strides = array<i32>} : memref<5x2x128xi32, #tpu.memory_space<vmem>>, vector<1x1x16xi32>,
      %get3A_2145 = vector.shape_cast %get3A_2144 : vector<1x1x16xi32> to vector<16xi32>
      %add3A_2146 = vector.broadcast %mul3A_4 : i32 to vector<16xi32>
      %add3A_2147 = arith.addi %get3A_2145, %add3A_2146 : vector<16xi32>
      %swap3A_2148 = arith.constant 0 : i32
      %swap3A_2149 = arith.constant 0 : i32
      %swap3A_2150 = arith.index_cast %swap3A_2148 : i32 to index
      %swap3A_2151 = arith.index_cast %swap3A_2149 : i32 to index
      %swap3A_2152 = arith.constant 0 : index
      %swap3A_2153 = tpu.vector_load %arg7[%swap3A_2150, %swap3A_2151, %swap3A_2152] {strides = array<i32>} : memref<5x2x128xi32, #tpu.memory_space<vmem>>, vector<1x1x16xi32>,
      %swap3A_2154 = vector.shape_cast %swap3A_2153 : vector<1x1x16xi32> to vector<16xi32>
      %swap3A_2155 = vector.shape_cast %add3A_2147 : vector<16xi32> to vector<1x1x16xi32>
      tpu.vector_store %arg7[%swap3A_2150, %swap3A_2151, %swap3A_2152], %swap3A_2155 {strides = array<i32>} : memref<5x2x128xi32, #tpu.memory_space<vmem>>, vector<1x1x16xi32>,
      %get3A_2156 = arith.constant 0 : i32
      %get3A_2157 = arith.constant 0 : i32
      %get3A_2158 = arith.index_cast %get3A_2156 : i32 to index
      %get3A_2159 = arith.index_cast %get3A_2157 : i32 to index
      %get3A_2160 = arith.constant 16 : index
      %get3A_2161 = tpu.vector_load %arg7[%get3A_2158, %get3A_2159, %get3A_2160] {strides = array<i32>} : memref<5x2x128xi32, #tpu.memory_space<vmem>>, vector<1x1x16xi32>,
      %get3A_2162 = vector.shape_cast %get3A_2161 : vector<1x1x16xi32> to vector<16xi32>
      %add3A_2163 = vector.broadcast %mul3A_4 : i32 to vector<16xi32>
      %add3A_2164 = arith.addi %get3A_2162, %add3A_2163 : vector<16xi32>
      %swap3A_2165 = arith.constant 0 : i32
      %swap3A_2166 = arith.constant 0 : i32
      %swap3A_2167 = arith.index_cast %swap3A_2165 : i32 to index
      %swap3A_2168 = arith.index_cast %swap3A_2166 : i32 to index
      %swap3A_2169 = arith.constant 16 : index
      %swap3A_2170 = tpu.vector_load %arg7[%swap3A_2167, %swap3A_2168, %swap3A_2169] {strides = array<i32>} : memref<5x2x128xi32, #tpu.memory_space<vmem>>, vector<1x1x16xi32>,
      %swap3A_2171 = vector.shape_cast %swap3A_2170 : vector<1x1x16xi32> to vector<16xi32>
      %swap3A_2172 = vector.shape_cast %add3A_2164 : vector<16xi32> to vector<1x1x16xi32>
      tpu.vector_store %arg7[%swap3A_2167, %swap3A_2168, %swap3A_2169], %swap3A_2172 {strides = array<i32>} : memref<5x2x128xi32, #tpu.memory_space<vmem>>, vector<1x1x16xi32>,
      %get3A_2173 = arith.constant 0 : i32
      %get3A_2174 = arith.constant 0 : i32
      %get3A_2175 = arith.index_cast %get3A_2173 : i32 to index
      %get3A_2176 = arith.index_cast %get3A_2174 : i32 to index
      %get3A_2177 = arith.constant 32 : index
      %get3A_2178 = tpu.vector_load %arg7[%get3A_2175, %get3A_2176, %get3A_2177] {strides = array<i32>} : memref<5x2x128xi32, #tpu.memory_space<vmem>>, vector<1x1x16xi32>,
      %get3A_2179 = vector.shape_cast %get3A_2178 : vector<1x1x16xi32> to vector<16xi32>
      %add3A_2180 = vector.broadcast %mul3A_4 : i32 to vector<16xi32>
      %add3A_2181 = arith.addi %get3A_2179, %add3A_2180 : vector<16xi32>
      %swap3A_2182 = arith.constant 0 : i32
      %swap3A_2183 = arith.constant 0 : i32
      %swap3A_2184 = arith.index_cast %swap3A_2182 : i32 to index
      %swap3A_2185 = arith.index_cast %swap3A_2183 : i32 to index
      %swap3A_2186 = arith.constant 32 : index
      %swap3A_2187 = tpu.vector_load %arg7[%swap3A_2184, %swap3A_2185, %swap3A_2186] {strides = array<i32>} : memref<5x2x128xi32, #tpu.memory_space<vmem>>, vector<1x1x16xi32>,
      %swap3A_2188 = vector.shape_cast %swap3A_2187 : vector<1x1x16xi32> to vector<16xi32>
      %swap3A_2189 = vector.shape_cast %add3A_2181 : vector<16xi32> to vector<1x1x16xi32>
      tpu.vector_store %arg7[%swap3A_2184, %swap3A_2185, %swap3A_2186], %swap3A_2189 {strides = array<i32>} : memref<5x2x128xi32, #tpu.memory_space<vmem>>, vector<1x1x16xi32>,
      %get3A_2190 = arith.constant 0 : i32
      %get3A_2191 = arith.constant 0 : i32
      %get3A_2192 = arith.index_cast %get3A_2190 : i32 to index
      %get3A_2193 = arith.index_cast %get3A_2191 : i32 to index
      %get3A_2194 = arith.constant 48 : index
      %get3A_2195 = tpu.vector_load %arg7[%get3A_2192, %get3A_2193, %get3A_2194] {strides = array<i32>} : memref<5x2x128xi32, #tpu.memory_space<vmem>>, vector<1x1x16xi32>,
      %get3A_2196 = vector.shape_cast %get3A_2195 : vector<1x1x16xi32> to vector<16xi32>
      %add3A_2197 = vector.broadcast %mul3A_4 : i32 to vector<16xi32>
      %add3A_2198 = arith.addi %get3A_2196, %add3A_2197 : vector<16xi32>
      %swap3A_2199 = arith.constant 0 : i32
      %swap3A_2200 = arith.constant 0 : i32
      %swap3A_2201 = arith.index_cast %swap3A_2199 : i32 to index
      %swap3A_2202 = arith.index_cast %swap3A_2200 : i32 to index
      %swap3A_2203 = arith.constant 48 : index
      %swap3A_2204 = tpu.vector_load %arg7[%swap3A_2201, %swap3A_2202, %swap3A_2203] {strides = array<i32>} : memref<5x2x128xi32, #tpu.memory_space<vmem>>, vector<1x1x16xi32>,
      %swap3A_2205 = vector.shape_cast %swap3A_2204 : vector<1x1x16xi32> to vector<16xi32>
      %swap3A_2206 = vector.shape_cast %add3A_2198 : vector<16xi32> to vector<1x1x16xi32>
      tpu.vector_store %arg7[%swap3A_2201, %swap3A_2202, %swap3A_2203], %swap3A_2206 {strides = array<i32>} : memref<5x2x128xi32, #tpu.memory_space<vmem>>, vector<1x1x16xi32>,
      %get3A_2207 = arith.constant 0 : i32
      %get3A_2208 = arith.constant 0 : i32
      %get3A_2209 = arith.index_cast %get3A_2207 : i32 to index
      %get3A_2210 = arith.index_cast %get3A_2208 : i32 to index
      %get3A_2211 = arith.constant 64 : index
      %get3A_2212 = tpu.vector_load %arg7[%get3A_2209, %get3A_2210, %get3A_2211] {strides = array<i32>} : memref<5x2x128xi32, #tpu.memory_space<vmem>>, vector<1x1x16xi32>,
      %get3A_2213 = vector.shape_cast %get3A_2212 : vector<1x1x16xi32> to vector<16xi32>
      %add3A_2214 = vector.broadcast %mul3A_4 : i32 to vector<16xi32>
      %add3A_2215 = arith.addi %get3A_2213, %add3A_2214 : vector<16xi32>
      %swap3A_2216 = arith.constant 0 : i32
      %swap3A_2217 = arith.constant 0 : i32
      %swap3A_2218 = arith.index_cast %swap3A_2216 : i32 to index
      %swap3A_2219 = arith.index_cast %swap3A_2217 : i32 to index
      %swap3A_2220 = arith.constant 64 : index
      %swap3A_2221 = tpu.vector_load %arg7[%swap3A_2218, %swap3A_2219, %swap3A_2220] {strides = array<i32>} : memref<5x2x128xi32, #tpu.memory_space<vmem>>, vector<1x1x16xi32>,
      %swap3A_2222 = vector.shape_cast %swap3A_2221 : vector<1x1x16xi32> to vector<16xi32>
      %swap3A_2223 = vector.shape_cast %add3A_2215 : vector<16xi32> to vector<1x1x16xi32>
      tpu.vector_store %arg7[%swap3A_2218, %swap3A_2219, %swap3A_2220], %swap3A_2223 {strides = array<i32>} : memref<5x2x128xi32, #tpu.memory_space<vmem>>, vector<1x1x16xi32>,
      %get3A_2224 = arith.constant 0 : i32
      %get3A_2225 = arith.constant 0 : i32
      %get3A_2226 = arith.index_cast %get3A_2224 : i32 to index
      %get3A_2227 = arith.index_cast %get3A_2225 : i32 to index
      %get3A_2228 = arith.constant 80 : index
      %get3A_2229 = tpu.vector_load %arg7[%get3A_2226, %get3A_2227, %get3A_2228] {strides = array<i32>} : memref<5x2x128xi32, #tpu.memory_space<vmem>>, vector<1x1x16xi32>,
      %get3A_2230 = vector.shape_cast %get3A_2229 : vector<1x1x16xi32> to vector<16xi32>
      %add3A_2231 = vector.broadcast %mul3A_4 : i32 to vector<16xi32>
      %add3A_2232 = arith.addi %get3A_2230, %add3A_2231 : vector<16xi32>
      %swap3A_2233 = arith.constant 0 : i32
      %swap3A_2234 = arith.constant 0 : i32
      %swap3A_2235 = arith.index_cast %swap3A_2233 : i32 to index
      %swap3A_2236 = arith.index_cast %swap3A_2234 : i32 to index
      %swap3A_2237 = arith.constant 80 : index
      %swap3A_2238 = tpu.vector_load %arg7[%swap3A_2235, %swap3A_2236, %swap3A_2237] {strides = array<i32>} : memref<5x2x128xi32, #tpu.memory_space<vmem>>, vector<1x1x16xi32>,
      %swap3A_2239 = vector.shape_cast %swap3A_2238 : vector<1x1x16xi32> to vector<16xi32>
      %swap3A_2240 = vector.shape_cast %add3A_2232 : vector<16xi32> to vector<1x1x16xi32>
      tpu.vector_store %arg7[%swap3A_2235, %swap3A_2236, %swap3A_2237], %swap3A_2240 {strides = array<i32>} : memref<5x2x128xi32, #tpu.memory_space<vmem>>, vector<1x1x16xi32>,
      %get3A_2241 = arith.constant 0 : i32
      %get3A_2242 = arith.constant 0 : i32
      %get3A_2243 = arith.index_cast %get3A_2241 : i32 to index
      %get3A_2244 = arith.index_cast %get3A_2242 : i32 to index
      %get3A_2245 = arith.constant 96 : index
      %get3A_2246 = tpu.vector_load %arg7[%get3A_2243, %get3A_2244, %get3A_2245] {strides = array<i32>} : memref<5x2x128xi32, #tpu.memory_space<vmem>>, vector<1x1x16xi32>,
      %get3A_2247 = vector.shape_cast %get3A_2246 : vector<1x1x16xi32> to vector<16xi32>
      %add3A_2248 = vector.broadcast %mul3A_4 : i32 to vector<16xi32>
      %add3A_2249 = arith.addi %get3A_2247, %add3A_2248 : vector<16xi32>
      %swap3A_2250 = arith.constant 0 : i32
      %swap3A_2251 = arith.constant 0 : i32
      %swap3A_2252 = arith.index_cast %swap3A_2250 : i32 to index
      %swap3A_2253 = arith.index_cast %swap3A_2251 : i32 to index
      %swap3A_2254 = arith.constant 96 : index
      %swap3A_2255 = tpu.vector_load %arg7[%swap3A_2252, %swap3A_2253, %swap3A_2254] {strides = array<i32>} : memref<5x2x128xi32, #tpu.memory_space<vmem>>, vector<1x1x16xi32>,
      %swap3A_2256 = vector.shape_cast %swap3A_2255 : vector<1x1x16xi32> to vector<16xi32>
      %swap3A_2257 = vector.shape_cast %add3A_2249 : vector<16xi32> to vector<1x1x16xi32>
      tpu.vector_store %arg7[%swap3A_2252, %swap3A_2253, %swap3A_2254], %swap3A_2257 {strides = array<i32>} : memref<5x2x128xi32, #tpu.memory_space<vmem>>, vector<1x1x16xi32>,
      %get3A_2258 = arith.constant 0 : i32
      %get3A_2259 = arith.constant 0 : i32
      %get3A_2260 = arith.index_cast %get3A_2258 : i32 to index
      %get3A_2261 = arith.index_cast %get3A_2259 : i32 to index
      %get3A_2262 = arith.constant 112 : index
      %get3A_2263 = tpu.vector_load %arg7[%get3A_2260, %get3A_2261, %get3A_2262] {strides = array<i32>} : memref<5x2x128xi32, #tpu.memory_space<vmem>>, vector<1x1x16xi32>,
      %get3A_2264 = vector.shape_cast %get3A_2263 : vector<1x1x16xi32> to vector<16xi32>
      %add3A_2265 = vector.broadcast %mul3A_4 : i32 to vector<16xi32>
      %add3A_2266 = arith.addi %get3A_2264, %add3A_2265 : vector<16xi32>
      %swap3A_2267 = arith.constant 0 : i32
      %swap3A_2268 = arith.constant 0 : i32
      %swap3A_2269 = arith.index_cast %swap3A_2267 : i32 to index
      %swap3A_2270 = arith.index_cast %swap3A_2268 : i32 to index
      %swap3A_2271 = arith.constant 112 : index
      %swap3A_2272 = tpu.vector_load %arg7[%swap3A_2269, %swap3A_2270, %swap3A_2271] {strides = array<i32>} : memref<5x2x128xi32, #tpu.memory_space<vmem>>, vector<1x1x16xi32>,
      %swap3A_2273 = vector.shape_cast %swap3A_2272 : vector<1x1x16xi32> to vector<16xi32>
      %swap3A_2274 = vector.shape_cast %add3A_2266 : vector<16xi32> to vector<1x1x16xi32>
      tpu.vector_store %arg7[%swap3A_2269, %swap3A_2270, %swap3A_2271], %swap3A_2274 {strides = array<i32>} : memref<5x2x128xi32, #tpu.memory_space<vmem>>, vector<1x1x16xi32>,
      %get3A_2275 = arith.constant 1 : i32
      %get3A_2276 = arith.constant 0 : i32
      %get3A_2277 = arith.index_cast %get3A_2275 : i32 to index
      %get3A_2278 = arith.index_cast %get3A_2276 : i32 to index
      %get3A_2279 = arith.constant 0 : index
      %get3A_2280 = tpu.vector_load %arg7[%get3A_2277, %get3A_2278, %get3A_2279] {strides = array<i32>} : memref<5x2x128xi32, #tpu.memory_space<vmem>>, vector<1x1x16xi32>,
      %get3A_2281 = vector.shape_cast %get3A_2280 : vector<1x1x16xi32> to vector<16xi32>
      %add3A_2282 = vector.broadcast %mul3A_4 : i32 to vector<16xi32>
      %add3A_2283 = arith.addi %get3A_2281, %add3A_2282 : vector<16xi32>
      %swap3A_2284 = arith.constant 1 : i32
      %swap3A_2285 = arith.constant 0 : i32
      %swap3A_2286 = arith.index_cast %swap3A_2284 : i32 to index
      %swap3A_2287 = arith.index_cast %swap3A_2285 : i32 to index
      %swap3A_2288 = arith.constant 0 : index
      %swap3A_2289 = tpu.vector_load %arg7[%swap3A_2286, %swap3A_2287, %swap3A_2288] {strides = array<i32>} : memref<5x2x128xi32, #tpu.memory_space<vmem>>, vector<1x1x16xi32>,
      %swap3A_2290 = vector.shape_cast %swap3A_2289 : vector<1x1x16xi32> to vector<16xi32>
      %swap3A_2291 = vector.shape_cast %add3A_2283 : vector<16xi32> to vector<1x1x16xi32>
      tpu.vector_store %arg7[%swap3A_2286, %swap3A_2287, %swap3A_2288], %swap3A_2291 {strides = array<i32>} : memref<5x2x128xi32, #tpu.memory_space<vmem>>, vector<1x1x16xi32>,
      %get3A_2292 = arith.constant 1 : i32
      %get3A_2293 = arith.constant 0 : i32
      %get3A_2294 = arith.index_cast %get3A_2292 : i32 to index
      %get3A_2295 = arith.index_cast %get3A_2293 : i32 to index
      %get3A_2296 = arith.constant 16 : index
      %get3A_2297 = tpu.vector_load %arg7[%get3A_2294, %get3A_2295, %get3A_2296] {strides = array<i32>} : memref<5x2x128xi32, #tpu.memory_space<vmem>>, vector<1x1x16xi32>,
      %get3A_2298 = vector.shape_cast %get3A_2297 : vector<1x1x16xi32> to vector<16xi32>
      %add3A_2299 = vector.broadcast %mul3A_4 : i32 to vector<16xi32>
      %add3A_2300 = arith.addi %get3A_2298, %add3A_2299 : vector<16xi32>
      %swap3A_2301 = arith.constant 1 : i32
      %swap3A_2302 = arith.constant 0 : i32
      %swap3A_2303 = arith.index_cast %swap3A_2301 : i32 to index
      %swap3A_2304 = arith.index_cast %swap3A_2302 : i32 to index
      %swap3A_2305 = arith.constant 16 : index
      %swap3A_2306 = tpu.vector_load %arg7[%swap3A_2303, %swap3A_2304, %swap3A_2305] {strides = array<i32>} : memref<5x2x128xi32, #tpu.memory_space<vmem>>, vector<1x1x16xi32>,
      %swap3A_2307 = vector.shape_cast %swap3A_2306 : vector<1x1x16xi32> to vector<16xi32>
      %swap3A_2308 = vector.shape_cast %add3A_2300 : vector<16xi32> to vector<1x1x16xi32>
      tpu.vector_store %arg7[%swap3A_2303, %swap3A_2304, %swap3A_2305], %swap3A_2308 {strides = array<i32>} : memref<5x2x128xi32, #tpu.memory_space<vmem>>, vector<1x1x16xi32>,
      %get3A_2309 = arith.constant 1 : i32
      %get3A_2310 = arith.constant 0 : i32
      %get3A_2311 = arith.index_cast %get3A_2309 : i32 to index
      %get3A_2312 = arith.index_cast %get3A_2310 : i32 to index
      %get3A_2313 = arith.constant 32 : index
      %get3A_2314 = tpu.vector_load %arg7[%get3A_2311, %get3A_2312, %get3A_2313] {strides = array<i32>} : memref<5x2x128xi32, #tpu.memory_space<vmem>>, vector<1x1x16xi32>,
      %get3A_2315 = vector.shape_cast %get3A_2314 : vector<1x1x16xi32> to vector<16xi32>
      %add3A_2316 = vector.broadcast %mul3A_4 : i32 to vector<16xi32>
      %add3A_2317 = arith.addi %get3A_2315, %add3A_2316 : vector<16xi32>
      %swap3A_2318 = arith.constant 1 : i32
      %swap3A_2319 = arith.constant 0 : i32
      %swap3A_2320 = arith.index_cast %swap3A_2318 : i32 to index
      %swap3A_2321 = arith.index_cast %swap3A_2319 : i32 to index
      %swap3A_2322 = arith.constant 32 : index
      %swap3A_2323 = tpu.vector_load %arg7[%swap3A_2320, %swap3A_2321, %swap3A_2322] {strides = array<i32>} : memref<5x2x128xi32, #tpu.memory_space<vmem>>, vector<1x1x16xi32>,
      %swap3A_2324 = vector.shape_cast %swap3A_2323 : vector<1x1x16xi32> to vector<16xi32>
      %swap3A_2325 = vector.shape_cast %add3A_2317 : vector<16xi32> to vector<1x1x16xi32>
      tpu.vector_store %arg7[%swap3A_2320, %swap3A_2321, %swap3A_2322], %swap3A_2325 {strides = array<i32>} : memref<5x2x128xi32, #tpu.memory_space<vmem>>, vector<1x1x16xi32>,
      %get3A_2326 = arith.constant 1 : i32
      %get3A_2327 = arith.constant 0 : i32
      %get3A_2328 = arith.index_cast %get3A_2326 : i32 to index
      %get3A_2329 = arith.index_cast %get3A_2327 : i32 to index
      %get3A_2330 = arith.constant 48 : index
      %get3A_2331 = tpu.vector_load %arg7[%get3A_2328, %get3A_2329, %get3A_2330] {strides = array<i32>} : memref<5x2x128xi32, #tpu.memory_space<vmem>>, vector<1x1x16xi32>,
      %get3A_2332 = vector.shape_cast %get3A_2331 : vector<1x1x16xi32> to vector<16xi32>
      %add3A_2333 = vector.broadcast %mul3A_4 : i32 to vector<16xi32>
      %add3A_2334 = arith.addi %get3A_2332, %add3A_2333 : vector<16xi32>
      %swap3A_2335 = arith.constant 1 : i32
      %swap3A_2336 = arith.constant 0 : i32
      %swap3A_2337 = arith.index_cast %swap3A_2335 : i32 to index
      %swap3A_2338 = arith.index_cast %swap3A_2336 : i32 to index
      %swap3A_2339 = arith.constant 48 : index
      %swap3A_2340 = tpu.vector_load %arg7[%swap3A_2337, %swap3A_2338, %swap3A_2339] {strides = array<i32>} : memref<5x2x128xi32, #tpu.memory_space<vmem>>, vector<1x1x16xi32>,
      %swap3A_2341 = vector.shape_cast %swap3A_2340 : vector<1x1x16xi32> to vector<16xi32>
      %swap3A_2342 = vector.shape_cast %add3A_2334 : vector<16xi32> to vector<1x1x16xi32>
      tpu.vector_store %arg7[%swap3A_2337, %swap3A_2338, %swap3A_2339], %swap3A_2342 {strides = array<i32>} : memref<5x2x128xi32, #tpu.memory_space<vmem>>, vector<1x1x16xi32>,
      %get3A_2343 = arith.constant 1 : i32
      %get3A_2344 = arith.constant 0 : i32
      %get3A_2345 = arith.index_cast %get3A_2343 : i32 to index
      %get3A_2346 = arith.index_cast %get3A_2344 : i32 to index
      %get3A_2347 = arith.constant 64 : index
      %get3A_2348 = tpu.vector_load %arg7[%get3A_2345, %get3A_2346, %get3A_2347] {strides = array<i32>} : memref<5x2x128xi32, #tpu.memory_space<vmem>>, vector<1x1x16xi32>,
      %get3A_2349 = vector.shape_cast %get3A_2348 : vector<1x1x16xi32> to vector<16xi32>
      %add3A_2350 = vector.broadcast %mul3A_4 : i32 to vector<16xi32>
      %add3A_2351 = arith.addi %get3A_2349, %add3A_2350 : vector<16xi32>
      %swap3A_2352 = arith.constant 1 : i32
      %swap3A_2353 = arith.constant 0 : i32
      %swap3A_2354 = arith.index_cast %swap3A_2352 : i32 to index
      %swap3A_2355 = arith.index_cast %swap3A_2353 : i32 to index
      %swap3A_2356 = arith.constant 64 : index
      %swap3A_2357 = tpu.vector_load %arg7[%swap3A_2354, %swap3A_2355, %swap3A_2356] {strides = array<i32>} : memref<5x2x128xi32, #tpu.memory_space<vmem>>, vector<1x1x16xi32>,
      %swap3A_2358 = vector.shape_cast %swap3A_2357 : vector<1x1x16xi32> to vector<16xi32>
      %swap3A_2359 = vector.shape_cast %add3A_2351 : vector<16xi32> to vector<1x1x16xi32>
      tpu.vector_store %arg7[%swap3A_2354, %swap3A_2355, %swap3A_2356], %swap3A_2359 {strides = array<i32>} : memref<5x2x128xi32, #tpu.memory_space<vmem>>, vector<1x1x16xi32>,
      %get3A_2360 = arith.constant 1 : i32
      %get3A_2361 = arith.constant 0 : i32
      %get3A_2362 = arith.index_cast %get3A_2360 : i32 to index
      %get3A_2363 = arith.index_cast %get3A_2361 : i32 to index
      %get3A_2364 = arith.constant 80 : index
      %get3A_2365 = tpu.vector_load %arg7[%get3A_2362, %get3A_2363, %get3A_2364] {strides = array<i32>} : memref<5x2x128xi32, #tpu.memory_space<vmem>>, vector<1x1x16xi32>,
      %get3A_2366 = vector.shape_cast %get3A_2365 : vector<1x1x16xi32> to vector<16xi32>
      %add3A_2367 = vector.broadcast %mul3A_4 : i32 to vector<16xi32>
      %add3A_2368 = arith.addi %get3A_2366, %add3A_2367 : vector<16xi32>
      %swap3A_2369 = arith.constant 1 : i32
      %swap3A_2370 = arith.constant 0 : i32
      %swap3A_2371 = arith.index_cast %swap3A_2369 : i32 to index
      %swap3A_2372 = arith.index_cast %swap3A_2370 : i32 to index
      %swap3A_2373 = arith.constant 80 : index
      %swap3A_2374 = tpu.vector_load %arg7[%swap3A_2371, %swap3A_2372, %swap3A_2373] {strides = array<i32>} : memref<5x2x128xi32, #tpu.memory_space<vmem>>, vector<1x1x16xi32>,
      %swap3A_2375 = vector.shape_cast %swap3A_2374 : vector<1x1x16xi32> to vector<16xi32>
      %swap3A_2376 = vector.shape_cast %add3A_2368 : vector<16xi32> to vector<1x1x16xi32>
      tpu.vector_store %arg7[%swap3A_2371, %swap3A_2372, %swap3A_2373], %swap3A_2376 {strides = array<i32>} : memref<5x2x128xi32, #tpu.memory_space<vmem>>, vector<1x1x16xi32>,
      %get3A_2377 = arith.constant 1 : i32
      %get3A_2378 = arith.constant 0 : i32
      %get3A_2379 = arith.index_cast %get3A_2377 : i32 to index
      %get3A_2380 = arith.index_cast %get3A_2378 : i32 to index
      %get3A_2381 = arith.constant 96 : index
      %get3A_2382 = tpu.vector_load %arg7[%get3A_2379, %get3A_2380, %get3A_2381] {strides = array<i32>} : memref<5x2x128xi32, #tpu.memory_space<vmem>>, vector<1x1x16xi32>,
      %get3A_2383 = vector.shape_cast %get3A_2382 : vector<1x1x16xi32> to vector<16xi32>
      %add3A_2384 = vector.broadcast %mul3A_4 : i32 to vector<16xi32>
      %add3A_2385 = arith.addi %get3A_2383, %add3A_2384 : vector<16xi32>
      %swap3A_2386 = arith.constant 1 : i32
      %swap3A_2387 = arith.constant 0 : i32
      %swap3A_2388 = arith.index_cast %swap3A_2386 : i32 to index
      %swap3A_2389 = arith.index_cast %swap3A_2387 : i32 to index
      %swap3A_2390 = arith.constant 96 : index
      %swap3A_2391 = tpu.vector_load %arg7[%swap3A_2388, %swap3A_2389, %swap3A_2390] {strides = array<i32>} : memref<5x2x128xi32, #tpu.memory_space<vmem>>, vector<1x1x16xi32>,
      %swap3A_2392 = vector.shape_cast %swap3A_2391 : vector<1x1x16xi32> to vector<16xi32>
      %swap3A_2393 = vector.shape_cast %add3A_2385 : vector<16xi32> to vector<1x1x16xi32>
      tpu.vector_store %arg7[%swap3A_2388, %swap3A_2389, %swap3A_2390], %swap3A_2393 {strides = array<i32>} : memref<5x2x128xi32, #tpu.memory_space<vmem>>, vector<1x1x16xi32>,
      %get3A_2394 = arith.constant 1 : i32
      %get3A_2395 = arith.constant 0 : i32
      %get3A_2396 = arith.index_cast %get3A_2394 : i32 to index
      %get3A_2397 = arith.index_cast %get3A_2395 : i32 to index
      %get3A_2398 = arith.constant 112 : index
      %get3A_2399 = tpu.vector_load %arg7[%get3A_2396, %get3A_2397, %get3A_2398] {strides = array<i32>} : memref<5x2x128xi32, #tpu.memory_space<vmem>>, vector<1x1x16xi32>,
      %get3A_2400 = vector.shape_cast %get3A_2399 : vector<1x1x16xi32> to vector<16xi32>
      %add3A_2401 = vector.broadcast %mul3A_4 : i32 to vector<16xi32>
      %add3A_2402 = arith.addi %get3A_2400, %add3A_2401 : vector<16xi32>
      %swap3A_2403 = arith.constant 1 : i32
      %swap3A_2404 = arith.constant 0 : i32
      %swap3A_2405 = arith.index_cast %swap3A_2403 : i32 to index
      %swap3A_2406 = arith.index_cast %swap3A_2404 : i32 to index
      %swap3A_2407 = arith.constant 112 : index
      %swap3A_2408 = tpu.vector_load %arg7[%swap3A_2405, %swap3A_2406, %swap3A_2407] {strides = array<i32>} : memref<5x2x128xi32, #tpu.memory_space<vmem>>, vector<1x1x16xi32>,
      %swap3A_2409 = vector.shape_cast %swap3A_2408 : vector<1x1x16xi32> to vector<16xi32>
      %swap3A_2410 = vector.shape_cast %add3A_2402 : vector<16xi32> to vector<1x1x16xi32>
      tpu.vector_store %arg7[%swap3A_2405, %swap3A_2406, %swap3A_2407], %swap3A_2410 {strides = array<i32>} : memref<5x2x128xi32, #tpu.memory_space<vmem>>, vector<1x1x16xi32>,
      %get3A_2411 = arith.constant 2 : i32
      %get3A_2412 = arith.constant 0 : i32
      %get3A_2413 = arith.index_cast %get3A_2411 : i32 to index
      %get3A_2414 = arith.index_cast %get3A_2412 : i32 to index
      %get3A_2415 = arith.constant 0 : index
      %get3A_2416 = tpu.vector_load %arg7[%get3A_2413, %get3A_2414, %get3A_2415] {strides = array<i32>} : memref<5x2x128xi32, #tpu.memory_space<vmem>>, vector<1x1x16xi32>,
      %get3A_2417 = vector.shape_cast %get3A_2416 : vector<1x1x16xi32> to vector<16xi32>
      %add3A_2418 = vector.broadcast %mul3A_4 : i32 to vector<16xi32>
      %add3A_2419 = arith.addi %get3A_2417, %add3A_2418 : vector<16xi32>
      %swap3A_2420 = arith.constant 2 : i32
      %swap3A_2421 = arith.constant 0 : i32
      %swap3A_2422 = arith.index_cast %swap3A_2420 : i32 to index
      %swap3A_2423 = arith.index_cast %swap3A_2421 : i32 to index
      %swap3A_2424 = arith.constant 0 : index
      %swap3A_2425 = tpu.vector_load %arg7[%swap3A_2422, %swap3A_2423, %swap3A_2424] {strides = array<i32>} : memref<5x2x128xi32, #tpu.memory_space<vmem>>, vector<1x1x16xi32>,
      %swap3A_2426 = vector.shape_cast %swap3A_2425 : vector<1x1x16xi32> to vector<16xi32>
      %swap3A_2427 = vector.shape_cast %add3A_2419 : vector<16xi32> to vector<1x1x16xi32>
      tpu.vector_store %arg7[%swap3A_2422, %swap3A_2423, %swap3A_2424], %swap3A_2427 {strides = array<i32>} : memref<5x2x128xi32, #tpu.memory_space<vmem>>, vector<1x1x16xi32>,
      %get3A_2428 = arith.constant 2 : i32
      %get3A_2429 = arith.constant 0 : i32
      %get3A_2430 = arith.index_cast %get3A_2428 : i32 to index
      %get3A_2431 = arith.index_cast %get3A_2429 : i32 to index
      %get3A_2432 = arith.constant 16 : index
      %get3A_2433 = tpu.vector_load %arg7[%get3A_2430, %get3A_2431, %get3A_2432] {strides = array<i32>} : memref<5x2x128xi32, #tpu.memory_space<vmem>>, vector<1x1x16xi32>,
      %get3A_2434 = vector.shape_cast %get3A_2433 : vector<1x1x16xi32> to vector<16xi32>
      %add3A_2435 = vector.broadcast %mul3A_4 : i32 to vector<16xi32>
      %add3A_2436 = arith.addi %get3A_2434, %add3A_2435 : vector<16xi32>
      %swap3A_2437 = arith.constant 2 : i32
      %swap3A_2438 = arith.constant 0 : i32
      %swap3A_2439 = arith.index_cast %swap3A_2437 : i32 to index
      %swap3A_2440 = arith.index_cast %swap3A_2438 : i32 to index
      %swap3A_2441 = arith.constant 16 : index
      %swap3A_2442 = tpu.vector_load %arg7[%swap3A_2439, %swap3A_2440, %swap3A_2441] {strides = array<i32>} : memref<5x2x128xi32, #tpu.memory_space<vmem>>, vector<1x1x16xi32>,
      %swap3A_2443 = vector.shape_cast %swap3A_2442 : vector<1x1x16xi32> to vector<16xi32>
      %swap3A_2444 = vector.shape_cast %add3A_2436 : vector<16xi32> to vector<1x1x16xi32>
      tpu.vector_store %arg7[%swap3A_2439, %swap3A_2440, %swap3A_2441], %swap3A_2444 {strides = array<i32>} : memref<5x2x128xi32, #tpu.memory_space<vmem>>, vector<1x1x16xi32>,
      %get3A_2445 = arith.constant 2 : i32
      %get3A_2446 = arith.constant 0 : i32
      %get3A_2447 = arith.index_cast %get3A_2445 : i32 to index
      %get3A_2448 = arith.index_cast %get3A_2446 : i32 to index
      %get3A_2449 = arith.constant 32 : index
      %get3A_2450 = tpu.vector_load %arg7[%get3A_2447, %get3A_2448, %get3A_2449] {strides = array<i32>} : memref<5x2x128xi32, #tpu.memory_space<vmem>>, vector<1x1x16xi32>,
      %get3A_2451 = vector.shape_cast %get3A_2450 : vector<1x1x16xi32> to vector<16xi32>
      %add3A_2452 = vector.broadcast %mul3A_4 : i32 to vector<16xi32>
      %add3A_2453 = arith.addi %get3A_2451, %add3A_2452 : vector<16xi32>
      %swap3A_2454 = arith.constant 2 : i32
      %swap3A_2455 = arith.constant 0 : i32
      %swap3A_2456 = arith.index_cast %swap3A_2454 : i32 to index
      %swap3A_2457 = arith.index_cast %swap3A_2455 : i32 to index
      %swap3A_2458 = arith.constant 32 : index
      %swap3A_2459 = tpu.vector_load %arg7[%swap3A_2456, %swap3A_2457, %swap3A_2458] {strides = array<i32>} : memref<5x2x128xi32, #tpu.memory_space<vmem>>, vector<1x1x16xi32>,
      %swap3A_2460 = vector.shape_cast %swap3A_2459 : vector<1x1x16xi32> to vector<16xi32>
      %swap3A_2461 = vector.shape_cast %add3A_2453 : vector<16xi32> to vector<1x1x16xi32>
      tpu.vector_store %arg7[%swap3A_2456, %swap3A_2457, %swap3A_2458], %swap3A_2461 {strides = array<i32>} : memref<5x2x128xi32, #tpu.memory_space<vmem>>, vector<1x1x16xi32>,
      %get3A_2462 = arith.constant 2 : i32
      %get3A_2463 = arith.constant 0 : i32
      %get3A_2464 = arith.index_cast %get3A_2462 : i32 to index
      %get3A_2465 = arith.index_cast %get3A_2463 : i32 to index
      %get3A_2466 = arith.constant 48 : index
      %get3A_2467 = tpu.vector_load %arg7[%get3A_2464, %get3A_2465, %get3A_2466] {strides = array<i32>} : memref<5x2x128xi32, #tpu.memory_space<vmem>>, vector<1x1x16xi32>,
      %get3A_2468 = vector.shape_cast %get3A_2467 : vector<1x1x16xi32> to vector<16xi32>
      %add3A_2469 = vector.broadcast %mul3A_4 : i32 to vector<16xi32>
      %add3A_2470 = arith.addi %get3A_2468, %add3A_2469 : vector<16xi32>
      %swap3A_2471 = arith.constant 2 : i32
      %swap3A_2472 = arith.constant 0 : i32
      %swap3A_2473 = arith.index_cast %swap3A_2471 : i32 to index
      %swap3A_2474 = arith.index_cast %swap3A_2472 : i32 to index
      %swap3A_2475 = arith.constant 48 : index
      %swap3A_2476 = tpu.vector_load %arg7[%swap3A_2473, %swap3A_2474, %swap3A_2475] {strides = array<i32>} : memref<5x2x128xi32, #tpu.memory_space<vmem>>, vector<1x1x16xi32>,
      %swap3A_2477 = vector.shape_cast %swap3A_2476 : vector<1x1x16xi32> to vector<16xi32>
      %swap3A_2478 = vector.shape_cast %add3A_2470 : vector<16xi32> to vector<1x1x16xi32>
      tpu.vector_store %arg7[%swap3A_2473, %swap3A_2474, %swap3A_2475], %swap3A_2478 {strides = array<i32>} : memref<5x2x128xi32, #tpu.memory_space<vmem>>, vector<1x1x16xi32>,
      %get3A_2479 = arith.constant 2 : i32
      %get3A_2480 = arith.constant 0 : i32
      %get3A_2481 = arith.index_cast %get3A_2479 : i32 to index
      %get3A_2482 = arith.index_cast %get3A_2480 : i32 to index
      %get3A_2483 = arith.constant 64 : index
      %get3A_2484 = tpu.vector_load %arg7[%get3A_2481, %get3A_2482, %get3A_2483] {strides = array<i32>} : memref<5x2x128xi32, #tpu.memory_space<vmem>>, vector<1x1x16xi32>,
      %get3A_2485 = vector.shape_cast %get3A_2484 : vector<1x1x16xi32> to vector<16xi32>
      %add3A_2486 = vector.broadcast %mul3A_4 : i32 to vector<16xi32>
      %add3A_2487 = arith.addi %get3A_2485, %add3A_2486 : vector<16xi32>
      %swap3A_2488 = arith.constant 2 : i32
      %swap3A_2489 = arith.constant 0 : i32
      %swap3A_2490 = arith.index_cast %swap3A_2488 : i32 to index
      %swap3A_2491 = arith.index_cast %swap3A_2489 : i32 to index
      %swap3A_2492 = arith.constant 64 : index
      %swap3A_2493 = tpu.vector_load %arg7[%swap3A_2490, %swap3A_2491, %swap3A_2492] {strides = array<i32>} : memref<5x2x128xi32, #tpu.memory_space<vmem>>, vector<1x1x16xi32>,
      %swap3A_2494 = vector.shape_cast %swap3A_2493 : vector<1x1x16xi32> to vector<16xi32>
      %swap3A_2495 = vector.shape_cast %add3A_2487 : vector<16xi32> to vector<1x1x16xi32>
      tpu.vector_store %arg7[%swap3A_2490, %swap3A_2491, %swap3A_2492], %swap3A_2495 {strides = array<i32>} : memref<5x2x128xi32, #tpu.memory_space<vmem>>, vector<1x1x16xi32>,
      %get3A_2496 = arith.constant 2 : i32
      %get3A_2497 = arith.constant 0 : i32
      %get3A_2498 = arith.index_cast %get3A_2496 : i32 to index
      %get3A_2499 = arith.index_cast %get3A_2497 : i32 to index
      %get3A_2500 = arith.constant 80 : index
      %get3A_2501 = tpu.vector_load %arg7[%get3A_2498, %get3A_2499, %get3A_2500] {strides = array<i32>} : memref<5x2x128xi32, #tpu.memory_space<vmem>>, vector<1x1x16xi32>,
      %get3A_2502 = vector.shape_cast %get3A_2501 : vector<1x1x16xi32> to vector<16xi32>
      %add3A_2503 = vector.broadcast %mul3A_4 : i32 to vector<16xi32>
      %add3A_2504 = arith.addi %get3A_2502, %add3A_2503 : vector<16xi32>
      %swap3A_2505 = arith.constant 2 : i32
      %swap3A_2506 = arith.constant 0 : i32
      %swap3A_2507 = arith.index_cast %swap3A_2505 : i32 to index
      %swap3A_2508 = arith.index_cast %swap3A_2506 : i32 to index
      %swap3A_2509 = arith.constant 80 : index
      %swap3A_2510 = tpu.vector_load %arg7[%swap3A_2507, %swap3A_2508, %swap3A_2509] {strides = array<i32>} : memref<5x2x128xi32, #tpu.memory_space<vmem>>, vector<1x1x16xi32>,
      %swap3A_2511 = vector.shape_cast %swap3A_2510 : vector<1x1x16xi32> to vector<16xi32>
      %swap3A_2512 = vector.shape_cast %add3A_2504 : vector<16xi32> to vector<1x1x16xi32>
      tpu.vector_store %arg7[%swap3A_2507, %swap3A_2508, %swap3A_2509], %swap3A_2512 {strides = array<i32>} : memref<5x2x128xi32, #tpu.memory_space<vmem>>, vector<1x1x16xi32>,
      %get3A_2513 = arith.constant 2 : i32
      %get3A_2514 = arith.constant 0 : i32
      %get3A_2515 = arith.index_cast %get3A_2513 : i32 to index
      %get3A_2516 = arith.index_cast %get3A_2514 : i32 to index
      %get3A_2517 = arith.constant 96 : index
      %get3A_2518 = tpu.vector_load %arg7[%get3A_2515, %get3A_2516, %get3A_2517] {strides = array<i32>} : memref<5x2x128xi32, #tpu.memory_space<vmem>>, vector<1x1x16xi32>,
      %get3A_2519 = vector.shape_cast %get3A_2518 : vector<1x1x16xi32> to vector<16xi32>
      %add3A_2520 = vector.broadcast %mul3A_4 : i32 to vector<16xi32>
      %add3A_2521 = arith.addi %get3A_2519, %add3A_2520 : vector<16xi32>
      %swap3A_2522 = arith.constant 2 : i32
      %swap3A_2523 = arith.constant 0 : i32
      %swap3A_2524 = arith.index_cast %swap3A_2522 : i32 to index
      %swap3A_2525 = arith.index_cast %swap3A_2523 : i32 to index
      %swap3A_2526 = arith.constant 96 : index
      %swap3A_2527 = tpu.vector_load %arg7[%swap3A_2524, %swap3A_2525, %swap3A_2526] {strides = array<i32>} : memref<5x2x128xi32, #tpu.memory_space<vmem>>, vector<1x1x16xi32>,
      %swap3A_2528 = vector.shape_cast %swap3A_2527 : vector<1x1x16xi32> to vector<16xi32>
      %swap3A_2529 = vector.shape_cast %add3A_2521 : vector<16xi32> to vector<1x1x16xi32>
      tpu.vector_store %arg7[%swap3A_2524, %swap3A_2525, %swap3A_2526], %swap3A_2529 {strides = array<i32>} : memref<5x2x128xi32, #tpu.memory_space<vmem>>, vector<1x1x16xi32>,
      %get3A_2530 = arith.constant 2 : i32
      %get3A_2531 = arith.constant 0 : i32
      %get3A_2532 = arith.index_cast %get3A_2530 : i32 to index
      %get3A_2533 = arith.index_cast %get3A_2531 : i32 to index
      %get3A_2534 = arith.constant 112 : index
      %get3A_2535 = tpu.vector_load %arg7[%get3A_2532, %get3A_2533, %get3A_2534] {strides = array<i32>} : memref<5x2x128xi32, #tpu.memory_space<vmem>>, vector<1x1x16xi32>,
      %get3A_2536 = vector.shape_cast %get3A_2535 : vector<1x1x16xi32> to vector<16xi32>
      %add3A_2537 = vector.broadcast %mul3A_4 : i32 to vector<16xi32>
      %add3A_2538 = arith.addi %get3A_2536, %add3A_2537 : vector<16xi32>
      %swap3A_2539 = arith.constant 2 : i32
      %swap3A_2540 = arith.constant 0 : i32
      %swap3A_2541 = arith.index_cast %swap3A_2539 : i32 to index
      %swap3A_2542 = arith.index_cast %swap3A_2540 : i32 to index
      %swap3A_2543 = arith.constant 112 : index
      %swap3A_2544 = tpu.vector_load %arg7[%swap3A_2541, %swap3A_2542, %swap3A_2543] {strides = array<i32>} : memref<5x2x128xi32, #tpu.memory_space<vmem>>, vector<1x1x16xi32>,
      %swap3A_2545 = vector.shape_cast %swap3A_2544 : vector<1x1x16xi32> to vector<16xi32>
      %swap3A_2546 = vector.shape_cast %add3A_2538 : vector<16xi32> to vector<1x1x16xi32>
      tpu.vector_store %arg7[%swap3A_2541, %swap3A_2542, %swap3A_2543], %swap3A_2546 {strides = array<i32>} : memref<5x2x128xi32, #tpu.memory_space<vmem>>, vector<1x1x16xi32>,
      %get3A_2547 = arith.constant 3 : i32
      %get3A_2548 = arith.constant 0 : i32
      %get3A_2549 = arith.index_cast %get3A_2547 : i32 to index
      %get3A_2550 = arith.index_cast %get3A_2548 : i32 to index
      %get3A_2551 = arith.constant 0 : index
      %get3A_2552 = tpu.vector_load %arg7[%get3A_2549, %get3A_2550, %get3A_2551] {strides = array<i32>} : memref<5x2x128xi32, #tpu.memory_space<vmem>>, vector<1x1x16xi32>,
      %get3A_2553 = vector.shape_cast %get3A_2552 : vector<1x1x16xi32> to vector<16xi32>
      %add3A_2554 = vector.broadcast %mul3A_4 : i32 to vector<16xi32>
      %add3A_2555 = arith.addi %get3A_2553, %add3A_2554 : vector<16xi32>
      %swap3A_2556 = arith.constant 3 : i32
      %swap3A_2557 = arith.constant 0 : i32
      %swap3A_2558 = arith.index_cast %swap3A_2556 : i32 to index
      %swap3A_2559 = arith.index_cast %swap3A_2557 : i32 to index
      %swap3A_2560 = arith.constant 0 : index
      %swap3A_2561 = tpu.vector_load %arg7[%swap3A_2558, %swap3A_2559, %swap3A_2560] {strides = array<i32>} : memref<5x2x128xi32, #tpu.memory_space<vmem>>, vector<1x1x16xi32>,
      %swap3A_2562 = vector.shape_cast %swap3A_2561 : vector<1x1x16xi32> to vector<16xi32>
      %swap3A_2563 = vector.shape_cast %add3A_2555 : vector<16xi32> to vector<1x1x16xi32>
      tpu.vector_store %arg7[%swap3A_2558, %swap3A_2559, %swap3A_2560], %swap3A_2563 {strides = array<i32>} : memref<5x2x128xi32, #tpu.memory_space<vmem>>, vector<1x1x16xi32>,
      %get3A_2564 = arith.constant 3 : i32
      %get3A_2565 = arith.constant 0 : i32
      %get3A_2566 = arith.index_cast %get3A_2564 : i32 to index
      %get3A_2567 = arith.index_cast %get3A_2565 : i32 to index
      %get3A_2568 = arith.constant 16 : index
      %get3A_2569 = tpu.vector_load %arg7[%get3A_2566, %get3A_2567, %get3A_2568] {strides = array<i32>} : memref<5x2x128xi32, #tpu.memory_space<vmem>>, vector<1x1x16xi32>,
      %get3A_2570 = vector.shape_cast %get3A_2569 : vector<1x1x16xi32> to vector<16xi32>
      %add3A_2571 = vector.broadcast %mul3A_4 : i32 to vector<16xi32>
      %add3A_2572 = arith.addi %get3A_2570, %add3A_2571 : vector<16xi32>
      %swap3A_2573 = arith.constant 3 : i32
      %swap3A_2574 = arith.constant 0 : i32
      %swap3A_2575 = arith.index_cast %swap3A_2573 : i32 to index
      %swap3A_2576 = arith.index_cast %swap3A_2574 : i32 to index
      %swap3A_2577 = arith.constant 16 : index
      %swap3A_2578 = tpu.vector_load %arg7[%swap3A_2575, %swap3A_2576, %swap3A_2577] {strides = array<i32>} : memref<5x2x128xi32, #tpu.memory_space<vmem>>, vector<1x1x16xi32>,
      %swap3A_2579 = vector.shape_cast %swap3A_2578 : vector<1x1x16xi32> to vector<16xi32>
      %swap3A_2580 = vector.shape_cast %add3A_2572 : vector<16xi32> to vector<1x1x16xi32>
      tpu.vector_store %arg7[%swap3A_2575, %swap3A_2576, %swap3A_2577], %swap3A_2580 {strides = array<i32>} : memref<5x2x128xi32, #tpu.memory_space<vmem>>, vector<1x1x16xi32>,
      %get3A_2581 = arith.constant 3 : i32
      %get3A_2582 = arith.constant 0 : i32
      %get3A_2583 = arith.index_cast %get3A_2581 : i32 to index
      %get3A_2584 = arith.index_cast %get3A_2582 : i32 to index
      %get3A_2585 = arith.constant 32 : index
      %get3A_2586 = tpu.vector_load %arg7[%get3A_2583, %get3A_2584, %get3A_2585] {strides = array<i32>} : memref<5x2x128xi32, #tpu.memory_space<vmem>>, vector<1x1x16xi32>,
      %get3A_2587 = vector.shape_cast %get3A_2586 : vector<1x1x16xi32> to vector<16xi32>
      %add3A_2588 = vector.broadcast %mul3A_4 : i32 to vector<16xi32>
      %add3A_2589 = arith.addi %get3A_2587, %add3A_2588 : vector<16xi32>
      %swap3A_2590 = arith.constant 3 : i32
      %swap3A_2591 = arith.constant 0 : i32
      %swap3A_2592 = arith.index_cast %swap3A_2590 : i32 to index
      %swap3A_2593 = arith.index_cast %swap3A_2591 : i32 to index
      %swap3A_2594 = arith.constant 32 : index
      %swap3A_2595 = tpu.vector_load %arg7[%swap3A_2592, %swap3A_2593, %swap3A_2594] {strides = array<i32>} : memref<5x2x128xi32, #tpu.memory_space<vmem>>, vector<1x1x16xi32>,
      %swap3A_2596 = vector.shape_cast %swap3A_2595 : vector<1x1x16xi32> to vector<16xi32>
      %swap3A_2597 = vector.shape_cast %add3A_2589 : vector<16xi32> to vector<1x1x16xi32>
      tpu.vector_store %arg7[%swap3A_2592, %swap3A_2593, %swap3A_2594], %swap3A_2597 {strides = array<i32>} : memref<5x2x128xi32, #tpu.memory_space<vmem>>, vector<1x1x16xi32>,
      %get3A_2598 = arith.constant 3 : i32
      %get3A_2599 = arith.constant 0 : i32
      %get3A_2600 = arith.index_cast %get3A_2598 : i32 to index
      %get3A_2601 = arith.index_cast %get3A_2599 : i32 to index
      %get3A_2602 = arith.constant 48 : index
      %get3A_2603 = tpu.vector_load %arg7[%get3A_2600, %get3A_2601, %get3A_2602] {strides = array<i32>} : memref<5x2x128xi32, #tpu.memory_space<vmem>>, vector<1x1x16xi32>,
      %get3A_2604 = vector.shape_cast %get3A_2603 : vector<1x1x16xi32> to vector<16xi32>
      %add3A_2605 = vector.broadcast %mul3A_4 : i32 to vector<16xi32>
      %add3A_2606 = arith.addi %get3A_2604, %add3A_2605 : vector<16xi32>
      %swap3A_2607 = arith.constant 3 : i32
      %swap3A_2608 = arith.constant 0 : i32
      %swap3A_2609 = arith.index_cast %swap3A_2607 : i32 to index
      %swap3A_2610 = arith.index_cast %swap3A_2608 : i32 to index
      %swap3A_2611 = arith.constant 48 : index
      %swap3A_2612 = tpu.vector_load %arg7[%swap3A_2609, %swap3A_2610, %swap3A_2611] {strides = array<i32>} : memref<5x2x128xi32, #tpu.memory_space<vmem>>, vector<1x1x16xi32>,
      %swap3A_2613 = vector.shape_cast %swap3A_2612 : vector<1x1x16xi32> to vector<16xi32>
      %swap3A_2614 = vector.shape_cast %add3A_2606 : vector<16xi32> to vector<1x1x16xi32>
      tpu.vector_store %arg7[%swap3A_2609, %swap3A_2610, %swap3A_2611], %swap3A_2614 {strides = array<i32>} : memref<5x2x128xi32, #tpu.memory_space<vmem>>, vector<1x1x16xi32>,
      %get3A_2615 = arith.constant 3 : i32
      %get3A_2616 = arith.constant 0 : i32
      %get3A_2617 = arith.index_cast %get3A_2615 : i32 to index
      %get3A_2618 = arith.index_cast %get3A_2616 : i32 to index
      %get3A_2619 = arith.constant 64 : index
      %get3A_2620 = tpu.vector_load %arg7[%get3A_2617, %get3A_2618, %get3A_2619] {strides = array<i32>} : memref<5x2x128xi32, #tpu.memory_space<vmem>>, vector<1x1x16xi32>,
      %get3A_2621 = vector.shape_cast %get3A_2620 : vector<1x1x16xi32> to vector<16xi32>
      %add3A_2622 = vector.broadcast %mul3A_4 : i32 to vector<16xi32>
      %add3A_2623 = arith.addi %get3A_2621, %add3A_2622 : vector<16xi32>
      %swap3A_2624 = arith.constant 3 : i32
      %swap3A_2625 = arith.constant 0 : i32
      %swap3A_2626 = arith.index_cast %swap3A_2624 : i32 to index
      %swap3A_2627 = arith.index_cast %swap3A_2625 : i32 to index
      %swap3A_2628 = arith.constant 64 : index
      %swap3A_2629 = tpu.vector_load %arg7[%swap3A_2626, %swap3A_2627, %swap3A_2628] {strides = array<i32>} : memref<5x2x128xi32, #tpu.memory_space<vmem>>, vector<1x1x16xi32>,
      %swap3A_2630 = vector.shape_cast %swap3A_2629 : vector<1x1x16xi32> to vector<16xi32>
      %swap3A_2631 = vector.shape_cast %add3A_2623 : vector<16xi32> to vector<1x1x16xi32>
      tpu.vector_store %arg7[%swap3A_2626, %swap3A_2627, %swap3A_2628], %swap3A_2631 {strides = array<i32>} : memref<5x2x128xi32, #tpu.memory_space<vmem>>, vector<1x1x16xi32>,
      %get3A_2632 = arith.constant 3 : i32
      %get3A_2633 = arith.constant 0 : i32
      %get3A_2634 = arith.index_cast %get3A_2632 : i32 to index
      %get3A_2635 = arith.index_cast %get3A_2633 : i32 to index
      %get3A_2636 = arith.constant 80 : index
      %get3A_2637 = tpu.vector_load %arg7[%get3A_2634, %get3A_2635, %get3A_2636] {strides = array<i32>} : memref<5x2x128xi32, #tpu.memory_space<vmem>>, vector<1x1x16xi32>,
      %get3A_2638 = vector.shape_cast %get3A_2637 : vector<1x1x16xi32> to vector<16xi32>
      %add3A_2639 = vector.broadcast %mul3A_4 : i32 to vector<16xi32>
      %add3A_2640 = arith.addi %get3A_2638, %add3A_2639 : vector<16xi32>
      %swap3A_2641 = arith.constant 3 : i32
      %swap3A_2642 = arith.constant 0 : i32
      %swap3A_2643 = arith.index_cast %swap3A_2641 : i32 to index
      %swap3A_2644 = arith.index_cast %swap3A_2642 : i32 to index
      %swap3A_2645 = arith.constant 80 : index
      %swap3A_2646 = tpu.vector_load %arg7[%swap3A_2643, %swap3A_2644, %swap3A_2645] {strides = array<i32>} : memref<5x2x128xi32, #tpu.memory_space<vmem>>, vector<1x1x16xi32>,
      %swap3A_2647 = vector.shape_cast %swap3A_2646 : vector<1x1x16xi32> to vector<16xi32>
      %swap3A_2648 = vector.shape_cast %add3A_2640 : vector<16xi32> to vector<1x1x16xi32>
      tpu.vector_store %arg7[%swap3A_2643, %swap3A_2644, %swap3A_2645], %swap3A_2648 {strides = array<i32>} : memref<5x2x128xi32, #tpu.memory_space<vmem>>, vector<1x1x16xi32>,
      %get3A_2649 = arith.constant 3 : i32
      %get3A_2650 = arith.constant 0 : i32
      %get3A_2651 = arith.index_cast %get3A_2649 : i32 to index
      %get3A_2652 = arith.index_cast %get3A_2650 : i32 to index
      %get3A_2653 = arith.constant 96 : index
      %get3A_2654 = tpu.vector_load %arg7[%get3A_2651, %get3A_2652, %get3A_2653] {strides = array<i32>} : memref<5x2x128xi32, #tpu.memory_space<vmem>>, vector<1x1x16xi32>,
      %get3A_2655 = vector.shape_cast %get3A_2654 : vector<1x1x16xi32> to vector<16xi32>
      %add3A_2656 = vector.broadcast %mul3A_4 : i32 to vector<16xi32>
      %add3A_2657 = arith.addi %get3A_2655, %add3A_2656 : vector<16xi32>
      %swap3A_2658 = arith.constant 3 : i32
      %swap3A_2659 = arith.constant 0 : i32
      %swap3A_2660 = arith.index_cast %swap3A_2658 : i32 to index
      %swap3A_2661 = arith.index_cast %swap3A_2659 : i32 to index
      %swap3A_2662 = arith.constant 96 : index
      %swap3A_2663 = tpu.vector_load %arg7[%swap3A_2660, %swap3A_2661, %swap3A_2662] {strides = array<i32>} : memref<5x2x128xi32, #tpu.memory_space<vmem>>, vector<1x1x16xi32>,
      %swap3A_2664 = vector.shape_cast %swap3A_2663 : vector<1x1x16xi32> to vector<16xi32>
      %swap3A_2665 = vector.shape_cast %add3A_2657 : vector<16xi32> to vector<1x1x16xi32>
      tpu.vector_store %arg7[%swap3A_2660, %swap3A_2661, %swap3A_2662], %swap3A_2665 {strides = array<i32>} : memref<5x2x128xi32, #tpu.memory_space<vmem>>, vector<1x1x16xi32>,
      %get3A_2666 = arith.constant 3 : i32
      %get3A_2667 = arith.constant 0 : i32
      %get3A_2668 = arith.index_cast %get3A_2666 : i32 to index
      %get3A_2669 = arith.index_cast %get3A_2667 : i32 to index
      %get3A_2670 = arith.constant 112 : index
      %get3A_2671 = tpu.vector_load %arg7[%get3A_2668, %get3A_2669, %get3A_2670] {strides = array<i32>} : memref<5x2x128xi32, #tpu.memory_space<vmem>>, vector<1x1x16xi32>,
      %get3A_2672 = vector.shape_cast %get3A_2671 : vector<1x1x16xi32> to vector<16xi32>
      %add3A_2673 = vector.broadcast %mul3A_4 : i32 to vector<16xi32>
      %add3A_2674 = arith.addi %get3A_2672, %add3A_2673 : vector<16xi32>
      %swap3A_2675 = arith.constant 3 : i32
      %swap3A_2676 = arith.constant 0 : i32
      %swap3A_2677 = arith.index_cast %swap3A_2675 : i32 to index
      %swap3A_2678 = arith.index_cast %swap3A_2676 : i32 to index
      %swap3A_2679 = arith.constant 112 : index
      %swap3A_2680 = tpu.vector_load %arg7[%swap3A_2677, %swap3A_2678, %swap3A_2679] {strides = array<i32>} : memref<5x2x128xi32, #tpu.memory_space<vmem>>, vector<1x1x16xi32>,
      %swap3A_2681 = vector.shape_cast %swap3A_2680 : vector<1x1x16xi32> to vector<16xi32>
      %swap3A_2682 = vector.shape_cast %add3A_2674 : vector<16xi32> to vector<1x1x16xi32>
      tpu.vector_store %arg7[%swap3A_2677, %swap3A_2678, %swap3A_2679], %swap3A_2682 {strides = array<i32>} : memref<5x2x128xi32, #tpu.memory_space<vmem>>, vector<1x1x16xi32>,
      %get3A_2683 = arith.constant 4 : i32
      %get3A_2684 = arith.constant 0 : i32
      %get3A_2685 = arith.index_cast %get3A_2683 : i32 to index
      %get3A_2686 = arith.index_cast %get3A_2684 : i32 to index
      %get3A_2687 = arith.constant 0 : index
      %get3A_2688 = tpu.vector_load %arg7[%get3A_2685, %get3A_2686, %get3A_2687] {strides = array<i32>} : memref<5x2x128xi32, #tpu.memory_space<vmem>>, vector<1x1x16xi32>,
      %get3A_2689 = vector.shape_cast %get3A_2688 : vector<1x1x16xi32> to vector<16xi32>
      %add3A_2690 = vector.broadcast %mul3A_4 : i32 to vector<16xi32>
      %add3A_2691 = arith.addi %get3A_2689, %add3A_2690 : vector<16xi32>
      %swap3A_2692 = arith.constant 4 : i32
      %swap3A_2693 = arith.constant 0 : i32
      %swap3A_2694 = arith.index_cast %swap3A_2692 : i32 to index
      %swap3A_2695 = arith.index_cast %swap3A_2693 : i32 to index
      %swap3A_2696 = arith.constant 0 : index
      %swap3A_2697 = tpu.vector_load %arg7[%swap3A_2694, %swap3A_2695, %swap3A_2696] {strides = array<i32>} : memref<5x2x128xi32, #tpu.memory_space<vmem>>, vector<1x1x16xi32>,
      %swap3A_2698 = vector.shape_cast %swap3A_2697 : vector<1x1x16xi32> to vector<16xi32>
      %swap3A_2699 = vector.shape_cast %add3A_2691 : vector<16xi32> to vector<1x1x16xi32>
      tpu.vector_store %arg7[%swap3A_2694, %swap3A_2695, %swap3A_2696], %swap3A_2699 {strides = array<i32>} : memref<5x2x128xi32, #tpu.memory_space<vmem>>, vector<1x1x16xi32>,
      %get3A_2700 = arith.constant 4 : i32
      %get3A_2701 = arith.constant 0 : i32
      %get3A_2702 = arith.index_cast %get3A_2700 : i32 to index
      %get3A_2703 = arith.index_cast %get3A_2701 : i32 to index
      %get3A_2704 = arith.constant 16 : index
      %get3A_2705 = tpu.vector_load %arg7[%get3A_2702, %get3A_2703, %get3A_2704] {strides = array<i32>} : memref<5x2x128xi32, #tpu.memory_space<vmem>>, vector<1x1x16xi32>,
      %get3A_2706 = vector.shape_cast %get3A_2705 : vector<1x1x16xi32> to vector<16xi32>
      %add3A_2707 = vector.broadcast %mul3A_4 : i32 to vector<16xi32>
      %add3A_2708 = arith.addi %get3A_2706, %add3A_2707 : vector<16xi32>
      %swap3A_2709 = arith.constant 4 : i32
      %swap3A_2710 = arith.constant 0 : i32
      %swap3A_2711 = arith.index_cast %swap3A_2709 : i32 to index
      %swap3A_2712 = arith.index_cast %swap3A_2710 : i32 to index
      %swap3A_2713 = arith.constant 16 : index
      %swap3A_2714 = tpu.vector_load %arg7[%swap3A_2711, %swap3A_2712, %swap3A_2713] {strides = array<i32>} : memref<5x2x128xi32, #tpu.memory_space<vmem>>, vector<1x1x16xi32>,
      %swap3A_2715 = vector.shape_cast %swap3A_2714 : vector<1x1x16xi32> to vector<16xi32>
      %swap3A_2716 = vector.shape_cast %add3A_2708 : vector<16xi32> to vector<1x1x16xi32>
      tpu.vector_store %arg7[%swap3A_2711, %swap3A_2712, %swap3A_2713], %swap3A_2716 {strides = array<i32>} : memref<5x2x128xi32, #tpu.memory_space<vmem>>, vector<1x1x16xi32>,
      %get3A_2717 = arith.constant 4 : i32
      %get3A_2718 = arith.constant 0 : i32
      %get3A_2719 = arith.index_cast %get3A_2717 : i32 to index
      %get3A_2720 = arith.index_cast %get3A_2718 : i32 to index
      %get3A_2721 = arith.constant 32 : index
      %get3A_2722 = tpu.vector_load %arg7[%get3A_2719, %get3A_2720, %get3A_2721] {strides = array<i32>} : memref<5x2x128xi32, #tpu.memory_space<vmem>>, vector<1x1x16xi32>,
      %get3A_2723 = vector.shape_cast %get3A_2722 : vector<1x1x16xi32> to vector<16xi32>
      %add3A_2724 = vector.broadcast %mul3A_4 : i32 to vector<16xi32>
      %add3A_2725 = arith.addi %get3A_2723, %add3A_2724 : vector<16xi32>
      %swap3A_2726 = arith.constant 4 : i32
      %swap3A_2727 = arith.constant 0 : i32
      %swap3A_2728 = arith.index_cast %swap3A_2726 : i32 to index
      %swap3A_2729 = arith.index_cast %swap3A_2727 : i32 to index
      %swap3A_2730 = arith.constant 32 : index
      %swap3A_2731 = tpu.vector_load %arg7[%swap3A_2728, %swap3A_2729, %swap3A_2730] {strides = array<i32>} : memref<5x2x128xi32, #tpu.memory_space<vmem>>, vector<1x1x16xi32>,
      %swap3A_2732 = vector.shape_cast %swap3A_2731 : vector<1x1x16xi32> to vector<16xi32>
      %swap3A_2733 = vector.shape_cast %add3A_2725 : vector<16xi32> to vector<1x1x16xi32>
      tpu.vector_store %arg7[%swap3A_2728, %swap3A_2729, %swap3A_2730], %swap3A_2733 {strides = array<i32>} : memref<5x2x128xi32, #tpu.memory_space<vmem>>, vector<1x1x16xi32>,
      %get3A_2734 = arith.constant 4 : i32
      %get3A_2735 = arith.constant 0 : i32
      %get3A_2736 = arith.index_cast %get3A_2734 : i32 to index
      %get3A_2737 = arith.index_cast %get3A_2735 : i32 to index
      %get3A_2738 = arith.constant 48 : index
      %get3A_2739 = tpu.vector_load %arg7[%get3A_2736, %get3A_2737, %get3A_2738] {strides = array<i32>} : memref<5x2x128xi32, #tpu.memory_space<vmem>>, vector<1x1x16xi32>,
      %get3A_2740 = vector.shape_cast %get3A_2739 : vector<1x1x16xi32> to vector<16xi32>
      %add3A_2741 = vector.broadcast %mul3A_4 : i32 to vector<16xi32>
      %add3A_2742 = arith.addi %get3A_2740, %add3A_2741 : vector<16xi32>
      %swap3A_2743 = arith.constant 4 : i32
      %swap3A_2744 = arith.constant 0 : i32
      %swap3A_2745 = arith.index_cast %swap3A_2743 : i32 to index
      %swap3A_2746 = arith.index_cast %swap3A_2744 : i32 to index
      %swap3A_2747 = arith.constant 48 : index
      %swap3A_2748 = tpu.vector_load %arg7[%swap3A_2745, %swap3A_2746, %swap3A_2747] {strides = array<i32>} : memref<5x2x128xi32, #tpu.memory_space<vmem>>, vector<1x1x16xi32>,
      %swap3A_2749 = vector.shape_cast %swap3A_2748 : vector<1x1x16xi32> to vector<16xi32>
      %swap3A_2750 = vector.shape_cast %add3A_2742 : vector<16xi32> to vector<1x1x16xi32>
      tpu.vector_store %arg7[%swap3A_2745, %swap3A_2746, %swap3A_2747], %swap3A_2750 {strides = array<i32>} : memref<5x2x128xi32, #tpu.memory_space<vmem>>, vector<1x1x16xi32>,
      %get3A_2751 = arith.constant 4 : i32
      %get3A_2752 = arith.constant 0 : i32
      %get3A_2753 = arith.index_cast %get3A_2751 : i32 to index
      %get3A_2754 = arith.index_cast %get3A_2752 : i32 to index
      %get3A_2755 = arith.constant 64 : index
      %get3A_2756 = tpu.vector_load %arg7[%get3A_2753, %get3A_2754, %get3A_2755] {strides = array<i32>} : memref<5x2x128xi32, #tpu.memory_space<vmem>>, vector<1x1x16xi32>,
      %get3A_2757 = vector.shape_cast %get3A_2756 : vector<1x1x16xi32> to vector<16xi32>
      %add3A_2758 = vector.broadcast %mul3A_4 : i32 to vector<16xi32>
      %add3A_2759 = arith.addi %get3A_2757, %add3A_2758 : vector<16xi32>
      %swap3A_2760 = arith.constant 4 : i32
      %swap3A_2761 = arith.constant 0 : i32
      %swap3A_2762 = arith.index_cast %swap3A_2760 : i32 to index
      %swap3A_2763 = arith.index_cast %swap3A_2761 : i32 to index
      %swap3A_2764 = arith.constant 64 : index
      %swap3A_2765 = tpu.vector_load %arg7[%swap3A_2762, %swap3A_2763, %swap3A_2764] {strides = array<i32>} : memref<5x2x128xi32, #tpu.memory_space<vmem>>, vector<1x1x16xi32>,
      %swap3A_2766 = vector.shape_cast %swap3A_2765 : vector<1x1x16xi32> to vector<16xi32>
      %swap3A_2767 = vector.shape_cast %add3A_2759 : vector<16xi32> to vector<1x1x16xi32>
      tpu.vector_store %arg7[%swap3A_2762, %swap3A_2763, %swap3A_2764], %swap3A_2767 {strides = array<i32>} : memref<5x2x128xi32, #tpu.memory_space<vmem>>, vector<1x1x16xi32>,
      %get3A_2768 = arith.constant 4 : i32
      %get3A_2769 = arith.constant 0 : i32
      %get3A_2770 = arith.index_cast %get3A_2768 : i32 to index
      %get3A_2771 = arith.index_cast %get3A_2769 : i32 to index
      %get3A_2772 = arith.constant 80 : index
      %get3A_2773 = tpu.vector_load %arg7[%get3A_2770, %get3A_2771, %get3A_2772] {strides = array<i32>} : memref<5x2x128xi32, #tpu.memory_space<vmem>>, vector<1x1x16xi32>,
      %get3A_2774 = vector.shape_cast %get3A_2773 : vector<1x1x16xi32> to vector<16xi32>
      %add3A_2775 = vector.broadcast %mul3A_4 : i32 to vector<16xi32>
      %add3A_2776 = arith.addi %get3A_2774, %add3A_2775 : vector<16xi32>
      %swap3A_2777 = arith.constant 4 : i32
      %swap3A_2778 = arith.constant 0 : i32
      %swap3A_2779 = arith.index_cast %swap3A_2777 : i32 to index
      %swap3A_2780 = arith.index_cast %swap3A_2778 : i32 to index
      %swap3A_2781 = arith.constant 80 : index
      %swap3A_2782 = tpu.vector_load %arg7[%swap3A_2779, %swap3A_2780, %swap3A_2781] {strides = array<i32>} : memref<5x2x128xi32, #tpu.memory_space<vmem>>, vector<1x1x16xi32>,
      %swap3A_2783 = vector.shape_cast %swap3A_2782 : vector<1x1x16xi32> to vector<16xi32>
      %swap3A_2784 = vector.shape_cast %add3A_2776 : vector<16xi32> to vector<1x1x16xi32>
      tpu.vector_store %arg7[%swap3A_2779, %swap3A_2780, %swap3A_2781], %swap3A_2784 {strides = array<i32>} : memref<5x2x128xi32, #tpu.memory_space<vmem>>, vector<1x1x16xi32>,
      %get3A_2785 = arith.constant 4 : i32
      %get3A_2786 = arith.constant 0 : i32
      %get3A_2787 = arith.index_cast %get3A_2785 : i32 to index
      %get3A_2788 = arith.index_cast %get3A_2786 : i32 to index
      %get3A_2789 = arith.constant 96 : index
      %get3A_2790 = tpu.vector_load %arg7[%get3A_2787, %get3A_2788, %get3A_2789] {strides = array<i32>} : memref<5x2x128xi32, #tpu.memory_space<vmem>>, vector<1x1x16xi32>,
      %get3A_2791 = vector.shape_cast %get3A_2790 : vector<1x1x16xi32> to vector<16xi32>
      %add3A_2792 = vector.broadcast %mul3A_4 : i32 to vector<16xi32>
      %add3A_2793 = arith.addi %get3A_2791, %add3A_2792 : vector<16xi32>
      %swap3A_2794 = arith.constant 4 : i32
      %swap3A_2795 = arith.constant 0 : i32
      %swap3A_2796 = arith.index_cast %swap3A_2794 : i32 to index
      %swap3A_2797 = arith.index_cast %swap3A_2795 : i32 to index
      %swap3A_2798 = arith.constant 96 : index
      %swap3A_2799 = tpu.vector_load %arg7[%swap3A_2796, %swap3A_2797, %swap3A_2798] {strides = array<i32>} : memref<5x2x128xi32, #tpu.memory_space<vmem>>, vector<1x1x16xi32>,
      %swap3A_2800 = vector.shape_cast %swap3A_2799 : vector<1x1x16xi32> to vector<16xi32>
      %swap3A_2801 = vector.shape_cast %add3A_2793 : vector<16xi32> to vector<1x1x16xi32>
      tpu.vector_store %arg7[%swap3A_2796, %swap3A_2797, %swap3A_2798], %swap3A_2801 {strides = array<i32>} : memref<5x2x128xi32, #tpu.memory_space<vmem>>, vector<1x1x16xi32>,
      %get3A_2802 = arith.constant 4 : i32
      %get3A_2803 = arith.constant 0 : i32
      %get3A_2804 = arith.index_cast %get3A_2802 : i32 to index
      %get3A_2805 = arith.index_cast %get3A_2803 : i32 to index
      %get3A_2806 = arith.constant 112 : index
      %get3A_2807 = tpu.vector_load %arg7[%get3A_2804, %get3A_2805, %get3A_2806] {strides = array<i32>} : memref<5x2x128xi32, #tpu.memory_space<vmem>>, vector<1x1x16xi32>,
      %get3A_2808 = vector.shape_cast %get3A_2807 : vector<1x1x16xi32> to vector<16xi32>
      %add3A_2809 = vector.broadcast %mul3A_4 : i32 to vector<16xi32>
      %add3A_2810 = arith.addi %get3A_2808, %add3A_2809 : vector<16xi32>
      %swap3A_2811 = arith.constant 4 : i32
      %swap3A_2812 = arith.constant 0 : i32
      %swap3A_2813 = arith.index_cast %swap3A_2811 : i32 to index
      %swap3A_2814 = arith.index_cast %swap3A_2812 : i32 to index
      %swap3A_2815 = arith.constant 112 : index
      %swap3A_2816 = tpu.vector_load %arg7[%swap3A_2813, %swap3A_2814, %swap3A_2815] {strides = array<i32>} : memref<5x2x128xi32, #tpu.memory_space<vmem>>, vector<1x1x16xi32>,
      %swap3A_2817 = vector.shape_cast %swap3A_2816 : vector<1x1x16xi32> to vector<16xi32>
      %swap3A_2818 = vector.shape_cast %add3A_2810 : vector<16xi32> to vector<1x1x16xi32>
      tpu.vector_store %arg7[%swap3A_2813, %swap3A_2814, %swap3A_2815], %swap3A_2818 {strides = array<i32>} : memref<5x2x128xi32, #tpu.memory_space<vmem>>, vector<1x1x16xi32>,
      %dma_wait3A_2819 = arith.constant 0 : i32
      %dma_wait3A_2820 = arith.constant 0 : i32
      %dma_wait3A_2821 = tpu.memref_slice %arg9[%dma_wait3A_2819, %dma_wait3A_2820] : memref<384x128xf32, #tpu.memory_space<vmem>> -> memref<128x128xf32, #tpu.memory_space<vmem>>
      %dma_wait3A_2822 = arith.constant 0 : i32
      %dma_wait3A_2823 = arith.constant 0 : i32
      %dma_wait3A_2824 = tpu.memref_slice %arg6[%dma_wait3A_2822, %dma_wait3A_2823] : memref<10016x128xf32, #tpu.memory_space<vmem_shared>> -> memref<128x128xf32, #tpu.memory_space<vmem_shared>>
      %dma_wait3A_2825 = arith.constant 0 : i32
      %dma_wait3A_2826 = arith.constant 0 : i32
      %dma_wait3A_2827 = tpu.memref_slice %arg6[%dma_wait3A_2825, %dma_wait3A_2826] : memref<10016x128xf32, #tpu.memory_space<vmem_shared>> -> memref<128x128xf32, #tpu.memory_space<vmem_shared>>
      %dma_wait3A_2828 = arith.constant 0 : i32
      %dma_wait3A_2829 = arith.constant 0 : i32
      %dma_wait3A_2830 = tpu.memref_slice %arg9[%dma_wait3A_2828, %dma_wait3A_2829] : memref<384x128xf32, #tpu.memory_space<vmem>> -> memref<128x128xf32, #tpu.memory_space<vmem>>
      tpu.wait_dma2 semaphore(%arg11 : memref<!tpu.dma_semaphore, #tpu.memory_space<semaphore_mem>>) src(%dma_wait3A_2830 : memref<128x128xf32, #tpu.memory_space<vmem>>) dst(%dma_wait3A_2827 : memref<128x128xf32, #tpu.memory_space<vmem_shared>>)
      %dma_wait3A_2831 = arith.constant 0 : i32
      %dma_wait3A_2832 = arith.constant 0 : i32
      %dma_wait3A_2833 = tpu.memref_slice %arg9[%dma_wait3A_2831, %dma_wait3A_2832] : memref<384x128xf32, #tpu.memory_space<vmem>> -> memref<128x128xf32, #tpu.memory_space<vmem>>
      %dma_wait3A_2834 = arith.constant 0 : i32
      %dma_wait3A_2835 = arith.constant 0 : i32
      %dma_wait3A_2836 = tpu.memref_slice %arg6[%dma_wait3A_2834, %dma_wait3A_2835] : memref<10016x128xf32, #tpu.memory_space<vmem_shared>> -> memref<128x128xf32, #tpu.memory_space<vmem_shared>>
      %dma_wait3A_2837 = arith.constant 0 : i32
      %dma_wait3A_2838 = arith.constant 0 : i32
      %dma_wait3A_2839 = tpu.memref_slice %arg6[%dma_wait3A_2837, %dma_wait3A_2838] : memref<10016x128xf32, #tpu.memory_space<vmem_shared>> -> memref<128x128xf32, #tpu.memory_space<vmem_shared>>
      %dma_wait3A_2840 = arith.constant 0 : i32
      %dma_wait3A_2841 = arith.constant 0 : i32
      %dma_wait3A_2842 = tpu.memref_slice %arg9[%dma_wait3A_2840, %dma_wait3A_2841] : memref<384x128xf32, #tpu.memory_space<vmem>> -> memref<128x128xf32, #tpu.memory_space<vmem>>
      tpu.wait_dma2 semaphore(%arg11 : memref<!tpu.dma_semaphore, #tpu.memory_space<semaphore_mem>>) src(%dma_wait3A_2842 : memref<128x128xf32, #tpu.memory_space<vmem>>) dst(%dma_wait3A_2839 : memref<128x128xf32, #tpu.memory_space<vmem_shared>>)
      %dma_wait3A_2843 = arith.constant 0 : i32
      %dma_wait3A_2844 = arith.constant 0 : i32
      %dma_wait3A_2845 = tpu.memref_slice %arg9[%dma_wait3A_2843, %dma_wait3A_2844] : memref<384x128xf32, #tpu.memory_space<vmem>> -> memref<128x128xf32, #tpu.memory_space<vmem>>
      %dma_wait3A_2846 = arith.constant 0 : i32
      %dma_wait3A_2847 = arith.constant 0 : i32
      %dma_wait3A_2848 = tpu.memref_slice %arg6[%dma_wait3A_2846, %dma_wait3A_2847] : memref<10016x128xf32, #tpu.memory_space<vmem_shared>> -> memref<128x128xf32, #tpu.memory_space<vmem_shared>>
      %dma_wait3A_2849 = arith.constant 0 : i32
      %dma_wait3A_2850 = arith.constant 0 : i32
      %dma_wait3A_2851 = tpu.memref_slice %arg6[%dma_wait3A_2849, %dma_wait3A_2850] : memref<10016x128xf32, #tpu.memory_space<vmem_shared>> -> memref<128x128xf32, #tpu.memory_space<vmem_shared>>
      %dma_wait3A_2852 = arith.constant 0 : i32
      %dma_wait3A_2853 = arith.constant 0 : i32
      %dma_wait3A_2854 = tpu.memref_slice %arg9[%dma_wait3A_2852, %dma_wait3A_2853] : memref<384x128xf32, #tpu.memory_space<vmem>> -> memref<128x128xf32, #tpu.memory_space<vmem>>
      tpu.wait_dma2 semaphore(%arg11 : memref<!tpu.dma_semaphore, #tpu.memory_space<semaphore_mem>>) src(%dma_wait3A_2854 : memref<128x128xf32, #tpu.memory_space<vmem>>) dst(%dma_wait3A_2851 : memref<128x128xf32, #tpu.memory_space<vmem_shared>>)
      %dma_start3A_2855 = arith.constant 0 : i32
      %dma_start3A_2856 = arith.constant 0 : i32
      %dma_start3A_2857 = arith.constant 0 : i32
      %dma_start3A_2858 = arith.constant 0 : i32
      %dma_start3A_2859 = tpu.memref_slice %arg9[%dma_start3A_2857, %dma_start3A_2858] : memref<384x128xf32, #tpu.memory_space<vmem>> -> memref<128x128xf32, #tpu.memory_space<vmem>>
      %dma_start3A_2860 = arith.constant 0 : i32
      %dma_start3A_2861 = tpu.memref_slice %arg7[%dma_start3A_2855, %dma_start3A_2856, %dma_start3A_2860] : memref<5x2x128xi32, #tpu.memory_space<vmem>> -> memref<1x1x128xi32, #tpu.memory_space<vmem>>
      %dma_start3A_2862 = tpu.memref_squeeze %dma_start3A_2861 : memref<1x1x128xi32, #tpu.memory_space<vmem>> -> memref<128xi32, #tpu.memory_space<vmem>>
      %dma_start3A_2863 = arith.constant 0 : i32
      %dma_start3A_2864 = arith.constant 0 : i32
      %dma_start3A_2865 = tpu.memref_slice %arg2[%dma_start3A_2863, %dma_start3A_2864] : memref<20000x128xf32, #tpu.memory_space<hbm>> -> memref<20000x128xf32, #tpu.memory_space<hbm>>
      tpu.enqueue_indirect_dma source(%dma_start3A_2865 : memref<20000x128xf32, #tpu.memory_space<hbm>>) target(%dma_start3A_2859 : memref<128x128xf32, #tpu.memory_space<vmem>>) offsets(%dma_start3A_2862 : memref<128xi32, #tpu.memory_space<vmem>>) semaphore(%arg10 : memref<!tpu.dma_semaphore, #tpu.memory_space<semaphore_mem>>)
      %dma_start3A_2866 = arith.constant 1 : i32
      %dma_start3A_2867 = arith.constant 0 : i32
      %dma_start3A_2868 = arith.constant 128 : i32
      %dma_start3A_2869 = arith.constant 0 : i32
      %dma_start3A_2870 = tpu.memref_slice %arg9[%dma_start3A_2868, %dma_start3A_2869] : memref<384x128xf32, #tpu.memory_space<vmem>> -> memref<128x128xf32, #tpu.memory_space<vmem>>
      %dma_start3A_2871 = arith.constant 0 : i32
      %dma_start3A_2872 = tpu.memref_slice %arg7[%dma_start3A_2866, %dma_start3A_2867, %dma_start3A_2871] : memref<5x2x128xi32, #tpu.memory_space<vmem>> -> memref<1x1x128xi32, #tpu.memory_space<vmem>>
      %dma_start3A_2873 = tpu.memref_squeeze %dma_start3A_2872 : memref<1x1x128xi32, #tpu.memory_space<vmem>> -> memref<128xi32, #tpu.memory_space<vmem>>
      %dma_start3A_2874 = arith.constant 0 : i32
      %dma_start3A_2875 = arith.constant 0 : i32
      %dma_start3A_2876 = tpu.memref_slice %arg2[%dma_start3A_2874, %dma_start3A_2875] : memref<20000x128xf32, #tpu.memory_space<hbm>> -> memref<20000x128xf32, #tpu.memory_space<hbm>>
      tpu.enqueue_indirect_dma source(%dma_start3A_2876 : memref<20000x128xf32, #tpu.memory_space<hbm>>) target(%dma_start3A_2870 : memref<128x128xf32, #tpu.memory_space<vmem>>) offsets(%dma_start3A_2873 : memref<128xi32, #tpu.memory_space<vmem>>) semaphore(%arg10 : memref<!tpu.dma_semaphore, #tpu.memory_space<semaphore_mem>>)
    }
    %scan3A_714 = arith.constant 15 : i32
    %dma_wait3A = arith.constant 0 : i32
    %dma_wait3A_715 = arith.constant 0 : i32
    %dma_wait3A_716 = tpu.memref_slice %arg9[%dma_wait3A, %dma_wait3A_715] : memref<384x128xf32, #tpu.memory_space<vmem>> -> memref<128x128xf32, #tpu.memory_space<vmem>>
    %dma_wait3A_717 = arith.constant 0 : i32
    %dma_wait3A_718 = arith.constant 0 : i32
    %dma_wait3A_719 = tpu.memref_slice %arg2[%dma_wait3A_717, %dma_wait3A_718] : memref<20000x128xf32, #tpu.memory_space<hbm>> -> memref<128x128xf32, #tpu.memory_space<hbm>>
    %dma_wait3A_720 = arith.constant 0 : i32
    %dma_wait3A_721 = arith.constant 0 : i32
    %dma_wait3A_722 = tpu.memref_slice %arg9[%dma_wait3A_720, %dma_wait3A_721] : memref<384x128xf32, #tpu.memory_space<vmem>> -> memref<128x128xf32, #tpu.memory_space<vmem>>
    %dma_wait3A_723 = arith.constant 0 : i32
    %dma_wait3A_724 = arith.constant 0 : i32
    %dma_wait3A_725 = tpu.memref_slice %arg2[%dma_wait3A_723, %dma_wait3A_724] : memref<20000x128xf32, #tpu.memory_space<hbm>> -> memref<128x128xf32, #tpu.memory_space<hbm>>
    tpu.wait_dma2 semaphore(%arg10 : memref<!tpu.dma_semaphore, #tpu.memory_space<semaphore_mem>>) src(%dma_wait3A_725 : memref<128x128xf32, #tpu.memory_space<hbm>>) dst(%dma_wait3A_722 : memref<128x128xf32, #tpu.memory_space<vmem>>)
    %get3A_726 = arith.constant 0 : i32
    %get3A_727 = arith.constant 1 : i32
    %get3A_728 = arith.index_cast %get3A_726 : i32 to index
    %get3A_729 = arith.index_cast %get3A_727 : i32 to index
    %get3A_730 = arith.constant 0 : index
    %get3A_731 = tpu.vector_load %arg7[%get3A_728, %get3A_729, %get3A_730] {strides = array<i32>} : memref<5x2x128xi32, #tpu.memory_space<vmem>>, vector<1x1x16xi32>,
    %get3A_732 = vector.shape_cast %get3A_731 : vector<1x1x16xi32> to vector<16xi32>
    %swap3A_733 = arith.constant 0 : i32
    %swap3A_734 = arith.index_cast %swap3A_733 : i32 to index
    %swap3A_735 = arith.constant 0 : index
    %swap3A_736 = tpu.vector_load %arg8[%swap3A_734, %swap3A_735] {strides = array<i32>} : memref<3x128xi32, #tpu.memory_space<vmem>>, vector<1x16xi32>,
    %swap3A_737 = vector.shape_cast %swap3A_736 : vector<1x16xi32> to vector<16xi32>
    %swap3A_738 = vector.shape_cast %get3A_732 : vector<16xi32> to vector<1x16xi32>
    tpu.vector_store %arg8[%swap3A_734, %swap3A_735], %swap3A_738 {strides = array<i32>} : memref<3x128xi32, #tpu.memory_space<vmem>>, vector<1x16xi32>,
    %get3A_739 = arith.constant 0 : i32
    %get3A_740 = arith.constant 1 : i32
    %get3A_741 = arith.index_cast %get3A_739 : i32 to index
    %get3A_742 = arith.index_cast %get3A_740 : i32 to index
    %get3A_743 = arith.constant 16 : index
    %get3A_744 = tpu.vector_load %arg7[%get3A_741, %get3A_742, %get3A_743] {strides = array<i32>} : memref<5x2x128xi32, #tpu.memory_space<vmem>>, vector<1x1x16xi32>,
    %get3A_745 = vector.shape_cast %get3A_744 : vector<1x1x16xi32> to vector<16xi32>
    %swap3A_746 = arith.constant 0 : i32
    %swap3A_747 = arith.index_cast %swap3A_746 : i32 to index
    %swap3A_748 = arith.constant 16 : index
    %swap3A_749 = tpu.vector_load %arg8[%swap3A_747, %swap3A_748] {strides = array<i32>} : memref<3x128xi32, #tpu.memory_space<vmem>>, vector<1x16xi32>,
    %swap3A_750 = vector.shape_cast %swap3A_749 : vector<1x16xi32> to vector<16xi32>
    %swap3A_751 = vector.shape_cast %get3A_745 : vector<16xi32> to vector<1x16xi32>
    tpu.vector_store %arg8[%swap3A_747, %swap3A_748], %swap3A_751 {strides = array<i32>} : memref<3x128xi32, #tpu.memory_space<vmem>>, vector<1x16xi32>,
    %get3A_752 = arith.constant 0 : i32
    %get3A_753 = arith.constant 1 : i32
    %get3A_754 = arith.index_cast %get3A_752 : i32 to index
    %get3A_755 = arith.index_cast %get3A_753 : i32 to index
    %get3A_756 = arith.constant 32 : index
    %get3A_757 = tpu.vector_load %arg7[%get3A_754, %get3A_755, %get3A_756] {strides = array<i32>} : memref<5x2x128xi32, #tpu.memory_space<vmem>>, vector<1x1x16xi32>,
    %get3A_758 = vector.shape_cast %get3A_757 : vector<1x1x16xi32> to vector<16xi32>
    %swap3A_759 = arith.constant 0 : i32
    %swap3A_760 = arith.index_cast %swap3A_759 : i32 to index
    %swap3A_761 = arith.constant 32 : index
    %swap3A_762 = tpu.vector_load %arg8[%swap3A_760, %swap3A_761] {strides = array<i32>} : memref<3x128xi32, #tpu.memory_space<vmem>>, vector<1x16xi32>,
    %swap3A_763 = vector.shape_cast %swap3A_762 : vector<1x16xi32> to vector<16xi32>
    %swap3A_764 = vector.shape_cast %get3A_758 : vector<16xi32> to vector<1x16xi32>
    tpu.vector_store %arg8[%swap3A_760, %swap3A_761], %swap3A_764 {strides = array<i32>} : memref<3x128xi32, #tpu.memory_space<vmem>>, vector<1x16xi32>,
    %get3A_765 = arith.constant 0 : i32
    %get3A_766 = arith.constant 1 : i32
    %get3A_767 = arith.index_cast %get3A_765 : i32 to index
    %get3A_768 = arith.index_cast %get3A_766 : i32 to index
    %get3A_769 = arith.constant 48 : index
    %get3A_770 = tpu.vector_load %arg7[%get3A_767, %get3A_768, %get3A_769] {strides = array<i32>} : memref<5x2x128xi32, #tpu.memory_space<vmem>>, vector<1x1x16xi32>,
    %get3A_771 = vector.shape_cast %get3A_770 : vector<1x1x16xi32> to vector<16xi32>
    %swap3A_772 = arith.constant 0 : i32
    %swap3A_773 = arith.index_cast %swap3A_772 : i32 to index
    %swap3A_774 = arith.constant 48 : index
    %swap3A_775 = tpu.vector_load %arg8[%swap3A_773, %swap3A_774] {strides = array<i32>} : memref<3x128xi32, #tpu.memory_space<vmem>>, vector<1x16xi32>,
    %swap3A_776 = vector.shape_cast %swap3A_775 : vector<1x16xi32> to vector<16xi32>
    %swap3A_777 = vector.shape_cast %get3A_771 : vector<16xi32> to vector<1x16xi32>
    tpu.vector_store %arg8[%swap3A_773, %swap3A_774], %swap3A_777 {strides = array<i32>} : memref<3x128xi32, #tpu.memory_space<vmem>>, vector<1x16xi32>,
    %get3A_778 = arith.constant 0 : i32
    %get3A_779 = arith.constant 1 : i32
    %get3A_780 = arith.index_cast %get3A_778 : i32 to index
    %get3A_781 = arith.index_cast %get3A_779 : i32 to index
    %get3A_782 = arith.constant 64 : index
    %get3A_783 = tpu.vector_load %arg7[%get3A_780, %get3A_781, %get3A_782] {strides = array<i32>} : memref<5x2x128xi32, #tpu.memory_space<vmem>>, vector<1x1x16xi32>,
    %get3A_784 = vector.shape_cast %get3A_783 : vector<1x1x16xi32> to vector<16xi32>
    %swap3A_785 = arith.constant 0 : i32
    %swap3A_786 = arith.index_cast %swap3A_785 : i32 to index
    %swap3A_787 = arith.constant 64 : index
    %swap3A_788 = tpu.vector_load %arg8[%swap3A_786, %swap3A_787] {strides = array<i32>} : memref<3x128xi32, #tpu.memory_space<vmem>>, vector<1x16xi32>,
    %swap3A_789 = vector.shape_cast %swap3A_788 : vector<1x16xi32> to vector<16xi32>
    %swap3A_790 = vector.shape_cast %get3A_784 : vector<16xi32> to vector<1x16xi32>
    tpu.vector_store %arg8[%swap3A_786, %swap3A_787], %swap3A_790 {strides = array<i32>} : memref<3x128xi32, #tpu.memory_space<vmem>>, vector<1x16xi32>,
    %get3A_791 = arith.constant 0 : i32
    %get3A_792 = arith.constant 1 : i32
    %get3A_793 = arith.index_cast %get3A_791 : i32 to index
    %get3A_794 = arith.index_cast %get3A_792 : i32 to index
    %get3A_795 = arith.constant 80 : index
    %get3A_796 = tpu.vector_load %arg7[%get3A_793, %get3A_794, %get3A_795] {strides = array<i32>} : memref<5x2x128xi32, #tpu.memory_space<vmem>>, vector<1x1x16xi32>,
    %get3A_797 = vector.shape_cast %get3A_796 : vector<1x1x16xi32> to vector<16xi32>
    %swap3A_798 = arith.constant 0 : i32
    %swap3A_799 = arith.index_cast %swap3A_798 : i32 to index
    %swap3A_800 = arith.constant 80 : index
    %swap3A_801 = tpu.vector_load %arg8[%swap3A_799, %swap3A_800] {strides = array<i32>} : memref<3x128xi32, #tpu.memory_space<vmem>>, vector<1x16xi32>,
    %swap3A_802 = vector.shape_cast %swap3A_801 : vector<1x16xi32> to vector<16xi32>
    %swap3A_803 = vector.shape_cast %get3A_797 : vector<16xi32> to vector<1x16xi32>
    tpu.vector_store %arg8[%swap3A_799, %swap3A_800], %swap3A_803 {strides = array<i32>} : memref<3x128xi32, #tpu.memory_space<vmem>>, vector<1x16xi32>,
    %get3A_804 = arith.constant 0 : i32
    %get3A_805 = arith.constant 1 : i32
    %get3A_806 = arith.index_cast %get3A_804 : i32 to index
    %get3A_807 = arith.index_cast %get3A_805 : i32 to index
    %get3A_808 = arith.constant 96 : index
    %get3A_809 = tpu.vector_load %arg7[%get3A_806, %get3A_807, %get3A_808] {strides = array<i32>} : memref<5x2x128xi32, #tpu.memory_space<vmem>>, vector<1x1x16xi32>,
    %get3A_810 = vector.shape_cast %get3A_809 : vector<1x1x16xi32> to vector<16xi32>
    %swap3A_811 = arith.constant 0 : i32
    %swap3A_812 = arith.index_cast %swap3A_811 : i32 to index
    %swap3A_813 = arith.constant 96 : index
    %swap3A_814 = tpu.vector_load %arg8[%swap3A_812, %swap3A_813] {strides = array<i32>} : memref<3x128xi32, #tpu.memory_space<vmem>>, vector<1x16xi32>,
    %swap3A_815 = vector.shape_cast %swap3A_814 : vector<1x16xi32> to vector<16xi32>
    %swap3A_816 = vector.shape_cast %get3A_810 : vector<16xi32> to vector<1x16xi32>
    tpu.vector_store %arg8[%swap3A_812, %swap3A_813], %swap3A_816 {strides = array<i32>} : memref<3x128xi32, #tpu.memory_space<vmem>>, vector<1x16xi32>,
    %get3A_817 = arith.constant 0 : i32
    %get3A_818 = arith.constant 1 : i32
    %get3A_819 = arith.index_cast %get3A_817 : i32 to index
    %get3A_820 = arith.index_cast %get3A_818 : i32 to index
    %get3A_821 = arith.constant 112 : index
    %get3A_822 = tpu.vector_load %arg7[%get3A_819, %get3A_820, %get3A_821] {strides = array<i32>} : memref<5x2x128xi32, #tpu.memory_space<vmem>>, vector<1x1x16xi32>,
    %get3A_823 = vector.shape_cast %get3A_822 : vector<1x1x16xi32> to vector<16xi32>
    %swap3A_824 = arith.constant 0 : i32
    %swap3A_825 = arith.index_cast %swap3A_824 : i32 to index
    %swap3A_826 = arith.constant 112 : index
    %swap3A_827 = tpu.vector_load %arg8[%swap3A_825, %swap3A_826] {strides = array<i32>} : memref<3x128xi32, #tpu.memory_space<vmem>>, vector<1x16xi32>,
    %swap3A_828 = vector.shape_cast %swap3A_827 : vector<1x16xi32> to vector<16xi32>
    %swap3A_829 = vector.shape_cast %get3A_823 : vector<16xi32> to vector<1x16xi32>
    tpu.vector_store %arg8[%swap3A_825, %swap3A_826], %swap3A_829 {strides = array<i32>} : memref<3x128xi32, #tpu.memory_space<vmem>>, vector<1x16xi32>,
    %dma_start3A_830 = arith.constant 0 : i32
    %dma_start3A_831 = arith.constant 0 : i32
    %dma_start3A_832 = arith.constant 0 : i32
    %dma_start3A_833 = tpu.memref_slice %arg9[%dma_start3A_831, %dma_start3A_832] : memref<384x128xf32, #tpu.memory_space<vmem>> -> memref<128x128xf32, #tpu.memory_space<vmem>>
    %dma_start3A_834 = arith.constant 0 : i32
    %dma_start3A_835 = tpu.memref_slice %arg8[%dma_start3A_830, %dma_start3A_834] : memref<3x128xi32, #tpu.memory_space<vmem>> -> memref<1x128xi32, #tpu.memory_space<vmem>>
    %dma_start3A_836 = tpu.memref_squeeze %dma_start3A_835 : memref<1x128xi32, #tpu.memory_space<vmem>> -> memref<128xi32, #tpu.memory_space<vmem>>
    %dma_start3A_837 = arith.constant 0 : i32
    %dma_start3A_838 = arith.constant 0 : i32
    %dma_start3A_839 = tpu.memref_slice %arg6[%dma_start3A_837, %dma_start3A_838] : memref<10016x128xf32, #tpu.memory_space<vmem_shared>> -> memref<10016x128xf32, #tpu.memory_space<vmem_shared>>
    tpu.enqueue_indirect_dma source(%dma_start3A_833 : memref<128x128xf32, #tpu.memory_space<vmem>>) target(%dma_start3A_839 : memref<10016x128xf32, #tpu.memory_space<vmem_shared>>) offsets(%dma_start3A_836 : memref<128xi32, #tpu.memory_space<vmem>>) semaphore(%arg11 : memref<!tpu.dma_semaphore, #tpu.memory_space<semaphore_mem>>) {add = true}
    %dma_start3A_840 = arith.constant 2 : i32
    %dma_start3A_841 = arith.constant 0 : i32
    %dma_start3A_842 = arith.constant 256 : i32
    %dma_start3A_843 = arith.constant 0 : i32
    %dma_start3A_844 = tpu.memref_slice %arg9[%dma_start3A_842, %dma_start3A_843] : memref<384x128xf32, #tpu.memory_space<vmem>> -> memref<128x128xf32, #tpu.memory_space<vmem>>
    %dma_start3A_845 = arith.constant 0 : i32
    %dma_start3A_846 = tpu.memref_slice %arg7[%dma_start3A_840, %dma_start3A_841, %dma_start3A_845] : memref<5x2x128xi32, #tpu.memory_space<vmem>> -> memref<1x1x128xi32, #tpu.memory_space<vmem>>
    %dma_start3A_847 = tpu.memref_squeeze %dma_start3A_846 : memref<1x1x128xi32, #tpu.memory_space<vmem>> -> memref<128xi32, #tpu.memory_space<vmem>>
    %dma_start3A_848 = arith.constant 0 : i32
    %dma_start3A_849 = arith.constant 0 : i32
    %dma_start3A_850 = tpu.memref_slice %arg2[%dma_start3A_848, %dma_start3A_849] : memref<20000x128xf32, #tpu.memory_space<hbm>> -> memref<20000x128xf32, #tpu.memory_space<hbm>>
    tpu.enqueue_indirect_dma source(%dma_start3A_850 : memref<20000x128xf32, #tpu.memory_space<hbm>>) target(%dma_start3A_844 : memref<128x128xf32, #tpu.memory_space<vmem>>) offsets(%dma_start3A_847 : memref<128xi32, #tpu.memory_space<vmem>>) semaphore(%arg10 : memref<!tpu.dma_semaphore, #tpu.memory_space<semaphore_mem>>)
    %dma_wait3A_851 = arith.constant 0 : i32
    %dma_wait3A_852 = arith.constant 0 : i32
    %dma_wait3A_853 = tpu.memref_slice %arg9[%dma_wait3A_851, %dma_wait3A_852] : memref<384x128xf32, #tpu.memory_space<vmem>> -> memref<128x128xf32, #tpu.memory_space<vmem>>
    %dma_wait3A_854 = arith.constant 0 : i32
    %dma_wait3A_855 = arith.constant 0 : i32
    %dma_wait3A_856 = tpu.memref_slice %arg2[%dma_wait3A_854, %dma_wait3A_855] : memref<20000x128xf32, #tpu.memory_space<hbm>> -> memref<128x128xf32, #tpu.memory_space<hbm>>
    %dma_wait3A_857 = arith.constant 0 : i32
    %dma_wait3A_858 = arith.constant 0 : i32
    %dma_wait3A_859 = tpu.memref_slice %arg9[%dma_wait3A_857, %dma_wait3A_858] : memref<384x128xf32, #tpu.memory_space<vmem>> -> memref<128x128xf32, #tpu.memory_space<vmem>>
    %dma_wait3A_860 = arith.constant 0 : i32
    %dma_wait3A_861 = arith.constant 0 : i32
    %dma_wait3A_862 = tpu.memref_slice %arg2[%dma_wait3A_860, %dma_wait3A_861] : memref<20000x128xf32, #tpu.memory_space<hbm>> -> memref<128x128xf32, #tpu.memory_space<hbm>>
    tpu.wait_dma2 semaphore(%arg10 : memref<!tpu.dma_semaphore, #tpu.memory_space<semaphore_mem>>) src(%dma_wait3A_862 : memref<128x128xf32, #tpu.memory_space<hbm>>) dst(%dma_wait3A_859 : memref<128x128xf32, #tpu.memory_space<vmem>>)
    %get3A_863 = arith.constant 1 : i32
    %get3A_864 = arith.constant 1 : i32
    %get3A_865 = arith.index_cast %get3A_863 : i32 to index
    %get3A_866 = arith.index_cast %get3A_864 : i32 to index
    %get3A_867 = arith.constant 0 : index
    %get3A_868 = tpu.vector_load %arg7[%get3A_865, %get3A_866, %get3A_867] {strides = array<i32>} : memref<5x2x128xi32, #tpu.memory_space<vmem>>, vector<1x1x16xi32>,
    %get3A_869 = vector.shape_cast %get3A_868 : vector<1x1x16xi32> to vector<16xi32>
    %swap3A_870 = arith.constant 1 : i32
    %swap3A_871 = arith.index_cast %swap3A_870 : i32 to index
    %swap3A_872 = arith.constant 0 : index
    %swap3A_873 = tpu.vector_load %arg8[%swap3A_871, %swap3A_872] {strides = array<i32>} : memref<3x128xi32, #tpu.memory_space<vmem>>, vector<1x16xi32>,
    %swap3A_874 = vector.shape_cast %swap3A_873 : vector<1x16xi32> to vector<16xi32>
    %swap3A_875 = vector.shape_cast %get3A_869 : vector<16xi32> to vector<1x16xi32>
    tpu.vector_store %arg8[%swap3A_871, %swap3A_872], %swap3A_875 {strides = array<i32>} : memref<3x128xi32, #tpu.memory_space<vmem>>, vector<1x16xi32>,
    %get3A_876 = arith.constant 1 : i32
    %get3A_877 = arith.constant 1 : i32
    %get3A_878 = arith.index_cast %get3A_876 : i32 to index
    %get3A_879 = arith.index_cast %get3A_877 : i32 to index
    %get3A_880 = arith.constant 16 : index
    %get3A_881 = tpu.vector_load %arg7[%get3A_878, %get3A_879, %get3A_880] {strides = array<i32>} : memref<5x2x128xi32, #tpu.memory_space<vmem>>, vector<1x1x16xi32>,
    %get3A_882 = vector.shape_cast %get3A_881 : vector<1x1x16xi32> to vector<16xi32>
    %swap3A_883 = arith.constant 1 : i32
    %swap3A_884 = arith.index_cast %swap3A_883 : i32 to index
    %swap3A_885 = arith.constant 16 : index
    %swap3A_886 = tpu.vector_load %arg8[%swap3A_884, %swap3A_885] {strides = array<i32>} : memref<3x128xi32, #tpu.memory_space<vmem>>, vector<1x16xi32>,
    %swap3A_887 = vector.shape_cast %swap3A_886 : vector<1x16xi32> to vector<16xi32>
    %swap3A_888 = vector.shape_cast %get3A_882 : vector<16xi32> to vector<1x16xi32>
    tpu.vector_store %arg8[%swap3A_884, %swap3A_885], %swap3A_888 {strides = array<i32>} : memref<3x128xi32, #tpu.memory_space<vmem>>, vector<1x16xi32>,
    %get3A_889 = arith.constant 1 : i32
    %get3A_890 = arith.constant 1 : i32
    %get3A_891 = arith.index_cast %get3A_889 : i32 to index
    %get3A_892 = arith.index_cast %get3A_890 : i32 to index
    %get3A_893 = arith.constant 32 : index
    %get3A_894 = tpu.vector_load %arg7[%get3A_891, %get3A_892, %get3A_893] {strides = array<i32>} : memref<5x2x128xi32, #tpu.memory_space<vmem>>, vector<1x1x16xi32>,
    %get3A_895 = vector.shape_cast %get3A_894 : vector<1x1x16xi32> to vector<16xi32>
    %swap3A_896 = arith.constant 1 : i32
    %swap3A_897 = arith.index_cast %swap3A_896 : i32 to index
    %swap3A_898 = arith.constant 32 : index
    %swap3A_899 = tpu.vector_load %arg8[%swap3A_897, %swap3A_898] {strides = array<i32>} : memref<3x128xi32, #tpu.memory_space<vmem>>, vector<1x16xi32>,
    %swap3A_900 = vector.shape_cast %swap3A_899 : vector<1x16xi32> to vector<16xi32>
    %swap3A_901 = vector.shape_cast %get3A_895 : vector<16xi32> to vector<1x16xi32>
    tpu.vector_store %arg8[%swap3A_897, %swap3A_898], %swap3A_901 {strides = array<i32>} : memref<3x128xi32, #tpu.memory_space<vmem>>, vector<1x16xi32>,
    %get3A_902 = arith.constant 1 : i32
    %get3A_903 = arith.constant 1 : i32
    %get3A_904 = arith.index_cast %get3A_902 : i32 to index
    %get3A_905 = arith.index_cast %get3A_903 : i32 to index
    %get3A_906 = arith.constant 48 : index
    %get3A_907 = tpu.vector_load %arg7[%get3A_904, %get3A_905, %get3A_906] {strides = array<i32>} : memref<5x2x128xi32, #tpu.memory_space<vmem>>, vector<1x1x16xi32>,
    %get3A_908 = vector.shape_cast %get3A_907 : vector<1x1x16xi32> to vector<16xi32>
    %swap3A_909 = arith.constant 1 : i32
    %swap3A_910 = arith.index_cast %swap3A_909 : i32 to index
    %swap3A_911 = arith.constant 48 : index
    %swap3A_912 = tpu.vector_load %arg8[%swap3A_910, %swap3A_911] {strides = array<i32>} : memref<3x128xi32, #tpu.memory_space<vmem>>, vector<1x16xi32>,
    %swap3A_913 = vector.shape_cast %swap3A_912 : vector<1x16xi32> to vector<16xi32>
    %swap3A_914 = vector.shape_cast %get3A_908 : vector<16xi32> to vector<1x16xi32>
    tpu.vector_store %arg8[%swap3A_910, %swap3A_911], %swap3A_914 {strides = array<i32>} : memref<3x128xi32, #tpu.memory_space<vmem>>, vector<1x16xi32>,
    %get3A_915 = arith.constant 1 : i32
    %get3A_916 = arith.constant 1 : i32
    %get3A_917 = arith.index_cast %get3A_915 : i32 to index
    %get3A_918 = arith.index_cast %get3A_916 : i32 to index
    %get3A_919 = arith.constant 64 : index
    %get3A_920 = tpu.vector_load %arg7[%get3A_917, %get3A_918, %get3A_919] {strides = array<i32>} : memref<5x2x128xi32, #tpu.memory_space<vmem>>, vector<1x1x16xi32>,
    %get3A_921 = vector.shape_cast %get3A_920 : vector<1x1x16xi32> to vector<16xi32>
    %swap3A_922 = arith.constant 1 : i32
    %swap3A_923 = arith.index_cast %swap3A_922 : i32 to index
    %swap3A_924 = arith.constant 64 : index
    %swap3A_925 = tpu.vector_load %arg8[%swap3A_923, %swap3A_924] {strides = array<i32>} : memref<3x128xi32, #tpu.memory_space<vmem>>, vector<1x16xi32>,
    %swap3A_926 = vector.shape_cast %swap3A_925 : vector<1x16xi32> to vector<16xi32>
    %swap3A_927 = vector.shape_cast %get3A_921 : vector<16xi32> to vector<1x16xi32>
    tpu.vector_store %arg8[%swap3A_923, %swap3A_924], %swap3A_927 {strides = array<i32>} : memref<3x128xi32, #tpu.memory_space<vmem>>, vector<1x16xi32>,
    %get3A_928 = arith.constant 1 : i32
    %get3A_929 = arith.constant 1 : i32
    %get3A_930 = arith.index_cast %get3A_928 : i32 to index
    %get3A_931 = arith.index_cast %get3A_929 : i32 to index
    %get3A_932 = arith.constant 80 : index
    %get3A_933 = tpu.vector_load %arg7[%get3A_930, %get3A_931, %get3A_932] {strides = array<i32>} : memref<5x2x128xi32, #tpu.memory_space<vmem>>, vector<1x1x16xi32>,
    %get3A_934 = vector.shape_cast %get3A_933 : vector<1x1x16xi32> to vector<16xi32>
    %swap3A_935 = arith.constant 1 : i32
    %swap3A_936 = arith.index_cast %swap3A_935 : i32 to index
    %swap3A_937 = arith.constant 80 : index
    %swap3A_938 = tpu.vector_load %arg8[%swap3A_936, %swap3A_937] {strides = array<i32>} : memref<3x128xi32, #tpu.memory_space<vmem>>, vector<1x16xi32>,
    %swap3A_939 = vector.shape_cast %swap3A_938 : vector<1x16xi32> to vector<16xi32>
    %swap3A_940 = vector.shape_cast %get3A_934 : vector<16xi32> to vector<1x16xi32>
    tpu.vector_store %arg8[%swap3A_936, %swap3A_937], %swap3A_940 {strides = array<i32>} : memref<3x128xi32, #tpu.memory_space<vmem>>, vector<1x16xi32>,
    %get3A_941 = arith.constant 1 : i32
    %get3A_942 = arith.constant 1 : i32
    %get3A_943 = arith.index_cast %get3A_941 : i32 to index
    %get3A_944 = arith.index_cast %get3A_942 : i32 to index
    %get3A_945 = arith.constant 96 : index
    %get3A_946 = tpu.vector_load %arg7[%get3A_943, %get3A_944, %get3A_945] {strides = array<i32>} : memref<5x2x128xi32, #tpu.memory_space<vmem>>, vector<1x1x16xi32>,
    %get3A_947 = vector.shape_cast %get3A_946 : vector<1x1x16xi32> to vector<16xi32>
    %swap3A_948 = arith.constant 1 : i32
    %swap3A_949 = arith.index_cast %swap3A_948 : i32 to index
    %swap3A_950 = arith.constant 96 : index
    %swap3A_951 = tpu.vector_load %arg8[%swap3A_949, %swap3A_950] {strides = array<i32>} : memref<3x128xi32, #tpu.memory_space<vmem>>, vector<1x16xi32>,
    %swap3A_952 = vector.shape_cast %swap3A_951 : vector<1x16xi32> to vector<16xi32>
    %swap3A_953 = vector.shape_cast %get3A_947 : vector<16xi32> to vector<1x16xi32>
    tpu.vector_store %arg8[%swap3A_949, %swap3A_950], %swap3A_953 {strides = array<i32>} : memref<3x128xi32, #tpu.memory_space<vmem>>, vector<1x16xi32>,
    %get3A_954 = arith.constant 1 : i32
    %get3A_955 = arith.constant 1 : i32
    %get3A_956 = arith.index_cast %get3A_954 : i32 to index
    %get3A_957 = arith.index_cast %get3A_955 : i32 to index
    %get3A_958 = arith.constant 112 : index
    %get3A_959 = tpu.vector_load %arg7[%get3A_956, %get3A_957, %get3A_958] {strides = array<i32>} : memref<5x2x128xi32, #tpu.memory_space<vmem>>, vector<1x1x16xi32>,
    %get3A_960 = vector.shape_cast %get3A_959 : vector<1x1x16xi32> to vector<16xi32>
    %swap3A_961 = arith.constant 1 : i32
    %swap3A_962 = arith.index_cast %swap3A_961 : i32 to index
    %swap3A_963 = arith.constant 112 : index
    %swap3A_964 = tpu.vector_load %arg8[%swap3A_962, %swap3A_963] {strides = array<i32>} : memref<3x128xi32, #tpu.memory_space<vmem>>, vector<1x16xi32>,
    %swap3A_965 = vector.shape_cast %swap3A_964 : vector<1x16xi32> to vector<16xi32>
    %swap3A_966 = vector.shape_cast %get3A_960 : vector<16xi32> to vector<1x16xi32>
    tpu.vector_store %arg8[%swap3A_962, %swap3A_963], %swap3A_966 {strides = array<i32>} : memref<3x128xi32, #tpu.memory_space<vmem>>, vector<1x16xi32>,
    %dma_start3A_967 = arith.constant 1 : i32
    %dma_start3A_968 = arith.constant 128 : i32
    %dma_start3A_969 = arith.constant 0 : i32
    %dma_start3A_970 = tpu.memref_slice %arg9[%dma_start3A_968, %dma_start3A_969] : memref<384x128xf32, #tpu.memory_space<vmem>> -> memref<128x128xf32, #tpu.memory_space<vmem>>
    %dma_start3A_971 = arith.constant 0 : i32
    %dma_start3A_972 = tpu.memref_slice %arg8[%dma_start3A_967, %dma_start3A_971] : memref<3x128xi32, #tpu.memory_space<vmem>> -> memref<1x128xi32, #tpu.memory_space<vmem>>
    %dma_start3A_973 = tpu.memref_squeeze %dma_start3A_972 : memref<1x128xi32, #tpu.memory_space<vmem>> -> memref<128xi32, #tpu.memory_space<vmem>>
    %dma_start3A_974 = arith.constant 0 : i32
    %dma_start3A_975 = arith.constant 0 : i32
    %dma_start3A_976 = tpu.memref_slice %arg6[%dma_start3A_974, %dma_start3A_975] : memref<10016x128xf32, #tpu.memory_space<vmem_shared>> -> memref<10016x128xf32, #tpu.memory_space<vmem_shared>>
    tpu.enqueue_indirect_dma source(%dma_start3A_970 : memref<128x128xf32, #tpu.memory_space<vmem>>) target(%dma_start3A_976 : memref<10016x128xf32, #tpu.memory_space<vmem_shared>>) offsets(%dma_start3A_973 : memref<128xi32, #tpu.memory_space<vmem>>) semaphore(%arg11 : memref<!tpu.dma_semaphore, #tpu.memory_space<semaphore_mem>>) {add = true}
    %dma_wait3A_977 = arith.constant 0 : i32
    %dma_wait3A_978 = arith.constant 0 : i32
    %dma_wait3A_979 = tpu.memref_slice %arg9[%dma_wait3A_977, %dma_wait3A_978] : memref<384x128xf32, #tpu.memory_space<vmem>> -> memref<128x128xf32, #tpu.memory_space<vmem>>
    %dma_wait3A_980 = arith.constant 0 : i32
    %dma_wait3A_981 = arith.constant 0 : i32
    %dma_wait3A_982 = tpu.memref_slice %arg6[%dma_wait3A_980, %dma_wait3A_981] : memref<10016x128xf32, #tpu.memory_space<vmem_shared>> -> memref<128x128xf32, #tpu.memory_space<vmem_shared>>
    %dma_wait3A_983 = arith.constant 0 : i32
    %dma_wait3A_984 = arith.constant 0 : i32
    %dma_wait3A_985 = tpu.memref_slice %arg6[%dma_wait3A_983, %dma_wait3A_984] : memref<10016x128xf32, #tpu.memory_space<vmem_shared>> -> memref<128x128xf32, #tpu.memory_space<vmem_shared>>
    %dma_wait3A_986 = arith.constant 0 : i32
    %dma_wait3A_987 = arith.constant 0 : i32
    %dma_wait3A_988 = tpu.memref_slice %arg9[%dma_wait3A_986, %dma_wait3A_987] : memref<384x128xf32, #tpu.memory_space<vmem>> -> memref<128x128xf32, #tpu.memory_space<vmem>>
    tpu.wait_dma2 semaphore(%arg11 : memref<!tpu.dma_semaphore, #tpu.memory_space<semaphore_mem>>) src(%dma_wait3A_988 : memref<128x128xf32, #tpu.memory_space<vmem>>) dst(%dma_wait3A_985 : memref<128x128xf32, #tpu.memory_space<vmem_shared>>)
    %dma_start3A_989 = arith.constant 3 : i32
    %dma_start3A_990 = arith.constant 0 : i32
    %dma_start3A_991 = arith.constant 0 : i32
    %dma_start3A_992 = arith.constant 0 : i32
    %dma_start3A_993 = tpu.memref_slice %arg9[%dma_start3A_991, %dma_start3A_992] : memref<384x128xf32, #tpu.memory_space<vmem>> -> memref<128x128xf32, #tpu.memory_space<vmem>>
    %dma_start3A_994 = arith.constant 0 : i32
    %dma_start3A_995 = tpu.memref_slice %arg7[%dma_start3A_989, %dma_start3A_990, %dma_start3A_994] : memref<5x2x128xi32, #tpu.memory_space<vmem>> -> memref<1x1x128xi32, #tpu.memory_space<vmem>>
    %dma_start3A_996 = tpu.memref_squeeze %dma_start3A_995 : memref<1x1x128xi32, #tpu.memory_space<vmem>> -> memref<128xi32, #tpu.memory_space<vmem>>
    %dma_start3A_997 = arith.constant 0 : i32
    %dma_start3A_998 = arith.constant 0 : i32
    %dma_start3A_999 = tpu.memref_slice %arg2[%dma_start3A_997, %dma_start3A_998] : memref<20000x128xf32, #tpu.memory_space<hbm>> -> memref<20000x128xf32, #tpu.memory_space<hbm>>
    tpu.enqueue_indirect_dma source(%dma_start3A_999 : memref<20000x128xf32, #tpu.memory_space<hbm>>) target(%dma_start3A_993 : memref<128x128xf32, #tpu.memory_space<vmem>>) offsets(%dma_start3A_996 : memref<128xi32, #tpu.memory_space<vmem>>) semaphore(%arg10 : memref<!tpu.dma_semaphore, #tpu.memory_space<semaphore_mem>>)
    %dma_wait3A_1000 = arith.constant 0 : i32
    %dma_wait3A_1001 = arith.constant 0 : i32
    %dma_wait3A_1002 = tpu.memref_slice %arg9[%dma_wait3A_1000, %dma_wait3A_1001] : memref<384x128xf32, #tpu.memory_space<vmem>> -> memref<128x128xf32, #tpu.memory_space<vmem>>
    %dma_wait3A_1003 = arith.constant 0 : i32
    %dma_wait3A_1004 = arith.constant 0 : i32
    %dma_wait3A_1005 = tpu.memref_slice %arg2[%dma_wait3A_1003, %dma_wait3A_1004] : memref<20000x128xf32, #tpu.memory_space<hbm>> -> memref<128x128xf32, #tpu.memory_space<hbm>>
    %dma_wait3A_1006 = arith.constant 0 : i32
    %dma_wait3A_1007 = arith.constant 0 : i32
    %dma_wait3A_1008 = tpu.memref_slice %arg9[%dma_wait3A_1006, %dma_wait3A_1007] : memref<384x128xf32, #tpu.memory_space<vmem>> -> memref<128x128xf32, #tpu.memory_space<vmem>>
    %dma_wait3A_1009 = arith.constant 0 : i32
    %dma_wait3A_1010 = arith.constant 0 : i32
    %dma_wait3A_1011 = tpu.memref_slice %arg2[%dma_wait3A_1009, %dma_wait3A_1010] : memref<20000x128xf32, #tpu.memory_space<hbm>> -> memref<128x128xf32, #tpu.memory_space<hbm>>
    tpu.wait_dma2 semaphore(%arg10 : memref<!tpu.dma_semaphore, #tpu.memory_space<semaphore_mem>>) src(%dma_wait3A_1011 : memref<128x128xf32, #tpu.memory_space<hbm>>) dst(%dma_wait3A_1008 : memref<128x128xf32, #tpu.memory_space<vmem>>)
    %get3A_1012 = arith.constant 2 : i32
    %get3A_1013 = arith.constant 1 : i32
    %get3A_1014 = arith.index_cast %get3A_1012 : i32 to index
    %get3A_1015 = arith.index_cast %get3A_1013 : i32 to index
    %get3A_1016 = arith.constant 0 : index
    %get3A_1017 = tpu.vector_load %arg7[%get3A_1014, %get3A_1015, %get3A_1016] {strides = array<i32>} : memref<5x2x128xi32, #tpu.memory_space<vmem>>, vector<1x1x16xi32>,
    %get3A_1018 = vector.shape_cast %get3A_1017 : vector<1x1x16xi32> to vector<16xi32>
    %swap3A_1019 = arith.constant 2 : i32
    %swap3A_1020 = arith.index_cast %swap3A_1019 : i32 to index
    %swap3A_1021 = arith.constant 0 : index
    %swap3A_1022 = tpu.vector_load %arg8[%swap3A_1020, %swap3A_1021] {strides = array<i32>} : memref<3x128xi32, #tpu.memory_space<vmem>>, vector<1x16xi32>,
    %swap3A_1023 = vector.shape_cast %swap3A_1022 : vector<1x16xi32> to vector<16xi32>
    %swap3A_1024 = vector.shape_cast %get3A_1018 : vector<16xi32> to vector<1x16xi32>
    tpu.vector_store %arg8[%swap3A_1020, %swap3A_1021], %swap3A_1024 {strides = array<i32>} : memref<3x128xi32, #tpu.memory_space<vmem>>, vector<1x16xi32>,
    %get3A_1025 = arith.constant 2 : i32
    %get3A_1026 = arith.constant 1 : i32
    %get3A_1027 = arith.index_cast %get3A_1025 : i32 to index
    %get3A_1028 = arith.index_cast %get3A_1026 : i32 to index
    %get3A_1029 = arith.constant 16 : index
    %get3A_1030 = tpu.vector_load %arg7[%get3A_1027, %get3A_1028, %get3A_1029] {strides = array<i32>} : memref<5x2x128xi32, #tpu.memory_space<vmem>>, vector<1x1x16xi32>,
    %get3A_1031 = vector.shape_cast %get3A_1030 : vector<1x1x16xi32> to vector<16xi32>
    %swap3A_1032 = arith.constant 2 : i32
    %swap3A_1033 = arith.index_cast %swap3A_1032 : i32 to index
    %swap3A_1034 = arith.constant 16 : index
    %swap3A_1035 = tpu.vector_load %arg8[%swap3A_1033, %swap3A_1034] {strides = array<i32>} : memref<3x128xi32, #tpu.memory_space<vmem>>, vector<1x16xi32>,
    %swap3A_1036 = vector.shape_cast %swap3A_1035 : vector<1x16xi32> to vector<16xi32>
    %swap3A_1037 = vector.shape_cast %get3A_1031 : vector<16xi32> to vector<1x16xi32>
    tpu.vector_store %arg8[%swap3A_1033, %swap3A_1034], %swap3A_1037 {strides = array<i32>} : memref<3x128xi32, #tpu.memory_space<vmem>>, vector<1x16xi32>,
    %get3A_1038 = arith.constant 2 : i32
    %get3A_1039 = arith.constant 1 : i32
    %get3A_1040 = arith.index_cast %get3A_1038 : i32 to index
    %get3A_1041 = arith.index_cast %get3A_1039 : i32 to index
    %get3A_1042 = arith.constant 32 : index
    %get3A_1043 = tpu.vector_load %arg7[%get3A_1040, %get3A_1041, %get3A_1042] {strides = array<i32>} : memref<5x2x128xi32, #tpu.memory_space<vmem>>, vector<1x1x16xi32>,
    %get3A_1044 = vector.shape_cast %get3A_1043 : vector<1x1x16xi32> to vector<16xi32>
    %swap3A_1045 = arith.constant 2 : i32
    %swap3A_1046 = arith.index_cast %swap3A_1045 : i32 to index
    %swap3A_1047 = arith.constant 32 : index
    %swap3A_1048 = tpu.vector_load %arg8[%swap3A_1046, %swap3A_1047] {strides = array<i32>} : memref<3x128xi32, #tpu.memory_space<vmem>>, vector<1x16xi32>,
    %swap3A_1049 = vector.shape_cast %swap3A_1048 : vector<1x16xi32> to vector<16xi32>
    %swap3A_1050 = vector.shape_cast %get3A_1044 : vector<16xi32> to vector<1x16xi32>
    tpu.vector_store %arg8[%swap3A_1046, %swap3A_1047], %swap3A_1050 {strides = array<i32>} : memref<3x128xi32, #tpu.memory_space<vmem>>, vector<1x16xi32>,
    %get3A_1051 = arith.constant 2 : i32
    %get3A_1052 = arith.constant 1 : i32
    %get3A_1053 = arith.index_cast %get3A_1051 : i32 to index
    %get3A_1054 = arith.index_cast %get3A_1052 : i32 to index
    %get3A_1055 = arith.constant 48 : index
    %get3A_1056 = tpu.vector_load %arg7[%get3A_1053, %get3A_1054, %get3A_1055] {strides = array<i32>} : memref<5x2x128xi32, #tpu.memory_space<vmem>>, vector<1x1x16xi32>,
    %get3A_1057 = vector.shape_cast %get3A_1056 : vector<1x1x16xi32> to vector<16xi32>
    %swap3A_1058 = arith.constant 2 : i32
    %swap3A_1059 = arith.index_cast %swap3A_1058 : i32 to index
    %swap3A_1060 = arith.constant 48 : index
    %swap3A_1061 = tpu.vector_load %arg8[%swap3A_1059, %swap3A_1060] {strides = array<i32>} : memref<3x128xi32, #tpu.memory_space<vmem>>, vector<1x16xi32>,
    %swap3A_1062 = vector.shape_cast %swap3A_1061 : vector<1x16xi32> to vector<16xi32>
    %swap3A_1063 = vector.shape_cast %get3A_1057 : vector<16xi32> to vector<1x16xi32>
    tpu.vector_store %arg8[%swap3A_1059, %swap3A_1060], %swap3A_1063 {strides = array<i32>} : memref<3x128xi32, #tpu.memory_space<vmem>>, vector<1x16xi32>,
    %get3A_1064 = arith.constant 2 : i32
    %get3A_1065 = arith.constant 1 : i32
    %get3A_1066 = arith.index_cast %get3A_1064 : i32 to index
    %get3A_1067 = arith.index_cast %get3A_1065 : i32 to index
    %get3A_1068 = arith.constant 64 : index
    %get3A_1069 = tpu.vector_load %arg7[%get3A_1066, %get3A_1067, %get3A_1068] {strides = array<i32>} : memref<5x2x128xi32, #tpu.memory_space<vmem>>, vector<1x1x16xi32>,
    %get3A_1070 = vector.shape_cast %get3A_1069 : vector<1x1x16xi32> to vector<16xi32>
    %swap3A_1071 = arith.constant 2 : i32
    %swap3A_1072 = arith.index_cast %swap3A_1071 : i32 to index
    %swap3A_1073 = arith.constant 64 : index
    %swap3A_1074 = tpu.vector_load %arg8[%swap3A_1072, %swap3A_1073] {strides = array<i32>} : memref<3x128xi32, #tpu.memory_space<vmem>>, vector<1x16xi32>,
    %swap3A_1075 = vector.shape_cast %swap3A_1074 : vector<1x16xi32> to vector<16xi32>
    %swap3A_1076 = vector.shape_cast %get3A_1070 : vector<16xi32> to vector<1x16xi32>
    tpu.vector_store %arg8[%swap3A_1072, %swap3A_1073], %swap3A_1076 {strides = array<i32>} : memref<3x128xi32, #tpu.memory_space<vmem>>, vector<1x16xi32>,
    %get3A_1077 = arith.constant 2 : i32
    %get3A_1078 = arith.constant 1 : i32
    %get3A_1079 = arith.index_cast %get3A_1077 : i32 to index
    %get3A_1080 = arith.index_cast %get3A_1078 : i32 to index
    %get3A_1081 = arith.constant 80 : index
    %get3A_1082 = tpu.vector_load %arg7[%get3A_1079, %get3A_1080, %get3A_1081] {strides = array<i32>} : memref<5x2x128xi32, #tpu.memory_space<vmem>>, vector<1x1x16xi32>,
    %get3A_1083 = vector.shape_cast %get3A_1082 : vector<1x1x16xi32> to vector<16xi32>
    %swap3A_1084 = arith.constant 2 : i32
    %swap3A_1085 = arith.index_cast %swap3A_1084 : i32 to index
    %swap3A_1086 = arith.constant 80 : index
    %swap3A_1087 = tpu.vector_load %arg8[%swap3A_1085, %swap3A_1086] {strides = array<i32>} : memref<3x128xi32, #tpu.memory_space<vmem>>, vector<1x16xi32>,
    %swap3A_1088 = vector.shape_cast %swap3A_1087 : vector<1x16xi32> to vector<16xi32>
    %swap3A_1089 = vector.shape_cast %get3A_1083 : vector<16xi32> to vector<1x16xi32>
    tpu.vector_store %arg8[%swap3A_1085, %swap3A_1086], %swap3A_1089 {strides = array<i32>} : memref<3x128xi32, #tpu.memory_space<vmem>>, vector<1x16xi32>,
    %get3A_1090 = arith.constant 2 : i32
    %get3A_1091 = arith.constant 1 : i32
    %get3A_1092 = arith.index_cast %get3A_1090 : i32 to index
    %get3A_1093 = arith.index_cast %get3A_1091 : i32 to index
    %get3A_1094 = arith.constant 96 : index
    %get3A_1095 = tpu.vector_load %arg7[%get3A_1092, %get3A_1093, %get3A_1094] {strides = array<i32>} : memref<5x2x128xi32, #tpu.memory_space<vmem>>, vector<1x1x16xi32>,
    %get3A_1096 = vector.shape_cast %get3A_1095 : vector<1x1x16xi32> to vector<16xi32>
    %swap3A_1097 = arith.constant 2 : i32
    %swap3A_1098 = arith.index_cast %swap3A_1097 : i32 to index
    %swap3A_1099 = arith.constant 96 : index
    %swap3A_1100 = tpu.vector_load %arg8[%swap3A_1098, %swap3A_1099] {strides = array<i32>} : memref<3x128xi32, #tpu.memory_space<vmem>>, vector<1x16xi32>,
    %swap3A_1101 = vector.shape_cast %swap3A_1100 : vector<1x16xi32> to vector<16xi32>
    %swap3A_1102 = vector.shape_cast %get3A_1096 : vector<16xi32> to vector<1x16xi32>
    tpu.vector_store %arg8[%swap3A_1098, %swap3A_1099], %swap3A_1102 {strides = array<i32>} : memref<3x128xi32, #tpu.memory_space<vmem>>, vector<1x16xi32>,
    %get3A_1103 = arith.constant 2 : i32
    %get3A_1104 = arith.constant 1 : i32
    %get3A_1105 = arith.index_cast %get3A_1103 : i32 to index
    %get3A_1106 = arith.index_cast %get3A_1104 : i32 to index
    %get3A_1107 = arith.constant 112 : index
    %get3A_1108 = tpu.vector_load %arg7[%get3A_1105, %get3A_1106, %get3A_1107] {strides = array<i32>} : memref<5x2x128xi32, #tpu.memory_space<vmem>>, vector<1x1x16xi32>,
    %get3A_1109 = vector.shape_cast %get3A_1108 : vector<1x1x16xi32> to vector<16xi32>
    %swap3A_1110 = arith.constant 2 : i32
    %swap3A_1111 = arith.index_cast %swap3A_1110 : i32 to index
    %swap3A_1112 = arith.constant 112 : index
    %swap3A_1113 = tpu.vector_load %arg8[%swap3A_1111, %swap3A_1112] {strides = array<i32>} : memref<3x128xi32, #tpu.memory_space<vmem>>, vector<1x16xi32>,
    %swap3A_1114 = vector.shape_cast %swap3A_1113 : vector<1x16xi32> to vector<16xi32>
    %swap3A_1115 = vector.shape_cast %get3A_1109 : vector<16xi32> to vector<1x16xi32>
    tpu.vector_store %arg8[%swap3A_1111, %swap3A_1112], %swap3A_1115 {strides = array<i32>} : memref<3x128xi32, #tpu.memory_space<vmem>>, vector<1x16xi32>,
    %dma_start3A_1116 = arith.constant 2 : i32
    %dma_start3A_1117 = arith.constant 256 : i32
    %dma_start3A_1118 = arith.constant 0 : i32
    %dma_start3A_1119 = tpu.memref_slice %arg9[%dma_start3A_1117, %dma_start3A_1118] : memref<384x128xf32, #tpu.memory_space<vmem>> -> memref<128x128xf32, #tpu.memory_space<vmem>>
    %dma_start3A_1120 = arith.constant 0 : i32
    %dma_start3A_1121 = tpu.memref_slice %arg8[%dma_start3A_1116, %dma_start3A_1120] : memref<3x128xi32, #tpu.memory_space<vmem>> -> memref<1x128xi32, #tpu.memory_space<vmem>>
    %dma_start3A_1122 = tpu.memref_squeeze %dma_start3A_1121 : memref<1x128xi32, #tpu.memory_space<vmem>> -> memref<128xi32, #tpu.memory_space<vmem>>
    %dma_start3A_1123 = arith.constant 0 : i32
    %dma_start3A_1124 = arith.constant 0 : i32
    %dma_start3A_1125 = tpu.memref_slice %arg6[%dma_start3A_1123, %dma_start3A_1124] : memref<10016x128xf32, #tpu.memory_space<vmem_shared>> -> memref<10016x128xf32, #tpu.memory_space<vmem_shared>>
    tpu.enqueue_indirect_dma source(%dma_start3A_1119 : memref<128x128xf32, #tpu.memory_space<vmem>>) target(%dma_start3A_1125 : memref<10016x128xf32, #tpu.memory_space<vmem_shared>>) offsets(%dma_start3A_1122 : memref<128xi32, #tpu.memory_space<vmem>>) semaphore(%arg11 : memref<!tpu.dma_semaphore, #tpu.memory_space<semaphore_mem>>) {add = true}
    %dma_wait3A_1126 = arith.constant 0 : i32
    %dma_wait3A_1127 = arith.constant 0 : i32
    %dma_wait3A_1128 = tpu.memref_slice %arg9[%dma_wait3A_1126, %dma_wait3A_1127] : memref<384x128xf32, #tpu.memory_space<vmem>> -> memref<128x128xf32, #tpu.memory_space<vmem>>
    %dma_wait3A_1129 = arith.constant 0 : i32
    %dma_wait3A_1130 = arith.constant 0 : i32
    %dma_wait3A_1131 = tpu.memref_slice %arg6[%dma_wait3A_1129, %dma_wait3A_1130] : memref<10016x128xf32, #tpu.memory_space<vmem_shared>> -> memref<128x128xf32, #tpu.memory_space<vmem_shared>>
    %dma_wait3A_1132 = arith.constant 0 : i32
    %dma_wait3A_1133 = arith.constant 0 : i32
    %dma_wait3A_1134 = tpu.memref_slice %arg6[%dma_wait3A_1132, %dma_wait3A_1133] : memref<10016x128xf32, #tpu.memory_space<vmem_shared>> -> memref<128x128xf32, #tpu.memory_space<vmem_shared>>
    %dma_wait3A_1135 = arith.constant 0 : i32
    %dma_wait3A_1136 = arith.constant 0 : i32
    %dma_wait3A_1137 = tpu.memref_slice %arg9[%dma_wait3A_1135, %dma_wait3A_1136] : memref<384x128xf32, #tpu.memory_space<vmem>> -> memref<128x128xf32, #tpu.memory_space<vmem>>
    tpu.wait_dma2 semaphore(%arg11 : memref<!tpu.dma_semaphore, #tpu.memory_space<semaphore_mem>>) src(%dma_wait3A_1137 : memref<128x128xf32, #tpu.memory_space<vmem>>) dst(%dma_wait3A_1134 : memref<128x128xf32, #tpu.memory_space<vmem_shared>>)
    %dma_start3A_1138 = arith.constant 4 : i32
    %dma_start3A_1139 = arith.constant 0 : i32
    %dma_start3A_1140 = arith.constant 128 : i32
    %dma_start3A_1141 = arith.constant 0 : i32
    %dma_start3A_1142 = tpu.memref_slice %arg9[%dma_start3A_1140, %dma_start3A_1141] : memref<384x128xf32, #tpu.memory_space<vmem>> -> memref<128x128xf32, #tpu.memory_space<vmem>>
    %dma_start3A_1143 = arith.constant 0 : i32
    %dma_start3A_1144 = tpu.memref_slice %arg7[%dma_start3A_1138, %dma_start3A_1139, %dma_start3A_1143] : memref<5x2x128xi32, #tpu.memory_space<vmem>> -> memref<1x1x128xi32, #tpu.memory_space<vmem>>
    %dma_start3A_1145 = tpu.memref_squeeze %dma_start3A_1144 : memref<1x1x128xi32, #tpu.memory_space<vmem>> -> memref<128xi32, #tpu.memory_space<vmem>>
    %dma_start3A_1146 = arith.constant 0 : i32
    %dma_start3A_1147 = arith.constant 0 : i32
    %dma_start3A_1148 = tpu.memref_slice %arg2[%dma_start3A_1146, %dma_start3A_1147] : memref<20000x128xf32, #tpu.memory_space<hbm>> -> memref<20000x128xf32, #tpu.memory_space<hbm>>
    tpu.enqueue_indirect_dma source(%dma_start3A_1148 : memref<20000x128xf32, #tpu.memory_space<hbm>>) target(%dma_start3A_1142 : memref<128x128xf32, #tpu.memory_space<vmem>>) offsets(%dma_start3A_1145 : memref<128xi32, #tpu.memory_space<vmem>>) semaphore(%arg10 : memref<!tpu.dma_semaphore, #tpu.memory_space<semaphore_mem>>)
    %dma_wait3A_1149 = arith.constant 0 : i32
    %dma_wait3A_1150 = arith.constant 0 : i32
    %dma_wait3A_1151 = tpu.memref_slice %arg9[%dma_wait3A_1149, %dma_wait3A_1150] : memref<384x128xf32, #tpu.memory_space<vmem>> -> memref<128x128xf32, #tpu.memory_space<vmem>>
    %dma_wait3A_1152 = arith.constant 0 : i32
    %dma_wait3A_1153 = arith.constant 0 : i32
    %dma_wait3A_1154 = tpu.memref_slice %arg2[%dma_wait3A_1152, %dma_wait3A_1153] : memref<20000x128xf32, #tpu.memory_space<hbm>> -> memref<128x128xf32, #tpu.memory_space<hbm>>
    %dma_wait3A_1155 = arith.constant 0 : i32
    %dma_wait3A_1156 = arith.constant 0 : i32
    %dma_wait3A_1157 = tpu.memref_slice %arg9[%dma_wait3A_1155, %dma_wait3A_1156] : memref<384x128xf32, #tpu.memory_space<vmem>> -> memref<128x128xf32, #tpu.memory_space<vmem>>
    %dma_wait3A_1158 = arith.constant 0 : i32
    %dma_wait3A_1159 = arith.constant 0 : i32
    %dma_wait3A_1160 = tpu.memref_slice %arg2[%dma_wait3A_1158, %dma_wait3A_1159] : memref<20000x128xf32, #tpu.memory_space<hbm>> -> memref<128x128xf32, #tpu.memory_space<hbm>>
    tpu.wait_dma2 semaphore(%arg10 : memref<!tpu.dma_semaphore, #tpu.memory_space<semaphore_mem>>) src(%dma_wait3A_1160 : memref<128x128xf32, #tpu.memory_space<hbm>>) dst(%dma_wait3A_1157 : memref<128x128xf32, #tpu.memory_space<vmem>>)
    %get3A_1161 = arith.constant 3 : i32
    %get3A_1162 = arith.constant 1 : i32
    %get3A_1163 = arith.index_cast %get3A_1161 : i32 to index
    %get3A_1164 = arith.index_cast %get3A_1162 : i32 to index
    %get3A_1165 = arith.constant 0 : index
    %get3A_1166 = tpu.vector_load %arg7[%get3A_1163, %get3A_1164, %get3A_1165] {strides = array<i32>} : memref<5x2x128xi32, #tpu.memory_space<vmem>>, vector<1x1x16xi32>,
    %get3A_1167 = vector.shape_cast %get3A_1166 : vector<1x1x16xi32> to vector<16xi32>
    %swap3A_1168 = arith.constant 0 : i32
    %swap3A_1169 = arith.index_cast %swap3A_1168 : i32 to index
    %swap3A_1170 = arith.constant 0 : index
    %swap3A_1171 = tpu.vector_load %arg8[%swap3A_1169, %swap3A_1170] {strides = array<i32>} : memref<3x128xi32, #tpu.memory_space<vmem>>, vector<1x16xi32>,
    %swap3A_1172 = vector.shape_cast %swap3A_1171 : vector<1x16xi32> to vector<16xi32>
    %swap3A_1173 = vector.shape_cast %get3A_1167 : vector<16xi32> to vector<1x16xi32>
    tpu.vector_store %arg8[%swap3A_1169, %swap3A_1170], %swap3A_1173 {strides = array<i32>} : memref<3x128xi32, #tpu.memory_space<vmem>>, vector<1x16xi32>,
    %get3A_1174 = arith.constant 3 : i32
    %get3A_1175 = arith.constant 1 : i32
    %get3A_1176 = arith.index_cast %get3A_1174 : i32 to index
    %get3A_1177 = arith.index_cast %get3A_1175 : i32 to index
    %get3A_1178 = arith.constant 16 : index
    %get3A_1179 = tpu.vector_load %arg7[%get3A_1176, %get3A_1177, %get3A_1178] {strides = array<i32>} : memref<5x2x128xi32, #tpu.memory_space<vmem>>, vector<1x1x16xi32>,
    %get3A_1180 = vector.shape_cast %get3A_1179 : vector<1x1x16xi32> to vector<16xi32>
    %swap3A_1181 = arith.constant 0 : i32
    %swap3A_1182 = arith.index_cast %swap3A_1181 : i32 to index
    %swap3A_1183 = arith.constant 16 : index
    %swap3A_1184 = tpu.vector_load %arg8[%swap3A_1182, %swap3A_1183] {strides = array<i32>} : memref<3x128xi32, #tpu.memory_space<vmem>>, vector<1x16xi32>,
    %swap3A_1185 = vector.shape_cast %swap3A_1184 : vector<1x16xi32> to vector<16xi32>
    %swap3A_1186 = vector.shape_cast %get3A_1180 : vector<16xi32> to vector<1x16xi32>
    tpu.vector_store %arg8[%swap3A_1182, %swap3A_1183], %swap3A_1186 {strides = array<i32>} : memref<3x128xi32, #tpu.memory_space<vmem>>, vector<1x16xi32>,
    %get3A_1187 = arith.constant 3 : i32
    %get3A_1188 = arith.constant 1 : i32
    %get3A_1189 = arith.index_cast %get3A_1187 : i32 to index
    %get3A_1190 = arith.index_cast %get3A_1188 : i32 to index
    %get3A_1191 = arith.constant 32 : index
    %get3A_1192 = tpu.vector_load %arg7[%get3A_1189, %get3A_1190, %get3A_1191] {strides = array<i32>} : memref<5x2x128xi32, #tpu.memory_space<vmem>>, vector<1x1x16xi32>,
    %get3A_1193 = vector.shape_cast %get3A_1192 : vector<1x1x16xi32> to vector<16xi32>
    %swap3A_1194 = arith.constant 0 : i32
    %swap3A_1195 = arith.index_cast %swap3A_1194 : i32 to index
    %swap3A_1196 = arith.constant 32 : index
    %swap3A_1197 = tpu.vector_load %arg8[%swap3A_1195, %swap3A_1196] {strides = array<i32>} : memref<3x128xi32, #tpu.memory_space<vmem>>, vector<1x16xi32>,
    %swap3A_1198 = vector.shape_cast %swap3A_1197 : vector<1x16xi32> to vector<16xi32>
    %swap3A_1199 = vector.shape_cast %get3A_1193 : vector<16xi32> to vector<1x16xi32>
    tpu.vector_store %arg8[%swap3A_1195, %swap3A_1196], %swap3A_1199 {strides = array<i32>} : memref<3x128xi32, #tpu.memory_space<vmem>>, vector<1x16xi32>,
    %get3A_1200 = arith.constant 3 : i32
    %get3A_1201 = arith.constant 1 : i32
    %get3A_1202 = arith.index_cast %get3A_1200 : i32 to index
    %get3A_1203 = arith.index_cast %get3A_1201 : i32 to index
    %get3A_1204 = arith.constant 48 : index
    %get3A_1205 = tpu.vector_load %arg7[%get3A_1202, %get3A_1203, %get3A_1204] {strides = array<i32>} : memref<5x2x128xi32, #tpu.memory_space<vmem>>, vector<1x1x16xi32>,
    %get3A_1206 = vector.shape_cast %get3A_1205 : vector<1x1x16xi32> to vector<16xi32>
    %swap3A_1207 = arith.constant 0 : i32
    %swap3A_1208 = arith.index_cast %swap3A_1207 : i32 to index
    %swap3A_1209 = arith.constant 48 : index
    %swap3A_1210 = tpu.vector_load %arg8[%swap3A_1208, %swap3A_1209] {strides = array<i32>} : memref<3x128xi32, #tpu.memory_space<vmem>>, vector<1x16xi32>,
    %swap3A_1211 = vector.shape_cast %swap3A_1210 : vector<1x16xi32> to vector<16xi32>
    %swap3A_1212 = vector.shape_cast %get3A_1206 : vector<16xi32> to vector<1x16xi32>
    tpu.vector_store %arg8[%swap3A_1208, %swap3A_1209], %swap3A_1212 {strides = array<i32>} : memref<3x128xi32, #tpu.memory_space<vmem>>, vector<1x16xi32>,
    %get3A_1213 = arith.constant 3 : i32
    %get3A_1214 = arith.constant 1 : i32
    %get3A_1215 = arith.index_cast %get3A_1213 : i32 to index
    %get3A_1216 = arith.index_cast %get3A_1214 : i32 to index
    %get3A_1217 = arith.constant 64 : index
    %get3A_1218 = tpu.vector_load %arg7[%get3A_1215, %get3A_1216, %get3A_1217] {strides = array<i32>} : memref<5x2x128xi32, #tpu.memory_space<vmem>>, vector<1x1x16xi32>,
    %get3A_1219 = vector.shape_cast %get3A_1218 : vector<1x1x16xi32> to vector<16xi32>
    %swap3A_1220 = arith.constant 0 : i32
    %swap3A_1221 = arith.index_cast %swap3A_1220 : i32 to index
    %swap3A_1222 = arith.constant 64 : index
    %swap3A_1223 = tpu.vector_load %arg8[%swap3A_1221, %swap3A_1222] {strides = array<i32>} : memref<3x128xi32, #tpu.memory_space<vmem>>, vector<1x16xi32>,
    %swap3A_1224 = vector.shape_cast %swap3A_1223 : vector<1x16xi32> to vector<16xi32>
    %swap3A_1225 = vector.shape_cast %get3A_1219 : vector<16xi32> to vector<1x16xi32>
    tpu.vector_store %arg8[%swap3A_1221, %swap3A_1222], %swap3A_1225 {strides = array<i32>} : memref<3x128xi32, #tpu.memory_space<vmem>>, vector<1x16xi32>,
    %get3A_1226 = arith.constant 3 : i32
    %get3A_1227 = arith.constant 1 : i32
    %get3A_1228 = arith.index_cast %get3A_1226 : i32 to index
    %get3A_1229 = arith.index_cast %get3A_1227 : i32 to index
    %get3A_1230 = arith.constant 80 : index
    %get3A_1231 = tpu.vector_load %arg7[%get3A_1228, %get3A_1229, %get3A_1230] {strides = array<i32>} : memref<5x2x128xi32, #tpu.memory_space<vmem>>, vector<1x1x16xi32>,
    %get3A_1232 = vector.shape_cast %get3A_1231 : vector<1x1x16xi32> to vector<16xi32>
    %swap3A_1233 = arith.constant 0 : i32
    %swap3A_1234 = arith.index_cast %swap3A_1233 : i32 to index
    %swap3A_1235 = arith.constant 80 : index
    %swap3A_1236 = tpu.vector_load %arg8[%swap3A_1234, %swap3A_1235] {strides = array<i32>} : memref<3x128xi32, #tpu.memory_space<vmem>>, vector<1x16xi32>,
    %swap3A_1237 = vector.shape_cast %swap3A_1236 : vector<1x16xi32> to vector<16xi32>
    %swap3A_1238 = vector.shape_cast %get3A_1232 : vector<16xi32> to vector<1x16xi32>
    tpu.vector_store %arg8[%swap3A_1234, %swap3A_1235], %swap3A_1238 {strides = array<i32>} : memref<3x128xi32, #tpu.memory_space<vmem>>, vector<1x16xi32>,
    %get3A_1239 = arith.constant 3 : i32
    %get3A_1240 = arith.constant 1 : i32
    %get3A_1241 = arith.index_cast %get3A_1239 : i32 to index
    %get3A_1242 = arith.index_cast %get3A_1240 : i32 to index
    %get3A_1243 = arith.constant 96 : index
    %get3A_1244 = tpu.vector_load %arg7[%get3A_1241, %get3A_1242, %get3A_1243] {strides = array<i32>} : memref<5x2x128xi32, #tpu.memory_space<vmem>>, vector<1x1x16xi32>,
    %get3A_1245 = vector.shape_cast %get3A_1244 : vector<1x1x16xi32> to vector<16xi32>
    %swap3A_1246 = arith.constant 0 : i32
    %swap3A_1247 = arith.index_cast %swap3A_1246 : i32 to index
    %swap3A_1248 = arith.constant 96 : index
    %swap3A_1249 = tpu.vector_load %arg8[%swap3A_1247, %swap3A_1248] {strides = array<i32>} : memref<3x128xi32, #tpu.memory_space<vmem>>, vector<1x16xi32>,
    %swap3A_1250 = vector.shape_cast %swap3A_1249 : vector<1x16xi32> to vector<16xi32>
    %swap3A_1251 = vector.shape_cast %get3A_1245 : vector<16xi32> to vector<1x16xi32>
    tpu.vector_store %arg8[%swap3A_1247, %swap3A_1248], %swap3A_1251 {strides = array<i32>} : memref<3x128xi32, #tpu.memory_space<vmem>>, vector<1x16xi32>,
    %get3A_1252 = arith.constant 3 : i32
    %get3A_1253 = arith.constant 1 : i32
    %get3A_1254 = arith.index_cast %get3A_1252 : i32 to index
    %get3A_1255 = arith.index_cast %get3A_1253 : i32 to index
    %get3A_1256 = arith.constant 112 : index
    %get3A_1257 = tpu.vector_load %arg7[%get3A_1254, %get3A_1255, %get3A_1256] {strides = array<i32>} : memref<5x2x128xi32, #tpu.memory_space<vmem>>, vector<1x1x16xi32>,
    %get3A_1258 = vector.shape_cast %get3A_1257 : vector<1x1x16xi32> to vector<16xi32>
    %swap3A_1259 = arith.constant 0 : i32
    %swap3A_1260 = arith.index_cast %swap3A_1259 : i32 to index
    %swap3A_1261 = arith.constant 112 : index
    %swap3A_1262 = tpu.vector_load %arg8[%swap3A_1260, %swap3A_1261] {strides = array<i32>} : memref<3x128xi32, #tpu.memory_space<vmem>>, vector<1x16xi32>,
    %swap3A_1263 = vector.shape_cast %swap3A_1262 : vector<1x16xi32> to vector<16xi32>
    %swap3A_1264 = vector.shape_cast %get3A_1258 : vector<16xi32> to vector<1x16xi32>
    tpu.vector_store %arg8[%swap3A_1260, %swap3A_1261], %swap3A_1264 {strides = array<i32>} : memref<3x128xi32, #tpu.memory_space<vmem>>, vector<1x16xi32>,
    %dma_start3A_1265 = arith.constant 0 : i32
    %dma_start3A_1266 = arith.constant 0 : i32
    %dma_start3A_1267 = arith.constant 0 : i32
    %dma_start3A_1268 = tpu.memref_slice %arg9[%dma_start3A_1266, %dma_start3A_1267] : memref<384x128xf32, #tpu.memory_space<vmem>> -> memref<128x128xf32, #tpu.memory_space<vmem>>
    %dma_start3A_1269 = arith.constant 0 : i32
    %dma_start3A_1270 = tpu.memref_slice %arg8[%dma_start3A_1265, %dma_start3A_1269] : memref<3x128xi32, #tpu.memory_space<vmem>> -> memref<1x128xi32, #tpu.memory_space<vmem>>
    %dma_start3A_1271 = tpu.memref_squeeze %dma_start3A_1270 : memref<1x128xi32, #tpu.memory_space<vmem>> -> memref<128xi32, #tpu.memory_space<vmem>>
    %dma_start3A_1272 = arith.constant 0 : i32
    %dma_start3A_1273 = arith.constant 0 : i32
    %dma_start3A_1274 = tpu.memref_slice %arg6[%dma_start3A_1272, %dma_start3A_1273] : memref<10016x128xf32, #tpu.memory_space<vmem_shared>> -> memref<10016x128xf32, #tpu.memory_space<vmem_shared>>
    tpu.enqueue_indirect_dma source(%dma_start3A_1268 : memref<128x128xf32, #tpu.memory_space<vmem>>) target(%dma_start3A_1274 : memref<10016x128xf32, #tpu.memory_space<vmem_shared>>) offsets(%dma_start3A_1271 : memref<128xi32, #tpu.memory_space<vmem>>) semaphore(%arg11 : memref<!tpu.dma_semaphore, #tpu.memory_space<semaphore_mem>>) {add = true}
    %dma_wait3A_1275 = arith.constant 0 : i32
    %dma_wait3A_1276 = arith.constant 0 : i32
    %dma_wait3A_1277 = tpu.memref_slice %arg9[%dma_wait3A_1275, %dma_wait3A_1276] : memref<384x128xf32, #tpu.memory_space<vmem>> -> memref<128x128xf32, #tpu.memory_space<vmem>>
    %dma_wait3A_1278 = arith.constant 0 : i32
    %dma_wait3A_1279 = arith.constant 0 : i32
    %dma_wait3A_1280 = tpu.memref_slice %arg2[%dma_wait3A_1278, %dma_wait3A_1279] : memref<20000x128xf32, #tpu.memory_space<hbm>> -> memref<128x128xf32, #tpu.memory_space<hbm>>
    %dma_wait3A_1281 = arith.constant 0 : i32
    %dma_wait3A_1282 = arith.constant 0 : i32
    %dma_wait3A_1283 = tpu.memref_slice %arg9[%dma_wait3A_1281, %dma_wait3A_1282] : memref<384x128xf32, #tpu.memory_space<vmem>> -> memref<128x128xf32, #tpu.memory_space<vmem>>
    %dma_wait3A_1284 = arith.constant 0 : i32
    %dma_wait3A_1285 = arith.constant 0 : i32
    %dma_wait3A_1286 = tpu.memref_slice %arg2[%dma_wait3A_1284, %dma_wait3A_1285] : memref<20000x128xf32, #tpu.memory_space<hbm>> -> memref<128x128xf32, #tpu.memory_space<hbm>>
    tpu.wait_dma2 semaphore(%arg10 : memref<!tpu.dma_semaphore, #tpu.memory_space<semaphore_mem>>) src(%dma_wait3A_1286 : memref<128x128xf32, #tpu.memory_space<hbm>>) dst(%dma_wait3A_1283 : memref<128x128xf32, #tpu.memory_space<vmem>>)
    %get3A_1287 = arith.constant 4 : i32
    %get3A_1288 = arith.constant 1 : i32
    %get3A_1289 = arith.index_cast %get3A_1287 : i32 to index
    %get3A_1290 = arith.index_cast %get3A_1288 : i32 to index
    %get3A_1291 = arith.constant 0 : index
    %get3A_1292 = tpu.vector_load %arg7[%get3A_1289, %get3A_1290, %get3A_1291] {strides = array<i32>} : memref<5x2x128xi32, #tpu.memory_space<vmem>>, vector<1x1x16xi32>,
    %get3A_1293 = vector.shape_cast %get3A_1292 : vector<1x1x16xi32> to vector<16xi32>
    %swap3A_1294 = arith.constant 1 : i32
    %swap3A_1295 = arith.index_cast %swap3A_1294 : i32 to index
    %swap3A_1296 = arith.constant 0 : index
    %swap3A_1297 = tpu.vector_load %arg8[%swap3A_1295, %swap3A_1296] {strides = array<i32>} : memref<3x128xi32, #tpu.memory_space<vmem>>, vector<1x16xi32>,
    %swap3A_1298 = vector.shape_cast %swap3A_1297 : vector<1x16xi32> to vector<16xi32>
    %swap3A_1299 = vector.shape_cast %get3A_1293 : vector<16xi32> to vector<1x16xi32>
    tpu.vector_store %arg8[%swap3A_1295, %swap3A_1296], %swap3A_1299 {strides = array<i32>} : memref<3x128xi32, #tpu.memory_space<vmem>>, vector<1x16xi32>,
    %get3A_1300 = arith.constant 4 : i32
    %get3A_1301 = arith.constant 1 : i32
    %get3A_1302 = arith.index_cast %get3A_1300 : i32 to index
    %get3A_1303 = arith.index_cast %get3A_1301 : i32 to index
    %get3A_1304 = arith.constant 16 : index
    %get3A_1305 = tpu.vector_load %arg7[%get3A_1302, %get3A_1303, %get3A_1304] {strides = array<i32>} : memref<5x2x128xi32, #tpu.memory_space<vmem>>, vector<1x1x16xi32>,
    %get3A_1306 = vector.shape_cast %get3A_1305 : vector<1x1x16xi32> to vector<16xi32>
    %swap3A_1307 = arith.constant 1 : i32
    %swap3A_1308 = arith.index_cast %swap3A_1307 : i32 to index
    %swap3A_1309 = arith.constant 16 : index
    %swap3A_1310 = tpu.vector_load %arg8[%swap3A_1308, %swap3A_1309] {strides = array<i32>} : memref<3x128xi32, #tpu.memory_space<vmem>>, vector<1x16xi32>,
    %swap3A_1311 = vector.shape_cast %swap3A_1310 : vector<1x16xi32> to vector<16xi32>
    %swap3A_1312 = vector.shape_cast %get3A_1306 : vector<16xi32> to vector<1x16xi32>
    tpu.vector_store %arg8[%swap3A_1308, %swap3A_1309], %swap3A_1312 {strides = array<i32>} : memref<3x128xi32, #tpu.memory_space<vmem>>, vector<1x16xi32>,
    %get3A_1313 = arith.constant 4 : i32
    %get3A_1314 = arith.constant 1 : i32
    %get3A_1315 = arith.index_cast %get3A_1313 : i32 to index
    %get3A_1316 = arith.index_cast %get3A_1314 : i32 to index
    %get3A_1317 = arith.constant 32 : index
    %get3A_1318 = tpu.vector_load %arg7[%get3A_1315, %get3A_1316, %get3A_1317] {strides = array<i32>} : memref<5x2x128xi32, #tpu.memory_space<vmem>>, vector<1x1x16xi32>,
    %get3A_1319 = vector.shape_cast %get3A_1318 : vector<1x1x16xi32> to vector<16xi32>
    %swap3A_1320 = arith.constant 1 : i32
    %swap3A_1321 = arith.index_cast %swap3A_1320 : i32 to index
    %swap3A_1322 = arith.constant 32 : index
    %swap3A_1323 = tpu.vector_load %arg8[%swap3A_1321, %swap3A_1322] {strides = array<i32>} : memref<3x128xi32, #tpu.memory_space<vmem>>, vector<1x16xi32>,
    %swap3A_1324 = vector.shape_cast %swap3A_1323 : vector<1x16xi32> to vector<16xi32>
    %swap3A_1325 = vector.shape_cast %get3A_1319 : vector<16xi32> to vector<1x16xi32>
    tpu.vector_store %arg8[%swap3A_1321, %swap3A_1322], %swap3A_1325 {strides = array<i32>} : memref<3x128xi32, #tpu.memory_space<vmem>>, vector<1x16xi32>,
    %get3A_1326 = arith.constant 4 : i32
    %get3A_1327 = arith.constant 1 : i32
    %get3A_1328 = arith.index_cast %get3A_1326 : i32 to index
    %get3A_1329 = arith.index_cast %get3A_1327 : i32 to index
    %get3A_1330 = arith.constant 48 : index
    %get3A_1331 = tpu.vector_load %arg7[%get3A_1328, %get3A_1329, %get3A_1330] {strides = array<i32>} : memref<5x2x128xi32, #tpu.memory_space<vmem>>, vector<1x1x16xi32>,
    %get3A_1332 = vector.shape_cast %get3A_1331 : vector<1x1x16xi32> to vector<16xi32>
    %swap3A_1333 = arith.constant 1 : i32
    %swap3A_1334 = arith.index_cast %swap3A_1333 : i32 to index
    %swap3A_1335 = arith.constant 48 : index
    %swap3A_1336 = tpu.vector_load %arg8[%swap3A_1334, %swap3A_1335] {strides = array<i32>} : memref<3x128xi32, #tpu.memory_space<vmem>>, vector<1x16xi32>,
    %swap3A_1337 = vector.shape_cast %swap3A_1336 : vector<1x16xi32> to vector<16xi32>
    %swap3A_1338 = vector.shape_cast %get3A_1332 : vector<16xi32> to vector<1x16xi32>
    tpu.vector_store %arg8[%swap3A_1334, %swap3A_1335], %swap3A_1338 {strides = array<i32>} : memref<3x128xi32, #tpu.memory_space<vmem>>, vector<1x16xi32>,
    %get3A_1339 = arith.constant 4 : i32
    %get3A_1340 = arith.constant 1 : i32
    %get3A_1341 = arith.index_cast %get3A_1339 : i32 to index
    %get3A_1342 = arith.index_cast %get3A_1340 : i32 to index
    %get3A_1343 = arith.constant 64 : index
    %get3A_1344 = tpu.vector_load %arg7[%get3A_1341, %get3A_1342, %get3A_1343] {strides = array<i32>} : memref<5x2x128xi32, #tpu.memory_space<vmem>>, vector<1x1x16xi32>,
    %get3A_1345 = vector.shape_cast %get3A_1344 : vector<1x1x16xi32> to vector<16xi32>
    %swap3A_1346 = arith.constant 1 : i32
    %swap3A_1347 = arith.index_cast %swap3A_1346 : i32 to index
    %swap3A_1348 = arith.constant 64 : index
    %swap3A_1349 = tpu.vector_load %arg8[%swap3A_1347, %swap3A_1348] {strides = array<i32>} : memref<3x128xi32, #tpu.memory_space<vmem>>, vector<1x16xi32>,
    %swap3A_1350 = vector.shape_cast %swap3A_1349 : vector<1x16xi32> to vector<16xi32>
    %swap3A_1351 = vector.shape_cast %get3A_1345 : vector<16xi32> to vector<1x16xi32>
    tpu.vector_store %arg8[%swap3A_1347, %swap3A_1348], %swap3A_1351 {strides = array<i32>} : memref<3x128xi32, #tpu.memory_space<vmem>>, vector<1x16xi32>,
    %get3A_1352 = arith.constant 4 : i32
    %get3A_1353 = arith.constant 1 : i32
    %get3A_1354 = arith.index_cast %get3A_1352 : i32 to index
    %get3A_1355 = arith.index_cast %get3A_1353 : i32 to index
    %get3A_1356 = arith.constant 80 : index
    %get3A_1357 = tpu.vector_load %arg7[%get3A_1354, %get3A_1355, %get3A_1356] {strides = array<i32>} : memref<5x2x128xi32, #tpu.memory_space<vmem>>, vector<1x1x16xi32>,
    %get3A_1358 = vector.shape_cast %get3A_1357 : vector<1x1x16xi32> to vector<16xi32>
    %swap3A_1359 = arith.constant 1 : i32
    %swap3A_1360 = arith.index_cast %swap3A_1359 : i32 to index
    %swap3A_1361 = arith.constant 80 : index
    %swap3A_1362 = tpu.vector_load %arg8[%swap3A_1360, %swap3A_1361] {strides = array<i32>} : memref<3x128xi32, #tpu.memory_space<vmem>>, vector<1x16xi32>,
    %swap3A_1363 = vector.shape_cast %swap3A_1362 : vector<1x16xi32> to vector<16xi32>
    %swap3A_1364 = vector.shape_cast %get3A_1358 : vector<16xi32> to vector<1x16xi32>
    tpu.vector_store %arg8[%swap3A_1360, %swap3A_1361], %swap3A_1364 {strides = array<i32>} : memref<3x128xi32, #tpu.memory_space<vmem>>, vector<1x16xi32>,
    %get3A_1365 = arith.constant 4 : i32
    %get3A_1366 = arith.constant 1 : i32
    %get3A_1367 = arith.index_cast %get3A_1365 : i32 to index
    %get3A_1368 = arith.index_cast %get3A_1366 : i32 to index
    %get3A_1369 = arith.constant 96 : index
    %get3A_1370 = tpu.vector_load %arg7[%get3A_1367, %get3A_1368, %get3A_1369] {strides = array<i32>} : memref<5x2x128xi32, #tpu.memory_space<vmem>>, vector<1x1x16xi32>,
    %get3A_1371 = vector.shape_cast %get3A_1370 : vector<1x1x16xi32> to vector<16xi32>
    %swap3A_1372 = arith.constant 1 : i32
    %swap3A_1373 = arith.index_cast %swap3A_1372 : i32 to index
    %swap3A_1374 = arith.constant 96 : index
    %swap3A_1375 = tpu.vector_load %arg8[%swap3A_1373, %swap3A_1374] {strides = array<i32>} : memref<3x128xi32, #tpu.memory_space<vmem>>, vector<1x16xi32>,
    %swap3A_1376 = vector.shape_cast %swap3A_1375 : vector<1x16xi32> to vector<16xi32>
    %swap3A_1377 = vector.shape_cast %get3A_1371 : vector<16xi32> to vector<1x16xi32>
    tpu.vector_store %arg8[%swap3A_1373, %swap3A_1374], %swap3A_1377 {strides = array<i32>} : memref<3x128xi32, #tpu.memory_space<vmem>>, vector<1x16xi32>,
    %get3A_1378 = arith.constant 4 : i32
    %get3A_1379 = arith.constant 1 : i32
    %get3A_1380 = arith.index_cast %get3A_1378 : i32 to index
    %get3A_1381 = arith.index_cast %get3A_1379 : i32 to index
    %get3A_1382 = arith.constant 112 : index
    %get3A_1383 = tpu.vector_load %arg7[%get3A_1380, %get3A_1381, %get3A_1382] {strides = array<i32>} : memref<5x2x128xi32, #tpu.memory_space<vmem>>, vector<1x1x16xi32>,
    %get3A_1384 = vector.shape_cast %get3A_1383 : vector<1x1x16xi32> to vector<16xi32>
    %swap3A_1385 = arith.constant 1 : i32
    %swap3A_1386 = arith.index_cast %swap3A_1385 : i32 to index
    %swap3A_1387 = arith.constant 112 : index
    %swap3A_1388 = tpu.vector_load %arg8[%swap3A_1386, %swap3A_1387] {strides = array<i32>} : memref<3x128xi32, #tpu.memory_space<vmem>>, vector<1x16xi32>,
    %swap3A_1389 = vector.shape_cast %swap3A_1388 : vector<1x16xi32> to vector<16xi32>
    %swap3A_1390 = vector.shape_cast %get3A_1384 : vector<16xi32> to vector<1x16xi32>
    tpu.vector_store %arg8[%swap3A_1386, %swap3A_1387], %swap3A_1390 {strides = array<i32>} : memref<3x128xi32, #tpu.memory_space<vmem>>, vector<1x16xi32>,
    %dma_start3A_1391 = arith.constant 1 : i32
    %dma_start3A_1392 = arith.constant 128 : i32
    %dma_start3A_1393 = arith.constant 0 : i32
    %dma_start3A_1394 = tpu.memref_slice %arg9[%dma_start3A_1392, %dma_start3A_1393] : memref<384x128xf32, #tpu.memory_space<vmem>> -> memref<128x128xf32, #tpu.memory_space<vmem>>
    %dma_start3A_1395 = arith.constant 0 : i32
    %dma_start3A_1396 = tpu.memref_slice %arg8[%dma_start3A_1391, %dma_start3A_1395] : memref<3x128xi32, #tpu.memory_space<vmem>> -> memref<1x128xi32, #tpu.memory_space<vmem>>
    %dma_start3A_1397 = tpu.memref_squeeze %dma_start3A_1396 : memref<1x128xi32, #tpu.memory_space<vmem>> -> memref<128xi32, #tpu.memory_space<vmem>>
    %dma_start3A_1398 = arith.constant 0 : i32
    %dma_start3A_1399 = arith.constant 0 : i32
    %dma_start3A_1400 = tpu.memref_slice %arg6[%dma_start3A_1398, %dma_start3A_1399] : memref<10016x128xf32, #tpu.memory_space<vmem_shared>> -> memref<10016x128xf32, #tpu.memory_space<vmem_shared>>
    tpu.enqueue_indirect_dma source(%dma_start3A_1394 : memref<128x128xf32, #tpu.memory_space<vmem>>) target(%dma_start3A_1400 : memref<10016x128xf32, #tpu.memory_space<vmem_shared>>) offsets(%dma_start3A_1397 : memref<128xi32, #tpu.memory_space<vmem>>) semaphore(%arg11 : memref<!tpu.dma_semaphore, #tpu.memory_space<semaphore_mem>>) {add = true}
    %dma_wait3A_1401 = arith.constant 0 : i32
    %dma_wait3A_1402 = arith.constant 0 : i32
    %dma_wait3A_1403 = tpu.memref_slice %arg9[%dma_wait3A_1401, %dma_wait3A_1402] : memref<384x128xf32, #tpu.memory_space<vmem>> -> memref<128x128xf32, #tpu.memory_space<vmem>>
    %dma_wait3A_1404 = arith.constant 0 : i32
    %dma_wait3A_1405 = arith.constant 0 : i32
    %dma_wait3A_1406 = tpu.memref_slice %arg6[%dma_wait3A_1404, %dma_wait3A_1405] : memref<10016x128xf32, #tpu.memory_space<vmem_shared>> -> memref<128x128xf32, #tpu.memory_space<vmem_shared>>
    %dma_wait3A_1407 = arith.constant 0 : i32
    %dma_wait3A_1408 = arith.constant 0 : i32
    %dma_wait3A_1409 = tpu.memref_slice %arg6[%dma_wait3A_1407, %dma_wait3A_1408] : memref<10016x128xf32, #tpu.memory_space<vmem_shared>> -> memref<128x128xf32, #tpu.memory_space<vmem_shared>>
    %dma_wait3A_1410 = arith.constant 0 : i32
    %dma_wait3A_1411 = arith.constant 0 : i32
    %dma_wait3A_1412 = tpu.memref_slice %arg9[%dma_wait3A_1410, %dma_wait3A_1411] : memref<384x128xf32, #tpu.memory_space<vmem>> -> memref<128x128xf32, #tpu.memory_space<vmem>>
    tpu.wait_dma2 semaphore(%arg11 : memref<!tpu.dma_semaphore, #tpu.memory_space<semaphore_mem>>) src(%dma_wait3A_1412 : memref<128x128xf32, #tpu.memory_space<vmem>>) dst(%dma_wait3A_1409 : memref<128x128xf32, #tpu.memory_space<vmem_shared>>)
    %dma_wait3A_1413 = arith.constant 0 : i32
    %dma_wait3A_1414 = arith.constant 0 : i32
    %dma_wait3A_1415 = tpu.memref_slice %arg9[%dma_wait3A_1413, %dma_wait3A_1414] : memref<384x128xf32, #tpu.memory_space<vmem>> -> memref<128x128xf32, #tpu.memory_space<vmem>>
    %dma_wait3A_1416 = arith.constant 0 : i32
    %dma_wait3A_1417 = arith.constant 0 : i32
    %dma_wait3A_1418 = tpu.memref_slice %arg6[%dma_wait3A_1416, %dma_wait3A_1417] : memref<10016x128xf32, #tpu.memory_space<vmem_shared>> -> memref<128x128xf32, #tpu.memory_space<vmem_shared>>
    %dma_wait3A_1419 = arith.constant 0 : i32
    %dma_wait3A_1420 = arith.constant 0 : i32
    %dma_wait3A_1421 = tpu.memref_slice %arg6[%dma_wait3A_1419, %dma_wait3A_1420] : memref<10016x128xf32, #tpu.memory_space<vmem_shared>> -> memref<128x128xf32, #tpu.memory_space<vmem_shared>>
    %dma_wait3A_1422 = arith.constant 0 : i32
    %dma_wait3A_1423 = arith.constant 0 : i32
    %dma_wait3A_1424 = tpu.memref_slice %arg9[%dma_wait3A_1422, %dma_wait3A_1423] : memref<384x128xf32, #tpu.memory_space<vmem>> -> memref<128x128xf32, #tpu.memory_space<vmem>>
    tpu.wait_dma2 semaphore(%arg11 : memref<!tpu.dma_semaphore, #tpu.memory_space<semaphore_mem>>) src(%dma_wait3A_1424 : memref<128x128xf32, #tpu.memory_space<vmem>>) dst(%dma_wait3A_1421 : memref<128x128xf32, #tpu.memory_space<vmem_shared>>)
    %dma_wait3A_1425 = arith.constant 0 : i32
    %dma_wait3A_1426 = arith.constant 0 : i32
    %dma_wait3A_1427 = tpu.memref_slice %arg9[%dma_wait3A_1425, %dma_wait3A_1426] : memref<384x128xf32, #tpu.memory_space<vmem>> -> memref<128x128xf32, #tpu.memory_space<vmem>>
    %dma_wait3A_1428 = arith.constant 0 : i32
    %dma_wait3A_1429 = arith.constant 0 : i32
    %dma_wait3A_1430 = tpu.memref_slice %arg6[%dma_wait3A_1428, %dma_wait3A_1429] : memref<10016x128xf32, #tpu.memory_space<vmem_shared>> -> memref<128x128xf32, #tpu.memory_space<vmem_shared>>
    %dma_wait3A_1431 = arith.constant 0 : i32
    %dma_wait3A_1432 = arith.constant 0 : i32
    %dma_wait3A_1433 = tpu.memref_slice %arg6[%dma_wait3A_1431, %dma_wait3A_1432] : memref<10016x128xf32, #tpu.memory_space<vmem_shared>> -> memref<128x128xf32, #tpu.memory_space<vmem_shared>>
    %dma_wait3A_1434 = arith.constant 0 : i32
    %dma_wait3A_1435 = arith.constant 0 : i32
    %dma_wait3A_1436 = tpu.memref_slice %arg9[%dma_wait3A_1434, %dma_wait3A_1435] : memref<384x128xf32, #tpu.memory_space<vmem>> -> memref<128x128xf32, #tpu.memory_space<vmem>>
    tpu.wait_dma2 semaphore(%arg11 : memref<!tpu.dma_semaphore, #tpu.memory_space<semaphore_mem>>) src(%dma_wait3A_1436 : memref<128x128xf32, #tpu.memory_space<vmem>>) dst(%dma_wait3A_1433 : memref<128x128xf32, #tpu.memory_space<vmem_shared>>)
    %barrier3A_1437 = arith.constant 0 : index
    tpu.barrier barrier_id(%barrier3A_1437)
    %lt3A_1438 = arith.constant 15 : i32
    %lt3A_1439 = arith.cmpi slt, %arg1, %lt3A_1438 : i32
    %convert_element_type3A_1440 = arith.extui %lt3A_1439 : i1 to i32
    %cond3A_1441 = arith.constant 0 : i32
    %cond3A_1442 = arith.cmpi ne, %convert_element_type3A_1440, %cond3A_1441 : i32
    scf.if %cond3A_1442 {
      %mul3A_1448 = arith.constant 128 : i32
      %mul3A_1449 = arith.muli %arg0, %mul3A_1448 : i32
      "tpu.region"() ({
        %run_scoped3A = tpu.sem_alloc : memref<!tpu.dma_semaphore, #tpu.memory_space<semaphore_mem>>
        %dma_start3A_1450 = tpu.memref_slice %arg5[%mul3A_0, %mul3A_1449] : memref<10000x256xf32, #tpu.memory_space<hbm>> -> memref<632x128xf32, #tpu.memory_space<hbm>>
        %dma_start3A_1451 = arith.constant 0 : i32
        %dma_start3A_1452 = tpu.memref_slice %arg6[%mul3A_0, %dma_start3A_1451] : memref<10016x128xf32, #tpu.memory_space<vmem_shared>> -> memref<632x128xf32, #tpu.memory_space<vmem_shared>>
        tpu.enqueue_dma source(%dma_start3A_1452 : memref<632x128xf32, #tpu.memory_space<vmem_shared>>) target(%dma_start3A_1450 : memref<632x128xf32, #tpu.memory_space<hbm>>) target_semaphore(%run_scoped3A : memref<!tpu.dma_semaphore, #tpu.memory_space<semaphore_mem>>)
        %dma_wait3A_1453 = tpu.memref_slice %arg5[%mul3A_0, %mul3A_1449] : memref<10000x256xf32, #tpu.memory_space<hbm>> -> memref<632x128xf32, #tpu.memory_space<hbm>>
        %dma_wait3A_1454 = arith.constant 0 : i32
        %dma_wait3A_1455 = tpu.memref_slice %arg6[%mul3A_0, %dma_wait3A_1454] : memref<10016x128xf32, #tpu.memory_space<vmem_shared>> -> memref<632x128xf32, #tpu.memory_space<vmem_shared>>
        tpu.wait_dma2 semaphore(%run_scoped3A : memref<!tpu.dma_semaphore, #tpu.memory_space<semaphore_mem>>) src(%dma_wait3A_1455 : memref<632x128xf32, #tpu.memory_space<vmem_shared>>) dst(%dma_wait3A_1453 : memref<632x128xf32, #tpu.memory_space<hbm>>)
        tpu.yield
      }) : () -> ()
    } else {
    }
    %eq3A_1443 = arith.constant 15 : i32
    %eq3A_1444 = arith.cmpi eq, %arg1, %eq3A_1443 : i32
    %convert_element_type3A_1445 = arith.extui %eq3A_1444 : i1 to i32
    %cond3A_1446 = arith.constant 0 : i32
    %cond3A_1447 = arith.cmpi ne, %convert_element_type3A_1445, %cond3A_1446 : i32
    scf.if %cond3A_1447 {
      %mul3A_1448 = arith.constant 128 : i32
      %mul3A_1449 = arith.muli %arg0, %mul3A_1448 : i32
      "tpu.region"() ({
        %run_scoped3A = tpu.sem_alloc : memref<!tpu.dma_semaphore, #tpu.memory_space<semaphore_mem>>
        %dma_start3A_1450 = tpu.memref_slice %arg5[%mul3A_0, %mul3A_1449] : memref<10000x256xf32, #tpu.memory_space<hbm>> -> memref<520x128xf32, #tpu.memory_space<hbm>>
        %dma_start3A_1451 = arith.constant 0 : i32
        %dma_start3A_1452 = tpu.memref_slice %arg6[%mul3A_0, %dma_start3A_1451] : memref<10016x128xf32, #tpu.memory_space<vmem_shared>> -> memref<520x128xf32, #tpu.memory_space<vmem_shared>>
        tpu.enqueue_dma source(%dma_start3A_1452 : memref<520x128xf32, #tpu.memory_space<vmem_shared>>) target(%dma_start3A_1450 : memref<520x128xf32, #tpu.memory_space<hbm>>) target_semaphore(%run_scoped3A : memref<!tpu.dma_semaphore, #tpu.memory_space<semaphore_mem>>)
        %dma_wait3A_1453 = tpu.memref_slice %arg5[%mul3A_0, %mul3A_1449] : memref<10000x256xf32, #tpu.memory_space<hbm>> -> memref<520x128xf32, #tpu.memory_space<hbm>>
        %dma_wait3A_1454 = arith.constant 0 : i32
        %dma_wait3A_1455 = tpu.memref_slice %arg6[%mul3A_0, %dma_wait3A_1454] : memref<10016x128xf32, #tpu.memory_space<vmem_shared>> -> memref<520x128xf32, #tpu.memory_space<vmem_shared>>
        tpu.wait_dma2 semaphore(%run_scoped3A : memref<!tpu.dma_semaphore, #tpu.memory_space<semaphore_mem>>) src(%dma_wait3A_1455 : memref<520x128xf32, #tpu.memory_space<vmem_shared>>) dst(%dma_wait3A_1453 : memref<520x128xf32, #tpu.memory_space<hbm>>)
        tpu.yield
      }) : () -> ()
    } else {
    }
    return
  }
}

module attributes {stable_mosaic.version = 14 : i64} {
  func.func @_mm_body(%arg0: i32, %arg1: i32, %arg2: memref<1000x256xf32, #tpu.memory_space<vmem>>, %arg3: memref<256x128xf32, #tpu.memory_space<vmem>>, %arg4: memref<1000x128xf32, #tpu.memory_space<vmem>>) attributes {dimension_semantics = [#tpu.dimension_semantics<arbitrary>, #tpu.dimension_semantics<arbitrary>], iteration_bounds = array<i64: 2, 10>, scalar_prefetch = 0 : i64, scratch_operands = 0 : i64, tpu.core_type = #tpu.core_type<tc>, window_params = [{transform_indices = @transform_0, window_bounds = array<i64: 1000, 256>}, {transform_indices = @transform_1, window_bounds = array<i64: 256, 128>}, {transform_indices = @transform_2, window_bounds = array<i64: 1000, 128>}]} {
    %get3A = arith.constant 0 : index
    %get3A_0 = arith.constant 0 : index
    %get3A_1 = vector.load %arg2[%get3A, %get3A_0] : memref<1000x256xf32, #tpu.memory_space<vmem>>, vector<1000x256xf32>
    %convert_element_type3A = arith.truncf %get3A_1 : vector<1000x256xf32> to vector<1000x256xbf16>
    %get3A_2 = arith.constant 0 : index
    %get3A_3 = arith.constant 0 : index
    %get3A_4 = vector.load %arg3[%get3A_2, %get3A_3] : memref<256x128xf32, #tpu.memory_space<vmem>>, vector<256x128xf32>
    %convert_element_type3A_5 = arith.truncf %get3A_4 : vector<256x128xf32> to vector<256x128xbf16>
    %dot_general3A = arith.constant dense<0.000000e+00> : vector<1000x128xf32>
    %dot_general3A_6 = tpu.matmul %convert_element_type3A, %convert_element_type3A_5, %dot_general3A {dimension_numbers = #tpu.dot_dimension_numbers<[1], [0], [0], [1], [0, 0, 1, 1], [], []>, transpose_lhs_hint = false} : vector<1000x256xbf16>, vector<256x128xbf16>, vector<1000x128xf32> -> vector<1000x128xf32>
    %swap3A = arith.constant 0 : index
    %swap3A_7 = arith.constant 0 : index
    %swap3A_8 = vector.load %arg4[%swap3A, %swap3A_7] : memref<1000x128xf32, #tpu.memory_space<vmem>>, vector<1000x128xf32>
    tpu.vector_store %arg4[%swap3A, %swap3A_7], %dot_general3A_6 {strides = array<i32>} : memref<1000x128xf32, #tpu.memory_space<vmem>>, vector<1000x128xf32>,
    return
  }
  func.func @transform_0(%arg0: i32, %arg1: i32) -> (i32, i32) {
    %c0_i32 = arith.constant 0 : i32
    %c0_i32_0 = arith.constant 0 : i32
    return %arg1, %c0_i32 : i32, i32
  }
  func.func @transform_1(%arg0: i32, %arg1: i32) -> (i32, i32) {
    %c0_i32 = arith.constant 0 : i32
    %c0_i32_0 = arith.constant 0 : i32
    return %c0_i32, %arg0 : i32, i32
  }
  func.func @transform_2(%arg0: i32, %arg1: i32) -> (i32, i32) {
    %mul3A = arith.constant 10 : i32
    %mul3A_0 = arith.muli %arg0, %mul3A : i32
    %add3A = arith.addi %mul3A_0, %arg1 : i32
    %c0_i32 = arith.constant 0 : i32
    %c0_i32_1 = arith.constant 0 : i32
    return %add3A, %c0_i32 : i32, i32
  }
}

</mosaic_0001>

<sc_bundles>
// kernel: kernel.4.cloned.1.call-start
scs
__scs_entry_jumppad:
0x0: {  	(pc) =	sbr.rel $0x88, $3  }
0x1: {  	(tag) =	ssettag $0x0;
	lr =	simm.s32 $0x1  }
0x2: {  	[smem:$0x3F9D] =	sst lr;
	_ =	strace $0xD0000000  }
0x3: {  	_ = 	snop  }
0x4: {  	_ = 	snop  }
0x5: {  	_ = 	snop  }
0x6: {  	_ = 	snop  }
0x7: {  	_ = 	snop  }
__scs_overlays_trampoline_lowered:
0x8: {  	[smem:$0x3FAC] =	sst s0  }
0x9: {  	[smem:$0x3FAD] =	sst s1  }
0xa: {  	[smem:$0x3FAE] =	sst s2  }
0xb: {  	[smem:$0x3FAF] =	sst s3  }
0xc: {  	[smem:$0x3FB0] =	sst s4  }
0xd: {  	[smem:$0x3FB1] =	sst s5  }
0xe: {  	[smem:$0x3FB2] =	sst s6  }
0xf: {  	[smem:$0x3FB3] =	sst s7  }
0x10: {  	[smem:$0x3FB4] =	sst s8  }
0x11: {  	[smem:$0x3FB5] =	sst s9;
	s0 =	simm.s32 @!p0 $0x0  }
0x12: {  	s1 =	sld [smem:$0x3F9B];
	s0 =	simm.s32 @p0 $0x1  }
0x13: {  	[smem:$0x3FB6] =	sst s0;
	s0 =	simm.s32 @!p1 $0x0  }
0x14: {  	s2 =	sld [smem:$0x3F9A];
	s0 =	simm.s32 @p1 $0x1  }
0x15: {  	[smem:$0x3FB7] =	sst s0;
	s0 =	simm.s32 @!p2 $0x0  }
0x16: {  	s3 =	sld [smem:$0x3FDB];
	s0 =	simm.s32 @p2 $0x1  }
0x17: {  	s4 =	simm.s32 $0x1BF5;
	[smem:$0x3FB9] =	sst s0  }
0x18: {  	s0 =	sld [smem:$0x3F9C];
	_ =	swait.ge [sflag:s4], $0x0  }
0x19: {  	s7 =	sld [smem:$0x3F9D]  }
0x1a: {  	s8 =	sadd.s32 $0xFFFFE003, lr  }
0x1b: {  	s9 =	sadd.s32 $0xFFFFFEF7, lr;
	s5 =	simm.s32 $0xFFFFFFFF;
	p2 =	slt.u32 s8, $0xFFFFF086  }
0x1c: {  	p1 =	slt.u32 s9, $0xF7A;
	s5 =	simm.s32 @!p2 $0x0  }
0x1d: {  	s5 =	simm.s32 @p1 $0x1;
	p0 =	seq.s32 s7, s2  }
0x1e: {  	s7 =	smul.u32 @!p0 $0xF7A, s2;
	p2 =	seq.s32 @!p0 s5, $0x0  }
0x1f: {  	s9 =	smul.u32 $0xF7A, s1;
	s8 =	simm.s32 @!p0 $0x1BF5;
	p2 =	por !p2, p0  }
0x20: {  	[sflag:s8] =	ssyncset.s32 @!p0 $0xFFFFF086;
	s6 =	sadd.s32 @!p0 s3, s7;
	s7 =	simm.s32 @!p0 $0x108  }
0x21: {  	s3 =	sadd.s32 s3, s9;
	s6 =	sadd.s32 @!p0 $0x88, s6;
	s7 =	simm.s32 @p2 $0x1082  }
0x22: {  	[simem:s7], [sflag:s8] =	dma.local @!p0 [hbm:s6], $0xF7A  }
0x23: {  	s9 =	sor.u32 $0xD0000000, s2;
	s6 =	simm.s32 $0x108;
	_ =	swait.ge @!p0 [sflag:s8], $0x0  }
0x24: {  	s3 =	sadd.s32 $0x88, s3;
	s6 =	simm.s32 @!p1 $0x1082;
	[sflag:s4] =	ssyncset.s32 $0xFFFFF086  }
0x25: {  	[simem:s6], [sflag:s4] =	dma.local [hbm:s3], $0xF7A  }
0x26: {  	[smem:$0x3F9D] =	sst s1;
	(tag) =	ssettag s2;
	_ =	strace s9  }
0x27: {  	s1 =	sld [smem:$0x3FAD]  }
0x28: {  	s2 =	sld [smem:$0x3FAE]  }
0x29: {  	s4 =	sld [smem:$0x3FB0]  }
0x2a: {  	p0 =	seq.s32 s5, $0x0;
	s5 =	sld [smem:$0x3FB1]  }
0x2b: {  	s6 =	sld [smem:$0x3FB2]  }
0x2c: {  	s7 =	sld [smem:$0x3FB3]  }
0x2d: {  	s3 =	simm.s32 $0x108;
	s8 =	sld [smem:$0x3FB4]  }
0x2e: {  	s3 =	simm.s32 @!p0 $0x1082;
	s9 =	sld [smem:$0x3FB5]  }
0x2f: {  	lr =	sadd.s32 s0, s3;
	s0 =	sld [smem:$0x3FAC]  }
0x30: {  	s3 =	sld [smem:$0x3FAF]  }
0x31: {  	[smem:$0x3FB8] =	sst s10  }
0x32: {  	s10 =	sld [smem:$0x3FB6];
	_ =	sdelay $0x3  }
0x33: {  	p0 =	seq.s32 s10, $0x1;
	s10 =	sld [smem:$0x3FB8];
	_ =	sdelay $0x3  }
0x34: {  	[smem:$0x3FB8] =	sst s10  }
0x35: {  	s10 =	sld [smem:$0x3FB7];
	_ =	sdelay $0x3  }
0x36: {  	p1 =	seq.s32 s10, $0x1;
	s10 =	sld [smem:$0x3FB8];
	_ =	sdelay $0x3  }
0x37: {  	[smem:$0x3FB8] =	sst s10  }
0x38: {  	s10 =	sld [smem:$0x3FB9]  }
0x39: {  	_ = 	snop;
	(pc) =	sbr.ind lr, $3  }
0x3a: {  	_ = 	snop  }
0x3b: {  	_ = 	snop  }
0x3c: {  	p2 =	seq.s32 s10, $0x1;
	s10 =	sld [smem:$0x3FB8]  }
0x3d: {  	_ =	shalt  }
0x3e: {  	_ =	shalt  }
0x3f: {  	_ =	shalt  }
0x40: {  	_ =	shalt  }
0x41: {  	_ =	shalt  }
0x42: {  	_ =	shalt  }
0x43: {  	_ =	shalt  }
0x44: {  	_ =	shalt  }
0x45: {  	_ =	shalt  }
0x46: {  	_ =	shalt  }
0x47: {  	_ =	shalt  }
0x48: {  	_ =	shalt  }
0x49: {  	_ =	shalt  }
0x4a: {  	_ =	shalt  }
0x4b: {  	_ =	shalt  }
0x4c: {  	_ =	shalt  }
0x4d: {  	_ =	shalt  }
0x4e: {  	_ =	shalt  }
0x4f: {  	_ =	shalt  }
0x50: {  	_ =	shalt  }
0x51: {  	_ =	shalt  }
0x52: {  	_ =	shalt  }
0x53: {  	_ =	shalt  }
0x54: {  	_ =	shalt  }
0x55: {  	_ =	shalt  }
0x56: {  	_ =	shalt  }
0x57: {  	_ =	shalt  }
0x58: {  	_ =	shalt  }
0x59: {  	_ =	shalt  }
0x5a: {  	_ =	shalt  }
0x5b: {  	_ =	shalt  }
0x5c: {  	_ =	shalt  }
0x5d: {  	_ =	shalt  }
0x5e: {  	_ =	shalt  }
0x5f: {  	_ =	shalt  }
0x60: {  	_ =	shalt  }
0x61: {  	_ =	shalt  }
0x62: {  	_ =	shalt  }
0x63: {  	_ =	shalt  }
0x64: {  	_ =	shalt  }
0x65: {  	_ =	shalt  }
0x66: {  	_ =	shalt  }
0x67: {  	_ =	shalt  }
0x68: {  	_ =	shalt  }
0x69: {  	_ =	shalt  }
0x6a: {  	_ =	shalt  }
0x6b: {  	_ =	shalt  }
0x6c: {  	_ =	shalt  }
0x6d: {  	_ =	shalt  }
0x6e: {  	_ =	shalt  }
0x6f: {  	_ =	shalt  }
0x70: {  	_ =	shalt  }
0x71: {  	_ =	shalt  }
0x72: {  	_ =	shalt  }
0x73: {  	_ =	shalt  }
0x74: {  	_ =	shalt  }
0x75: {  	_ =	shalt  }
0x76: {  	_ =	shalt  }
0x77: {  	_ =	shalt  }
0x78: {  	_ =	shalt  }
0x79: {  	_ =	shalt  }
0x7a: {  	_ =	shalt  }
0x7b: {  	_ =	shalt  }
0x7c: {  	_ =	shalt  }
0x7d: {  	_ =	shalt  }
0x7e: {  	_ =	shalt  }
0x7f: {  	_ =	shalt  }
0x80: {  	_ =	shalt  }
0x81: {  	_ =	shalt  }
0x82: {  	_ =	shalt  }
0x83: {  	_ =	shalt  }
0x84: {  	_ =	shalt  }
0x85: {  	_ =	shalt  }
0x86: {  	_ =	shalt  }
0x87: {  	_ =	shalt  }
.Lfunc_end0:
.L_simem_size_0:
called_computation_lowered:
.L_overlay_start_0:
0x88: {  	s2 =	sld [smem:$0x3FD9]  }
0x89: {  	s3 =	sld [smem:$0x3FFE];
	_ =	sdelay $0x1  }
0x8a: {  	s1 =	srdreg.scid  }
0x8b: {  	s0 =	sand.u32 $0x1, s1  }
0x8c: {  	s17 =	sshll.u32 s0, $0xA;
	s2 =	sadd.s32 s3, s2  }
0x8d: {  	s2 =	sadd.s32 s2, s17  }
0x8e: {  	[smem:$0x3FC4] =	sst s2  }
0x8f: {  	_ = 	snop  }
0x90: {  	s2 =	sld [smem:$0x3FD0];
	(tm) =	ssettm $0x1  }
0x91: {  	s18 =	sld [smem:$0x3FFB];
	_ =	sdelay $0x3  }
0x92: {  	_ =	strace s18  }
0x93: {  	s3 =	sld [smem:$0x3FFC];
	_ =	sdelay $0x3  }
0x94: {  	_ =	strace s3  }
0x95: {  	s3 =	sld [smem:$0x3FFD];
	_ =	sdelay $0x3  }
0x96: {  	_ =	strace s3  }
0x97: {  	_ =	strace $0x8FFFFFFF  }
0x98: {  	s19 =	sld [smem:$0x3FDB];
	_ =	sdelay $0x1  }
0x99: {  	s4 =	simm.s32 $_scs_section_size  }
0x9a: {  	s5 =	simm.s32 $_size__tile_overlayer_lowered;
	s6 =	simm.s32 $_tile_overlayer_lowered  }
0x9b: {  	s22 =	simm.s32 $0x1BFF;
	s21 =	sshll.u32 s6, $0x1;
	s3 =	sadd.s32 s4, s19  }
0x9c: {  	s7 =	simm.s32 $0x0;
	s20 =	sshll.u32 s5, $0x1;
	s5 =	sadd.s32 s21, s3  }
0x9d: {  	[timem:s7], [sflag:s22] =	dma.local [hbm:s5], s20  }
0x9e: {  	_ =	swait.ge [sflag:s22], s20  }
0x9f: {  	s4 =	ssub.s32 $0x0, s20;
	[sflag:s22] =	ssyncset.done $0x0  }
0xa0: {  	[sflag:s22] =	ssyncadd.s32 s4;
	_ =	sdelay $0x1  }
0xa1: {  	s23 =	simm.s32 $0x1B8B  }
0xa2: {  	_ =	swait.ge [sflag:s23], $0x1  }
0xa3: {  	[sflag:s23] =	ssyncset.done $0x0  }
0xa4: {  	s25 =	simm.s32 $0x1B8E;
	s24 =	sld [smem:$0x3FFE];
	[sflag:s23] =	ssyncadd.s32 $0xFFFFFFFF  }
0xa5: {  	s26 =	simm.s32 $execute0_lowered;
	[smem:$0x3FD2] =	sst s25  }
0xa6: {  	s5 =	sshll.u32 s26, $0x1;
	_ =	strace $0x80000046;
	[dreg:$0x1] =	wrdreg $0xFFFFFFFF  }
0xa7: {  	s28 =	simm.s32 $_size_execute0_lowered;
	s3 =	sadd.s32 s3, s5;
	[dreg:$0x0] =	wrdreg $0x0  }
0xa8: {  	s5 =	sshll.u32 s28, $0x1;
	[dreg:$0x2] =	wrdreg s3  }
0xa9: {  	[dreg:$0x3] =	wrdreg s5  }
0xaa: {  	[dreg:$0x4] =	wrdreg $0xC0  }
0xab: {  	_ =	task [dreg:s7], $0x5FFFF  }
0xac: {  	[dreg:$0x1] =	wrdreg $0xFFFFFFFF  }
0xad: {  	[dreg:$0x0] =	wrdreg $0x60  }
0xae: {  	[dreg:$0x2] =	wrdreg s24  }
0xaf: {  	[dreg:$0x3] =	wrdreg s2  }
0xb0: {  	[dreg:$0x4] =	wrdreg $0x0  }
0xb1: {  	[dreg:$0x5] =	wrdreg $0x9  }
0xb2: {  	_ =	task.clear_ibuf [dreg:s7], $0x6FFFF;
	_ =	strace $0x90000046  }
0xb3: {  	s29 =	simm.s32 $0x9;
	_ =	strace $0x80000048  }
0xb4: {  	_ =	swait.ge [sflag:s29], $0x1  }
0xb5: {  	[sflag:s29] =	ssyncadd.s32 $0xFFFFFFFF  }
0xb6: {  	_ =	strace $0x90000048  }
0xb7: {  	_ =	sfence  }
0xb8: {  	s30 =	sld [smem:$0x0];
	_ =	sdelay $0x2  }
0xb9: {  	s31 =	sshll.u32 s1, $0xD;
	s1 =	sshrl.u32 s1, $0x2  }
0xba: {  	s3 =	sand.u32 $0x4000, s31;
	s1 =	sadd.s32 s1, s30  }
0xbb: {  	s0 =	sor.u32 s3, s0;
	s1 =	sshll.u32 s1, $0x11  }
0xbc: {  	s0 =	sor.u32 s1, s0  }
0xbd: {  	s0 =	sadd.s32 $0x8F2B, s0  }
0xbe: {  	[sflag:s0] =	ssyncadd.remote.s32 $0x1  }
0xbf: {  	_ =	sfence.sel $0xFFFF  }
0xc0: {  	[dreg:$0x0] =	wrdreg $0xFFFFFFFF;
	(pc) =	sbr.abs _section_cstart, $3  }
0xc1: {  	[dreg:$0x1] =	wrdreg $0xFFFFFFFF  }
0xc2: {  	_ =	task.clear_ibuf [dreg:s7], $0x2FFFF;
	_ =	strace $0x9FFFFFFF  }
0xc3: {  	(tm) =	ssettm $0x7FFFFFFF  }
tec
execute0_lowered:
.L_overlay_start_1:
0x0: {  	(tag) =	ssettag $0x1  }
0x1: {  	s5 =	rddreg [dreg:$0x0]  }
0x2: {  	s7 =	rddreg [dreg:$0x1]  }
0x3: {  	s2 =	rddreg [dreg:$0x2]  }
0x4: {  	s3 =	simm.s32 $0x0;
	s0 =	stileid.u32;
	s4 =	srdreg.scid  }
0x5: {  	s13 =	simm.s32 $0x14000;
	s14 =	simm.s32 $0x13A00;
	s15 =	simm.s32 $0x18000  }
0x6: {  	s19 =	simm.s32 $0x1;
	s20 =	simm.s32 $0x13E00;
	s21 =	simm.s32 $0x13B00  }
0x7: {  	s22 =	simm.s32 $0x1C000;
	s23 =	simm.s32 $0x13E80;
	s24 =	simm.s32 $0x2  }
0x8: {  	s28 =	simm.s32 $0x13D00;
	s29 =	simm.s32 $0x0;
	s6 =	smul.u32 $0xA00, s0  }
0x9: {  	[smem:$0x7FF] =	sst s3;
	s8 =	sand.u32 $0x1, s4;
	s11 =	smul.u32 $0x4F000, s0  }
0xa: {  	s4 =	sadd.s32 $0xA400, s5;
	s12 =	smul.u32 $0x27800, s0;
	s16 =	sadd.s32 $0x128400, s2  }
0xb: {  	p0 =	seq.s32 s0, $0xF;
	_ =	strace $0x80000047;
	s9 =	smul.u32 $0x2780, s8  }
0xc: {  	s10 =	ssub.s32 $0x2, s8;
	s26 =	smul.u32 $0x2710, s8;
	s30 =	sshll.u32 s8, $0xA  }
0xd: {  	s8 =	sshll.u32 s8, $0x7;
	s16 =	sshrl.u32 @p0 s16, $0x3;
	s17 =	sshll.u32 @!p0 s0, $0x6  }
0xe: {  	s6 =	sadd.s32 s6, s5;
	s25 =	sshrl.u32 s10, $0x1;
	s11 =	sshrl.u32 s11, $0x2  }
0xf: {  	s31 =	sor.u32 s30, s12;
	s8 =	sadd.s32 s8, s7;
	s12 =	simm.s32 $0x80  }
0x10: {  	s17 =	sor.u32 @!p0 $0x1C03, s17;
	s9 =	sadd.s32 s9, s5;
	s10 =	ssub.s32 s10, s25  }
0x11: {  	s5 =	sadd.s32 $0x400, s6;
	s18 =	sadd.s32 s11, s2;
	s8 =	sadd.s32 $0x4A100, s8  }
0x12: {  	s11 =	simm.s32 $0x3;
	s25 =	simm.s32 $0x13C00;
	v0 =	vmov s26;
	s26 =	simm.s32 $0x13F00  }
0x13: {  	s6 =	sadd.s32 $0x58600, s9;
	s9 =	sshrl.u32 s31, $0x3;
	s18 =	sshrl.u32 @!p0 s18, $0x3  }
0x14: {  	s7 =	sadd.s32 s7, s9;
	s9 =	smax.u32 s10, $0x1;
	s10 =	simm.s32 $0x13900  }
.LBB2_1:
0x15: {  	[tilespmem:s10], [sflag:$0x3] =	stream.linear.gather [hbm4b:s5+s3], $0x500, $0x38;
	v63 =	vld [tilespmem:$0x0]  }
0x16: {  	_ =	swait.ge [sflag:s11], $0x500  }
0x17: {  	[sflag:s11] =	ssyncset.done $0x0  }
0x18: {  	[sflag:s11] =	ssyncadd.s32 $0xFFFFFB00  }
0x19: {  	v1 =	vld [tilespmem:$0x13900]  }
0x1a: {  	v2 =	vld [tilespmem:$0x13910]  }
0x1b: {  	v3 =	vld [tilespmem:$0x13920]  }
0x1c: {  	v4 =	vld [tilespmem:$0x13930]  }
0x1d: {  	v5 =	vld [tilespmem:$0x13940]  }
0x1e: {  	v6 =	vld [tilespmem:$0x13950];
	v1 =	vadd.s32 v0, v1  }
0x1f: {  	[tilespmem:$0x13900] =	vst v1;
	v1 =	vadd.s32 v0, v2;
	v2 =	vld [tilespmem:$0x13960]  }
0x20: {  	[tilespmem:$0x13910] =	vst v1;
	v1 =	vadd.s32 v0, v3;
	v3 =	vld [tilespmem:$0x13970]  }
0x21: {  	v43 =	vld [tilespmem:$0x13A00];
	[tilespmem:$0x13920] =	vst v1;
	v1 =	vadd.s32 v0, v4  }
0x22: {  	v44 =	vld [tilespmem:$0x13A10];
	[tilespmem:$0x13930] =	vst v1;
	v1 =	vadd.s32 v0, v5  }
0x23: {  	v45 =	vld [tilespmem:$0x13A20];
	[tilespmem:$0x13940] =	vst v1;
	v1 =	vadd.s32 v0, v6  }
0x24: {  	[tilespmem:$0x13950] =	vst v1;
	v1 =	vadd.s32 v0, v2;
	v2 =	vld [tilespmem:$0x13A30]  }
0x25: {  	[tilespmem:$0x13960] =	vst v1;
	v1 =	vadd.s32 v0, v3;
	v3 =	vld [tilespmem:$0x13A40]  }
0x26: {  	v46 =	vld [tilespmem:$0x13A50];
	[tilespmem:$0x13970] =	vst v1;
	v1 =	vadd.s32 v0, v43  }
0x27: {  	v47 =	vld [tilespmem:$0x13A60];
	[tilespmem:$0x13A00] =	vst v1;
	v1 =	vadd.s32 v0, v44  }
0x28: {  	v48 =	vld [tilespmem:$0x13A70];
	[tilespmem:$0x13A10] =	vst v1;
	v1 =	vadd.s32 v0, v45  }
0x29: {  	[tilespmem:$0x13A20] =	vst v1;
	v1 =	vadd.s32 v0, v2;
	v2 =	vld [tilespmem:$0x13B00]  }
0x2a: {  	[tilespmem:$0x13A30] =	vst v1;
	v1 =	vadd.s32 v0, v3;
	v3 =	vld [tilespmem:$0x13B10]  }
0x2b: {  	v49 =	vld [tilespmem:$0x13B20];
	[tilespmem:$0x13A40] =	vst v1;
	v1 =	vadd.s32 v0, v46  }
0x2c: {  	v50 =	vld [tilespmem:$0x13B30];
	[tilespmem:$0x13A50] =	vst v1;
	v1 =	vadd.s32 v0, v47  }
0x2d: {  	v51 =	vld [tilespmem:$0x13B40];
	[tilespmem:$0x13A60] =	vst v1;
	v1 =	vadd.s32 v0, v48  }
0x2e: {  	[tilespmem:$0x13A70] =	vst v1;
	v1 =	vadd.s32 v0, v2;
	v2 =	vld [tilespmem:$0x13B50]  }
0x2f: {  	[tilespmem:$0x13B00] =	vst v1;
	v1 =	vadd.s32 v0, v3;
	v3 =	vld [tilespmem:$0x13B60]  }
0x30: {  	v52 =	vld [tilespmem:$0x13B70];
	[tilespmem:$0x13B10] =	vst v1;
	v1 =	vadd.s32 v0, v49  }
0x31: {  	v53 =	vld [tilespmem:$0x13C00];
	[tilespmem:$0x13B20] =	vst v1;
	v1 =	vadd.s32 v0, v50  }
0x32: {  	v54 =	vld [tilespmem:$0x13C10];
	[tilespmem:$0x13B30] =	vst v1;
	v1 =	vadd.s32 v0, v51  }
0x33: {  	[tilespmem:$0x13B40] =	vst v1;
	v1 =	vadd.s32 v0, v2;
	v2 =	vld [tilespmem:$0x13C20]  }
0x34: {  	[tilespmem:$0x13B50] =	vst v1;
	v1 =	vadd.s32 v0, v3;
	v3 =	vld [tilespmem:$0x13C30]  }
0x35: {  	v55 =	vld [tilespmem:$0x13C40];
	[tilespmem:$0x13B60] =	vst v1;
	v1 =	vadd.s32 v0, v52  }
0x36: {  	v56 =	vld [tilespmem:$0x13C50];
	[tilespmem:$0x13B70] =	vst v1;
	v1 =	vadd.s32 v0, v53  }
0x37: {  	v57 =	vld [tilespmem:$0x13C60];
	[tilespmem:$0x13C00] =	vst v1;
	v1 =	vadd.s32 v0, v54  }
0x38: {  	[tilespmem:$0x13C10] =	vst v1;
	v1 =	vadd.s32 v0, v2;
	v2 =	vld [tilespmem:$0x13C70]  }
0x39: {  	[tilespmem:$0x13C20] =	vst v1;
	v1 =	vadd.s32 v0, v3;
	v3 =	vld [tilespmem:$0x13D00]  }
0x3a: {  	v58 =	vld [tilespmem:$0x13D10];
	[tilespmem:$0x13C30] =	vst v1;
	v1 =	vadd.s32 v0, v55  }
0x3b: {  	v59 =	vld [tilespmem:$0x13D20];
	[tilespmem:$0x13C40] =	vst v1;
	v1 =	vadd.s32 v0, v56  }
0x3c: {  	v60 =	vld [tilespmem:$0x13D30];
	[tilespmem:$0x13C50] =	vst v1;
	v1 =	vadd.s32 v0, v57  }
0x3d: {  	[tilespmem:$0x13C60] =	vst v1;
	v1 =	vadd.s32 v0, v2;
	v2 =	vld [tilespmem:$0x13D40]  }
0x3e: {  	[tilespmem:$0x13C70] =	vst v1;
	v1 =	vadd.s32 v0, v3;
	v3 =	vld [tilespmem:$0x13D50]  }
0x3f: {  	v61 =	vld [tilespmem:$0x13D60];
	[tilespmem:$0x13D00] =	vst v1;
	v1 =	vadd.s32 v0, v58  }
0x40: {  	v62 =	vld [tilespmem:$0x13D70];
	[tilespmem:$0x13D10] =	vst v1;
	v1 =	vadd.s32 v0, v59  }
0x41: {  	[tilespmem:$0x13D20] =	vst v1;
	v1 =	vadd.s32 v0, v60  }
0x42: {  	[tilespmem:$0x13D30] =	vst v1;
	v1 =	vadd.s32 v0, v2  }
0x43: {  	[tilespmem:$0x13D40] =	vst v1;
	v1 =	vadd.s32 v0, v3  }
0x44: {  	[tilespmem:$0x13D50] =	vst v1;
	v1 =	vadd.s32 v0, v61  }
0x45: {  	[tilespmem:$0x13D60] =	vst v1;
	v1 =	vadd.s32 v0, v62  }
0x46: {  	[tilespmem:$0x13D70] =	vst v1  }
0x47: {  	[tilespmem:s13], [sflag:$0x1] =	stream.indirect.gather [hbm4b:s4+s12], $0x80, s10, s12, $0xb8;
	v63 =	vld [tilespmem:$0x0]  }
0x48: {  	s30 =	simm.s32 @p0 $0x1FC3  }
0x49: {  	[tilespmem:s15], [sflag:$0x1] =	stream.indirect.gather [hbm4b:s4+s12], $0x80, s14, s12, $0xb8;
	v63 =	vld [tilespmem:$0x0]  }
0x4a: {  	[spmem:s16], [sflag:s30] =	dma.local @p0 [hbm:s6], $0x2180  }
0x4b: {  	s30 =	simm.s32 @p0 $0x3  }
0x4c: {  	_ =	swait.ge @p0 [sflag:s30], $0x2180  }
0x4d: {  	[sflag:s30] =	ssyncset.done @p0 $0x0  }
0x4e: {  	[sflag:s30] =	ssyncadd.s32 @p0 $0xFFFFDE80;
	s30 =	simm.s32 @!p0 $0x3  }
0x4f: {  	[spmem:s18], [sflag:s17] =	dma.local @!p0 [hbm:s6], $0x2780  }
0x50: {  	_ =	swait.ge @!p0 [sflag:s30], $0x2780  }
0x51: {  	[sflag:s30] =	ssyncset.done @!p0 $0x0  }
0x52: {  	[sflag:s30] =	ssyncadd.s32 @!p0 $0xFFFFD880  }
0x53: {  	s30 =	simm.s32 $0xA0;
	[bflag:$0x0] =	sbarrier.arrive $0xFFFF  }
.LBB2_2:
0x54: {  	_ =	swait.ge [sflag:s19], $0x4000  }
0x55: {  	[sflag:s19] =	ssyncset.done $0x0  }
0x56: {  	[sflag:s19] =	ssyncadd.s32 $0xFFFFC000  }
0x57: {  	v1 =	vld [tilespmem:$0x13980]  }
0x58: {  	v2 =	vld [tilespmem:$0x13990]  }
0x59: {  	v3 =	vld [tilespmem:$0x139A0]  }
0x5a: {  	v4 =	vld [tilespmem:$0x139B0]  }
0x5b: {  	v5 =	vld [tilespmem:$0x139C0]  }
0x5c: {  	[tilespmem:$0x13E00] =	vst v1;
	v1 =	vld [tilespmem:$0x139D0]  }
0x5d: {  	[tilespmem:$0x13E10] =	vst v2;
	v2 =	vld [tilespmem:$0x139E0]  }
0x5e: {  	[tilespmem:$0x13E20] =	vst v3;
	v3 =	vld [tilespmem:$0x139F0]  }
0x5f: {  	[tilespmem:$0x13E30] =	vst v4  }
0x60: {  	[tilespmem:$0x13E40] =	vst v5  }
0x61: {  	[tilespmem:$0x13E50] =	vst v1  }
0x62: {  	[tilespmem:$0x13E60] =	vst v2  }
0x63: {  	[tilespmem:$0x13E70] =	vst v3  }
0x64: {  	[spmem:s2] =	stream.indirect.scatter.add.f32 [tilespmem:s13], [sflag:$0x2], $0x80, s20, s12, $0xb8;
	v63 =	vld [tilespmem:$0x0]  }
0x65: {  	_ = 	snop  }
0x66: {  	[tilespmem:s22], [sflag:$0x1] =	stream.indirect.gather [hbm4b:s4+s12], $0x80, s21, s12, $0xb8;
	v63 =	vld [tilespmem:$0x0]  }
0x67: {  	_ =	swait.ge [sflag:s19], $0x4000  }
0x68: {  	[sflag:s19] =	ssyncset.done $0x0  }
0x69: {  	[sflag:s19] =	ssyncadd.s32 $0xFFFFC000  }
0x6a: {  	v1 =	vld [tilespmem:$0x13A80]  }
0x6b: {  	v2 =	vld [tilespmem:$0x13A90]  }
0x6c: {  	v3 =	vld [tilespmem:$0x13AA0]  }
0x6d: {  	v33 =	vld [tilespmem:$0x13AB0]  }
0x6e: {  	v34 =	vld [tilespmem:$0x13AC0]  }
0x6f: {  	[tilespmem:$0x13E80] =	vst v1;
	v1 =	vld [tilespmem:$0x13AD0]  }
0x70: {  	[tilespmem:$0x13E90] =	vst v2;
	v2 =	vld [tilespmem:$0x13AE0]  }
0x71: {  	[tilespmem:$0x13EA0] =	vst v3;
	v3 =	vld [tilespmem:$0x13AF0]  }
0x72: {  	[tilespmem:$0x13EB0] =	vst v33  }
0x73: {  	[tilespmem:$0x13EC0] =	vst v34  }
0x74: {  	[tilespmem:$0x13ED0] =	vst v1  }
0x75: {  	[tilespmem:$0x13EE0] =	vst v2  }
0x76: {  	[tilespmem:$0x13EF0] =	vst v3  }
0x77: {  	[spmem:s2] =	stream.indirect.scatter.add.f32 [tilespmem:s15], [sflag:$0x2], $0x80, s23, s12, $0xb8;
	v63 =	vld [tilespmem:$0x0]  }
0x78: {  	_ =	swait.ge [sflag:s24], $0x4000  }
0x79: {  	[sflag:s24] =	ssyncset.done $0x0  }
0x7a: {  	[sflag:s24] =	ssyncadd.s32 $0xFFFFC000  }
0x7b: {  	[tilespmem:s13], [sflag:$0x1] =	stream.indirect.gather [hbm4b:s4+s12], $0x80, s25, s12, $0xb8;
	v63 =	vld [tilespmem:$0x0]  }
0x7c: {  	_ =	swait.ge [sflag:s19], $0x4000  }
0x7d: {  	[sflag:s19] =	ssyncset.done $0x0  }
0x7e: {  	[sflag:s19] =	ssyncadd.s32 $0xFFFFC000  }
0x7f: {  	v1 =	vld [tilespmem:$0x13B80]  }
0x80: {  	v2 =	vld [tilespmem:$0x13B90]  }
0x81: {  	v3 =	vld [tilespmem:$0x13BA0]  }
0x82: {  	v35 =	vld [tilespmem:$0x13BB0]  }
0x83: {  	v36 =	vld [tilespmem:$0x13BC0]  }
0x84: {  	[tilespmem:$0x13F00] =	vst v1;
	v1 =	vld [tilespmem:$0x13BD0]  }
0x85: {  	[tilespmem:$0x13F10] =	vst v2;
	v2 =	vld [tilespmem:$0x13BE0]  }
0x86: {  	[tilespmem:$0x13F20] =	vst v3;
	v3 =	vld [tilespmem:$0x13BF0]  }
0x87: {  	[tilespmem:$0x13F30] =	vst v35  }
0x88: {  	[tilespmem:$0x13F40] =	vst v36  }
0x89: {  	[tilespmem:$0x13F50] =	vst v1  }
0x8a: {  	[tilespmem:$0x13F60] =	vst v2  }
0x8b: {  	[tilespmem:$0x13F70] =	vst v3  }
0x8c: {  	[spmem:s2] =	stream.indirect.scatter.add.f32 [tilespmem:s22], [sflag:$0x2], $0x80, s26, s12, $0xb8;
	v63 =	vld [tilespmem:$0x0]  }
0x8d: {  	_ =	swait.ge [sflag:s24], $0x4000  }
0x8e: {  	[sflag:s24] =	ssyncset.done $0x0  }
0x8f: {  	[sflag:s24] =	ssyncadd.s32 $0xFFFFC000  }
0x90: {  	[tilespmem:s15], [sflag:$0x1] =	stream.indirect.gather [hbm4b:s4+s12], $0x80, s28, s12, $0xb8;
	v63 =	vld [tilespmem:$0x0]  }
0x91: {  	_ =	swait.ge [sflag:s19], $0x4000  }
0x92: {  	[sflag:s19] =	ssyncset.done $0x0  }
0x93: {  	[sflag:s19] =	ssyncadd.s32 $0xFFFFC000  }
0x94: {  	v1 =	vld [tilespmem:$0x13C80]  }
0x95: {  	v2 =	vld [tilespmem:$0x13C90]  }
0x96: {  	v3 =	vld [tilespmem:$0x13CA0]  }
0x97: {  	v37 =	vld [tilespmem:$0x13CB0]  }
0x98: {  	v38 =	vld [tilespmem:$0x13CC0]  }
0x99: {  	[tilespmem:$0x13E00] =	vst v1;
	v1 =	vld [tilespmem:$0x13CD0]  }
0x9a: {  	[tilespmem:$0x13E10] =	vst v2;
	v2 =	vld [tilespmem:$0x13CE0]  }
0x9b: {  	[tilespmem:$0x13E20] =	vst v3;
	v3 =	vld [tilespmem:$0x13CF0]  }
0x9c: {  	[tilespmem:$0x13E30] =	vst v37  }
0x9d: {  	[tilespmem:$0x13E40] =	vst v38  }
0x9e: {  	[tilespmem:$0x13E50] =	vst v1  }
0x9f: {  	[tilespmem:$0x13E60] =	vst v2  }
0xa0: {  	[tilespmem:$0x13E70] =	vst v3  }
0xa1: {  	[spmem:s2] =	stream.indirect.scatter.add.f32 [tilespmem:s13], [sflag:$0x2], $0x80, s20, s12, $0xb8;
	v63 =	vld [tilespmem:$0x0]  }
0xa2: {  	_ =	swait.ge [sflag:s19], $0x4000  }
0xa3: {  	[sflag:s19] =	ssyncset.done $0x0  }
0xa4: {  	[sflag:s19] =	ssyncadd.s32 $0xFFFFC000  }
0xa5: {  	v1 =	vld [tilespmem:$0x13D80]  }
0xa6: {  	v2 =	vld [tilespmem:$0x13D90]  }
0xa7: {  	v3 =	vld [tilespmem:$0x13DA0]  }
0xa8: {  	v39 =	vld [tilespmem:$0x13DB0]  }
0xa9: {  	v40 =	vld [tilespmem:$0x13DC0]  }
0xaa: {  	[tilespmem:$0x13E80] =	vst v1;
	v1 =	vld [tilespmem:$0x13DD0]  }
0xab: {  	[tilespmem:$0x13E90] =	vst v2;
	v2 =	vld [tilespmem:$0x13DE0]  }
0xac: {  	[tilespmem:$0x13EA0] =	vst v3;
	v3 =	vld [tilespmem:$0x13DF0]  }
0xad: {  	[tilespmem:$0x13EB0] =	vst v39  }
0xae: {  	[tilespmem:$0x13EC0] =	vst v40  }
0xaf: {  	[tilespmem:$0x13ED0] =	vst v1  }
0xb0: {  	[tilespmem:$0x13EE0] =	vst v2  }
0xb1: {  	[tilespmem:$0x13EF0] =	vst v3  }
0xb2: {  	[spmem:s2] =	stream.indirect.scatter.add.f32 [tilespmem:s15], [sflag:$0x2], $0x80, s23, s12, $0xb8;
	v63 =	vld [tilespmem:$0x0]  }
0xb3: {  	s31 =	sadd.s32 s30, s5  }
0xb4: {  	[tilespmem:s10], [sflag:$0x3] =	stream.linear.gather [hbm4b:s31+s3], $0x500, $0x38;
	v63 =	vld [tilespmem:$0x0]  }
0xb5: {  	_ =	swait.ge [sflag:s11], $0x500  }
0xb6: {  	[sflag:s11] =	ssyncset.done $0x0  }
0xb7: {  	[sflag:s11] =	ssyncadd.s32 $0xFFFFFB00  }
0xb8: {  	v1 =	vld [tilespmem:$0x13900]  }
0xb9: {  	v2 =	vld [tilespmem:$0x13910]  }
0xba: {  	v3 =	vld [tilespmem:$0x13920]  }
0xbb: {  	v41 =	vld [tilespmem:$0x13930]  }
0xbc: {  	v42 =	vld [tilespmem:$0x13940]  }
0xbd: {  	v6 =	vld [tilespmem:$0x13950];
	v1 =	vadd.s32 v0, v1  }
0xbe: {  	[tilespmem:$0x13900] =	vst v1;
	v1 =	vadd.s32 v0, v2;
	v2 =	vld [tilespmem:$0x13960]  }
0xbf: {  	[tilespmem:$0x13910] =	vst v1;
	v1 =	vadd.s32 v0, v3;
	v3 =	vld [tilespmem:$0x13970]  }
0xc0: {  	v43 =	vld [tilespmem:$0x13A00];
	[tilespmem:$0x13920] =	vst v1;
	v1 =	vadd.s32 v0, v41  }
0xc1: {  	v44 =	vld [tilespmem:$0x13A10];
	[tilespmem:$0x13930] =	vst v1;
	v1 =	vadd.s32 v0, v42  }
0xc2: {  	v45 =	vld [tilespmem:$0x13A20];
	[tilespmem:$0x13940] =	vst v1;
	v1 =	vadd.s32 v0, v6  }
0xc3: {  	[tilespmem:$0x13950] =	vst v1;
	v1 =	vadd.s32 v0, v2;
	v2 =	vld [tilespmem:$0x13A30]  }
0xc4: {  	[tilespmem:$0x13960] =	vst v1;
	v1 =	vadd.s32 v0, v3;
	v3 =	vld [tilespmem:$0x13A40]  }
0xc5: {  	v46 =	vld [tilespmem:$0x13A50];
	[tilespmem:$0x13970] =	vst v1;
	v1 =	vadd.s32 v0, v43  }
0xc6: {  	v47 =	vld [tilespmem:$0x13A60];
	[tilespmem:$0x13A00] =	vst v1;
	v1 =	vadd.s32 v0, v44  }
0xc7: {  	v48 =	vld [tilespmem:$0x13A70];
	[tilespmem:$0x13A10] =	vst v1;
	v1 =	vadd.s32 v0, v45  }
0xc8: {  	[tilespmem:$0x13A20] =	vst v1;
	v1 =	vadd.s32 v0, v2;
	v2 =	vld [tilespmem:$0x13B00]  }
0xc9: {  	[tilespmem:$0x13A30] =	vst v1;
	v1 =	vadd.s32 v0, v3;
	v3 =	vld [tilespmem:$0x13B10]  }
0xca: {  	v49 =	vld [tilespmem:$0x13B20];
	[tilespmem:$0x13A40] =	vst v1;
	v1 =	vadd.s32 v0, v46  }
0xcb: {  	v50 =	vld [tilespmem:$0x13B30];
	[tilespmem:$0x13A50] =	vst v1;
	v1 =	vadd.s32 v0, v47  }
0xcc: {  	v51 =	vld [tilespmem:$0x13B40];
	[tilespmem:$0x13A60] =	vst v1;
	v1 =	vadd.s32 v0, v48  }
0xcd: {  	[tilespmem:$0x13A70] =	vst v1;
	v1 =	vadd.s32 v0, v2;
	v2 =	vld [tilespmem:$0x13B50]  }
0xce: {  	[tilespmem:$0x13B00] =	vst v1;
	v1 =	vadd.s32 v0, v3;
	v3 =	vld [tilespmem:$0x13B60]  }
0xcf: {  	v52 =	vld [tilespmem:$0x13B70];
	[tilespmem:$0x13B10] =	vst v1;
	v1 =	vadd.s32 v0, v49  }
0xd0: {  	v53 =	vld [tilespmem:$0x13C00];
	[tilespmem:$0x13B20] =	vst v1;
	v1 =	vadd.s32 v0, v50  }
0xd1: {  	v54 =	vld [tilespmem:$0x13C10];
	[tilespmem:$0x13B30] =	vst v1;
	v1 =	vadd.s32 v0, v51  }
0xd2: {  	[tilespmem:$0x13B40] =	vst v1;
	v1 =	vadd.s32 v0, v2;
	v2 =	vld [tilespmem:$0x13C20]  }
0xd3: {  	[tilespmem:$0x13B50] =	vst v1;
	v1 =	vadd.s32 v0, v3;
	v3 =	vld [tilespmem:$0x13C30]  }
0xd4: {  	v55 =	vld [tilespmem:$0x13C40];
	[tilespmem:$0x13B60] =	vst v1;
	v1 =	vadd.s32 v0, v52  }
0xd5: {  	v56 =	vld [tilespmem:$0x13C50];
	[tilespmem:$0x13B70] =	vst v1;
	v1 =	vadd.s32 v0, v53  }
0xd6: {  	v57 =	vld [tilespmem:$0x13C60];
	[tilespmem:$0x13C00] =	vst v1;
	v1 =	vadd.s32 v0, v54  }
0xd7: {  	[tilespmem:$0x13C10] =	vst v1;
	v1 =	vadd.s32 v0, v2;
	v2 =	vld [tilespmem:$0x13C70]  }
0xd8: {  	[tilespmem:$0x13C20] =	vst v1;
	v1 =	vadd.s32 v0, v3;
	v3 =	vld [tilespmem:$0x13D00]  }
0xd9: {  	v58 =	vld [tilespmem:$0x13D10];
	[tilespmem:$0x13C30] =	vst v1;
	v1 =	vadd.s32 v0, v55  }
0xda: {  	v59 =	vld [tilespmem:$0x13D20];
	[tilespmem:$0x13C40] =	vst v1;
	v1 =	vadd.s32 v0, v56  }
0xdb: {  	v60 =	vld [tilespmem:$0x13D30];
	[tilespmem:$0x13C50] =	vst v1;
	v1 =	vadd.s32 v0, v57  }
0xdc: {  	[tilespmem:$0x13C60] =	vst v1;
	v1 =	vadd.s32 v0, v2;
	v2 =	vld [tilespmem:$0x13D40]  }
0xdd: {  	[tilespmem:$0x13C70] =	vst v1;
	v1 =	vadd.s32 v0, v3;
	v3 =	vld [tilespmem:$0x13D50]  }
0xde: {  	v61 =	vld [tilespmem:$0x13D60];
	[tilespmem:$0x13D00] =	vst v1;
	v1 =	vadd.s32 v0, v58  }
0xdf: {  	v62 =	vld [tilespmem:$0x13D70];
	[tilespmem:$0x13D10] =	vst v1;
	v1 =	vadd.s32 v0, v59  }
0xe0: {  	[tilespmem:$0x13D20] =	vst v1;
	v1 =	vadd.s32 v0, v60  }
0xe1: {  	[tilespmem:$0x13D30] =	vst v1;
	v1 =	vadd.s32 v0, v2  }
0xe2: {  	[tilespmem:$0x13D40] =	vst v1;
	v1 =	vadd.s32 v0, v3  }
0xe3: {  	[tilespmem:$0x13D50] =	vst v1;
	v1 =	vadd.s32 v0, v61  }
0xe4: {  	[tilespmem:$0x13D60] =	vst v1;
	v1 =	vadd.s32 v0, v62  }
0xe5: {  	[tilespmem:$0x13D70] =	vst v1  }
0xe6: {  	_ =	swait.ge [sflag:s24], $0x4000  }
0xe7: {  	[sflag:s24] =	ssyncset.done $0x0  }
0xe8: {  	[sflag:s24] =	ssyncadd.s32 $0xFFFFC000  }
0xe9: {  	_ =	swait.ge [sflag:s24], $0x4000  }
0xea: {  	[sflag:s24] =	ssyncset.done $0x0  }
0xeb: {  	[sflag:s24] =	ssyncadd.s32 $0xFFFFC000  }
0xec: {  	p1 =	sne.s32 s30, $0x960;
	_ =	swait.ge [sflag:s24], $0x4000  }
.Ltmp0:
0xed: {  	[sflag:s24] =	ssyncset.done $0x0;
	(pc) =	sbr.rel @p1 .LBB2_2-.Ltmp0, $4  }
0xee: {  	[sflag:s24] =	ssyncadd.s32 $0xFFFFC000  }
0xef: {  	[tilespmem:s13], [sflag:$0x1] =	stream.indirect.gather [hbm4b:s4+s12], $0x80, s10, s12, $0xb8;
	v63 =	vld [tilespmem:$0x0]  }
0xf0: {  	s30 =	sadd.s32 $0xA0, s30  }
0xf1: {  	[tilespmem:s15], [sflag:$0x1] =	stream.indirect.gather [hbm4b:s4+s12], $0x80, s14, s12, $0xb8;
	v63 =	vld [tilespmem:$0x0]  }
0xf2: {  	_ =	swait.ge [sflag:s19], $0x4000  }
0xf3: {  	[sflag:s19] =	ssyncset.done $0x0  }
0xf4: {  	[sflag:s19] =	ssyncadd.s32 $0xFFFFC000  }
0xf5: {  	v1 =	vld [tilespmem:$0x13980]  }
0xf6: {  	v2 =	vld [tilespmem:$0x13990]  }
0xf7: {  	v3 =	vld [tilespmem:$0x139A0]  }
0xf8: {  	v4 =	vld [tilespmem:$0x139B0]  }
0xf9: {  	v5 =	vld [tilespmem:$0x139C0]  }
0xfa: {  	[tilespmem:$0x13E00] =	vst v1;
	v1 =	vld [tilespmem:$0x139D0]  }
0xfb: {  	[tilespmem:$0x13E10] =	vst v2;
	v2 =	vld [tilespmem:$0x139E0]  }
0xfc: {  	[tilespmem:$0x13E20] =	vst v3;
	v3 =	vld [tilespmem:$0x139F0]  }
0xfd: {  	[tilespmem:$0x13E30] =	vst v4  }
0xfe: {  	[tilespmem:$0x13E40] =	vst v5  }
0xff: {  	[tilespmem:$0x13E50] =	vst v1  }
0x100: {  	[tilespmem:$0x13E60] =	vst v2  }
0x101: {  	[tilespmem:$0x13E70] =	vst v3  }
0x102: {  	[spmem:s2] =	stream.indirect.scatter.add.f32 [tilespmem:s13], [sflag:$0x2], $0x80, s20, s12, $0xb8;
	v63 =	vld [tilespmem:$0x0]  }
0x103: {  	_ = 	snop  }
0x104: {  	[tilespmem:s22], [sflag:$0x1] =	stream.indirect.gather [hbm4b:s4+s12], $0x80, s21, s12, $0xb8;
	v63 =	vld [tilespmem:$0x0]  }
0x105: {  	_ =	swait.ge [sflag:s19], $0x4000  }
0x106: {  	[sflag:s19] =	ssyncset.done $0x0  }
0x107: {  	[sflag:s19] =	ssyncadd.s32 $0xFFFFC000  }
0x108: {  	v1 =	vld [tilespmem:$0x13A80]  }
0x109: {  	v2 =	vld [tilespmem:$0x13A90]  }
0x10a: {  	v3 =	vld [tilespmem:$0x13AA0]  }
0x10b: {  	v55 =	vld [tilespmem:$0x13AB0]  }
0x10c: {  	v56 =	vld [tilespmem:$0x13AC0]  }
0x10d: {  	[tilespmem:$0x13E80] =	vst v1;
	v1 =	vld [tilespmem:$0x13AD0]  }
0x10e: {  	[tilespmem:$0x13E90] =	vst v2;
	v2 =	vld [tilespmem:$0x13AE0]  }
0x10f: {  	[tilespmem:$0x13EA0] =	vst v3;
	v3 =	vld [tilespmem:$0x13AF0]  }
0x110: {  	[tilespmem:$0x13EB0] =	vst v55  }
0x111: {  	[tilespmem:$0x13EC0] =	vst v56  }
0x112: {  	[tilespmem:$0x13ED0] =	vst v1  }
0x113: {  	[tilespmem:$0x13EE0] =	vst v2  }
0x114: {  	[tilespmem:$0x13EF0] =	vst v3  }
0x115: {  	[spmem:s2] =	stream.indirect.scatter.add.f32 [tilespmem:s15], [sflag:$0x2], $0x80, s23, s12, $0xb8;
	v63 =	vld [tilespmem:$0x0]  }
0x116: {  	_ =	swait.ge [sflag:s24], $0x4000  }
0x117: {  	[sflag:s24] =	ssyncset.done $0x0  }
0x118: {  	[sflag:s24] =	ssyncadd.s32 $0xFFFFC000  }
0x119: {  	[tilespmem:s13], [sflag:$0x1] =	stream.indirect.gather [hbm4b:s4+s12], $0x80, s25, s12, $0xb8;
	v63 =	vld [tilespmem:$0x0]  }
0x11a: {  	_ =	swait.ge [sflag:s19], $0x4000  }
0x11b: {  	[sflag:s19] =	ssyncset.done $0x0  }
0x11c: {  	[sflag:s19] =	ssyncadd.s32 $0xFFFFC000  }
0x11d: {  	v1 =	vld [tilespmem:$0x13B80]  }
0x11e: {  	v2 =	vld [tilespmem:$0x13B90]  }
0x11f: {  	v3 =	vld [tilespmem:$0x13BA0]  }
0x120: {  	v57 =	vld [tilespmem:$0x13BB0]  }
0x121: {  	v58 =	vld [tilespmem:$0x13BC0]  }
0x122: {  	[tilespmem:$0x13F00] =	vst v1;
	v1 =	vld [tilespmem:$0x13BD0]  }
0x123: {  	[tilespmem:$0x13F10] =	vst v2;
	v2 =	vld [tilespmem:$0x13BE0]  }
0x124: {  	[tilespmem:$0x13F20] =	vst v3;
	v3 =	vld [tilespmem:$0x13BF0]  }
0x125: {  	[tilespmem:$0x13F30] =	vst v57  }
0x126: {  	[tilespmem:$0x13F40] =	vst v58  }
0x127: {  	[tilespmem:$0x13F50] =	vst v1  }
0x128: {  	[tilespmem:$0x13F60] =	vst v2  }
0x129: {  	[tilespmem:$0x13F70] =	vst v3  }
0x12a: {  	[spmem:s2] =	stream.indirect.scatter.add.f32 [tilespmem:s22], [sflag:$0x2], $0x80, s26, s12, $0xb8;
	v63 =	vld [tilespmem:$0x0]  }
0x12b: {  	_ =	swait.ge [sflag:s24], $0x4000  }
0x12c: {  	[sflag:s24] =	ssyncset.done $0x0  }
0x12d: {  	[sflag:s24] =	ssyncadd.s32 $0xFFFFC000  }
0x12e: {  	[tilespmem:s15], [sflag:$0x1] =	stream.indirect.gather [hbm4b:s4+s12], $0x80, s28, s12, $0xb8;
	v63 =	vld [tilespmem:$0x0]  }
0x12f: {  	_ =	swait.ge [sflag:s19], $0x4000  }
0x130: {  	[sflag:s19] =	ssyncset.done $0x0  }
0x131: {  	[sflag:s19] =	ssyncadd.s32 $0xFFFFC000  }
0x132: {  	v1 =	vld [tilespmem:$0x13C80]  }
0x133: {  	v2 =	vld [tilespmem:$0x13C90]  }
0x134: {  	v3 =	vld [tilespmem:$0x13CA0]  }
0x135: {  	v59 =	vld [tilespmem:$0x13CB0]  }
0x136: {  	v60 =	vld [tilespmem:$0x13CC0]  }
0x137: {  	[tilespmem:$0x13E00] =	vst v1;
	v1 =	vld [tilespmem:$0x13CD0]  }
0x138: {  	[tilespmem:$0x13E10] =	vst v2;
	v2 =	vld [tilespmem:$0x13CE0]  }
0x139: {  	[tilespmem:$0x13E20] =	vst v3;
	v3 =	vld [tilespmem:$0x13CF0]  }
0x13a: {  	[tilespmem:$0x13E30] =	vst v59  }
0x13b: {  	[tilespmem:$0x13E40] =	vst v60  }
0x13c: {  	[tilespmem:$0x13E50] =	vst v1  }
0x13d: {  	[tilespmem:$0x13E60] =	vst v2  }
0x13e: {  	[tilespmem:$0x13E70] =	vst v3  }
0x13f: {  	[spmem:s2] =	stream.indirect.scatter.add.f32 [tilespmem:s13], [sflag:$0x2], $0x80, s20, s12, $0xb8;
	v63 =	vld [tilespmem:$0x0]  }
0x140: {  	_ =	swait.ge [sflag:s19], $0x4000  }
0x141: {  	[sflag:s19] =	ssyncset.done $0x0  }
0x142: {  	[sflag:s19] =	ssyncadd.s32 $0xFFFFC000  }
0x143: {  	v1 =	vld [tilespmem:$0x13D80]  }
0x144: {  	v2 =	vld [tilespmem:$0x13D90]  }
0x145: {  	v3 =	vld [tilespmem:$0x13DA0]  }
0x146: {  	v61 =	vld [tilespmem:$0x13DB0]  }
0x147: {  	v62 =	vld [tilespmem:$0x13DC0]  }
0x148: {  	[tilespmem:$0x13E80] =	vst v1;
	v1 =	vld [tilespmem:$0x13DD0]  }
0x149: {  	[tilespmem:$0x13E90] =	vst v2;
	v2 =	vld [tilespmem:$0x13DE0]  }
0x14a: {  	[tilespmem:$0x13EA0] =	vst v3;
	v3 =	vld [tilespmem:$0x13DF0]  }
0x14b: {  	[tilespmem:$0x13EB0] =	vst v61  }
0x14c: {  	[tilespmem:$0x13EC0] =	vst v62  }
0x14d: {  	[tilespmem:$0x13ED0] =	vst v1  }
0x14e: {  	[tilespmem:$0x13EE0] =	vst v2  }
0x14f: {  	[tilespmem:$0x13EF0] =	vst v3  }
0x150: {  	[spmem:s2] =	stream.indirect.scatter.add.f32 [tilespmem:s15], [sflag:$0x2], $0x80, s23, s12, $0xb8;
	v63 =	vld [tilespmem:$0x0]  }
0x151: {  	_ =	swait.ge [sflag:s24], $0x4000  }
0x152: {  	[sflag:s24] =	ssyncset.done $0x0  }
0x153: {  	[sflag:s24] =	ssyncadd.s32 $0xFFFFC000  }
0x154: {  	_ =	swait.ge [sflag:s24], $0x4000  }
0x155: {  	[sflag:s24] =	ssyncset.done $0x0  }
0x156: {  	[sflag:s24] =	ssyncadd.s32 $0xFFFFC000  }
0x157: {  	_ =	swait.ge [sflag:s24], $0x4000  }
0x158: {  	[sflag:s24] =	ssyncset.done $0x0  }
0x159: {  	s30 =	simm.s32 @p0 $0x8;
	s31 =	simm.s32 @p0 $0x100;
	[sflag:s24] =	ssyncadd.s32 $0xFFFFC000  }
0x15a: {  	s0 =	simm.s32 @p0 $0x80;
	s1 =	simm.s32 @p0 $0x1FC3;
	[bflag:$0x0] =	sbarrier.arrive $0xFFFF  }
0x15b: {  	[hbm:s8@s31], [sflag:s1] =	dma.strided @p0 [spmem:s16@s0], $0x2080, s30, $0x10   }
0x15c: {  	s0 =	simm.s32 @p0 $0x3  }
0x15d: {  	s29 =	sadd.s32 $0x1, s29;
	_ =	swait.ge @p0 [sflag:s0], $0x2080  }
0x15e: {  	p1 =	sne.s32 s29, s9;
	s1 =	simm.s32 @!p0 $0x100;
	[sflag:s0] =	ssyncset.done @p0 $0x0  }
0x15f: {  	s30 =	simm.s32 @!p0 $0x80;
	[sflag:s0] =	ssyncadd.s32 @p0 $0xFFFFDF80;
	s0 =	simm.s32 @!p0 $0x8  }
0x160: {  	[hbm:s7@s1], [sflag:s17] =	dma.strided @!p0 [spmem:s18@s30], $0x2780, s0, $0x10   }
.Ltmp1:
0x161: {  	_ = 	snop;
	(pc) =	sbr.rel @p1 .LBB2_1-.Ltmp1, $4  }
0x162: {  	s0 =	simm.s32 @!p0 $0x3  }
0x163: {  	_ =	swait.ge @!p0 [sflag:s0], $0x2780  }
0x164: {  	[sflag:s0] =	ssyncset.done @!p0 $0x0  }
0x165: {  	[sflag:s0] =	ssyncadd.s32 @!p0 $0xFFFFD880  }
0x166: {  	_ =	sfence.sel $0x180000  }
0x167: {  	[bflag:$0x0] =	sbarrier.arrive $0xFFFF  }
0x168: {  	_ =	strace $0x90000047  }
0x169: {  	s0 =	stileid.u32;
	[bflag:$0x2] =	sbarrier.arrive $0xFFFF  }
0x16a: {  	p0 =	sne.s32 s0, $0x0;
	s0 =	rddreg [dreg:$0x3]  }
0x16b: {  	s0 =	sadd.s32 @!p0 $0x100000, s0  }
0x16c: {  	[sflag:s0] =	ssyncadd.tile.s32 @!p0 $0x1;
	_ =	shalt  }
.Lfunc_end2:
_tile_overlayer_lowered:
.L_overlay_start_2:
0x16d: {  	(tag) =	ssettag $0x2  }
0x16e: {  	s0 =	rddreg [dreg:$0x0];
	s2 =	stileid.u32  }
0x16f: {  	s1 =	rddreg [dreg:$0x1];
	p0 =	sne.s32 s2, $0x0  }
0x170: {  	s3 =	rddreg [dreg:$0x2];
	[bflag:$0x3] =	sbarrier.arrive $0xFFFF;
	s2 =	simm.s32 @!p0 $0x1C03  }
0x171: {  	[timem:s3], [sflag:s2] =	dma.local @!p0 [hbm:s0], s1  }
0x172: {  	s0 =	simm.s32 @!p0 $0x3  }
0x173: {  	_ =	swait.ge @!p0 [sflag:s0], s1  }
0x174: {  	s1 =	ssub.s32 @!p0 $0x0, s1;
	[sflag:s0] =	ssyncset.done @!p0 $0x0  }
0x175: {  	[sflag:s0] =	ssyncadd.s32 @!p0 s1  }
0x176: {  	[bflag:$0x3] =	sbarrier.arrive $0xFFFF  }
0x177: {  	_ =	shalt  }

</sc_bundles>
